<compile_context>
chip_gen: v7x
topology: tpu7x:2x2x1
jax: 0.10.2.dev20260603
libtpu: 0.0.44.dev20260713+nightly
codegen_flags: <defaults>
</compile_context>

<pallas_src>
import functools

import jax
import jax.numpy as jnp
from jax import lax
from jax.experimental import pallas as pl
from jax.experimental.pallas import tpu as pltpu
import jax.experimental.pallas.tpu_sc as plsc

N = 10000
E = 320000
D = 128

_NS = 16
_STRIPE = 632
_LAST = N - _STRIPE * (_NS - 1)
_CHUNK = 128
_CPT = 160
_NCHUNK = _CPT * _NS
_EPAD = _NCHUNK * _CHUNK
_NJUNK = 8
_CPD = _NCHUNK // 32
_G = 32

_sc_mesh = plsc.VectorSubcoreMesh(core_axis_name="c", subcore_axis_name="s")


@functools.partial(
    pl.kernel,
    out_type=[
        jax.ShapeDtypeStruct((N + _NJUNK,), jnp.float32),
        jax.ShapeDtypeStruct((N + _NJUNK,), jnp.float32),
    ],
    mesh=_sc_mesh,
    scratch_types=[
        pltpu.VMEM_SHARED((N + _NJUNK,), jnp.float32),
        pltpu.VMEM((_CPD, _CHUNK), jnp.int32),
        pltpu.VMEM((_CHUNK,), jnp.float32),
        pltpu.SemaphoreType.DMA,
    ],
)
def _deg_kernel(dst2_hbm, zdeg_hbm, ones_hbm, degp0_hbm, degp1_hbm,
                deg_sh, dstv_all, onesv, semd):
    cid = lax.axis_index("c")
    sid = lax.axis_index("s")

    @pl.when(sid == 0)
    def _():
        pltpu.sync_copy(zdeg_hbm, deg_sh)

    pltpu.sync_copy(ones_hbm, onesv)
    rowbase = cid * (_NCHUNK // 2) + sid * _CPD
    pltpu.sync_copy(dst2_hbm.at[pl.ds(rowbase, _CPD)], dstv_all)
    plsc.subcore_barrier()

    def fire(i, carry):
        pltpu.async_copy(onesv, deg_sh.at[dstv_all.at[i]], semd, add=True)
        return carry

    lax.fori_loop(0, _CPD, fire, 0)

    def drain(i, carry):
        pltpu.make_async_copy(onesv, deg_sh.at[dstv_all.at[i]], semd).wait()
        return carry

    lax.fori_loop(0, _CPD, drain, 0)
    plsc.subcore_barrier()

    @pl.when(sid == 0)
    def _():
        @pl.when(cid == 0)
        def _():
            pltpu.sync_copy(deg_sh, degp0_hbm)

        @pl.when(cid == 1)
        def _():
            pltpu.sync_copy(deg_sh, degp1_hbm)


@functools.partial(
    pl.kernel,
    out_type=[
        jax.ShapeDtypeStruct((N, D), jnp.float32),
        jax.ShapeDtypeStruct((N, D), jnp.float32),
    ],
    mesh=_sc_mesh,
    scratch_types=[
        pltpu.VMEM_SHARED((N + _NJUNK, D), jnp.float32),
        pltpu.VMEM((_G, _CHUNK), jnp.int32),
        pltpu.VMEM((_G, _CHUNK), jnp.int32),
        pltpu.VMEM((_CHUNK, D), jnp.float32),
        pltpu.VMEM((_CHUNK, D), jnp.float32),
        pltpu.SemaphoreType.DMA,
        pltpu.SemaphoreType.DMA,
        pltpu.SemaphoreType.DMA,
        pltpu.SemaphoreType.DMA,
    ],
)
def _scatter_kernel(tg_hbm, tu_hbm, src2_hbm, dst2_hbm, zrow_hbm,
                    accg_hbm, accu_hbm,
                    acc_sh, srcv_g, dstv_g, rows0, rows1,
                    semg0, semg1, sems0, sems1):
    cid = lax.axis_index("c")
    sid = lax.axis_index("s")

    def stripe_pieces(fn):
        base = sid * _STRIPE
        for j in range(4):
            fn(base + j * 128, 128)

        @pl.when(sid < _NS - 1)
        def _():
            fn(base + 512, 120)

        @pl.when(sid == _NS - 1)
        def _():
            fn(base + 512, 8)

    stripe_pieces(lambda row0, size: pltpu.sync_copy(
        zrow_hbm.at[pl.ds(0, size)], acc_sh.at[pl.ds(row0, size)]))

    plsc.subcore_barrier()

    def run(table_hbm):
        tilebase = sid * _CPT
        for g in range(_CPT // _G):
            gb = tilebase + g * _G
            pltpu.sync_copy(src2_hbm.at[pl.ds(gb, _G)], srcv_g)
            pltpu.sync_copy(dst2_hbm.at[pl.ds(gb, _G)], dstv_g)
            pltpu.async_copy(table_hbm.at[srcv_g.at[0]], rows0, semg0)

            def pair(p, carry):
                i0 = 2 * p
                i1 = i0 + 1
                pltpu.make_async_copy(table_hbm.at[srcv_g.at[i0]], rows0,
                                      semg0).wait()
                s0 = pltpu.async_copy(rows0, acc_sh.at[dstv_g.at[i0]], sems0,
                                      add=True)

                @pl.when(p > 0)
                def _():
                    pltpu.make_async_copy(rows1, acc_sh.at[dstv_g.at[i1 - 2]],
                                          sems1).wait()

                g1 = pltpu.async_copy(table_hbm.at[srcv_g.at[i1]], rows1,
                                      semg1)
                g1.wait()
                s1 = pltpu.async_copy(rows1, acc_sh.at[dstv_g.at[i1]], sems1,
                                      add=True)
                s0.wait()

                @pl.when(p < _G // 2 - 1)
                def _():
                    pltpu.async_copy(table_hbm.at[srcv_g.at[i0 + 2]], rows0,
                                     semg0)

                return carry

            lax.fori_loop(0, _G // 2, pair, 0)
            pltpu.make_async_copy(rows1, acc_sh.at[dstv_g.at[_G - 1]],
                                  sems1).wait()

    @pl.when(cid == 0)
    def _():
        run(tg_hbm)

    @pl.when(cid == 1)
    def _():
        run(tu_hbm)

    plsc.subcore_barrier()

    def writeout(out_hbm):
        stripe_pieces(lambda row0, size: pltpu.sync_copy(
            acc_sh.at[pl.ds(row0, size)], out_hbm.at[pl.ds(row0, size)]))

    @pl.when(cid == 0)
    def _():
        writeout(accg_hbm)

    @pl.when(cid == 1)
    def _():
        writeout(accu_hbm)


def _prep_body(x_ref, w_ref, b_ref, d0_ref, d1_ref, tg_ref, tu_ref, r_ref):
    h = jnp.dot(x_ref[...], w_ref[...], preferred_element_type=jnp.float32)
    h = h + b_ref[...]
    deg = d0_ref[...] + d1_ref[...]
    r = lax.rsqrt(jnp.maximum(deg, 1.0))
    nrm2 = jnp.sum(h * h, axis=1, keepdims=True)
    inv_n = lax.rsqrt(jnp.maximum(nrm2, 1e-24))
    tg_ref[...] = h * r
    tu_ref[...] = h * inv_n
    r_ref[...] = r


_prep_call = pl.pallas_call(
    _prep_body,
    out_shape=[
        jax.ShapeDtypeStruct((N, D), jnp.float32),
        jax.ShapeDtypeStruct((N, D), jnp.float32),
        jax.ShapeDtypeStruct((N, 1), jnp.float32),
    ],
)


def _finish_body(accg_ref, accu_ref, tu_ref, r_ref, x_ref, g_ref, be_ref,
                 out_ref, gcd_ref):
    agg = r_ref[...] * accg_ref[...]
    mean = jnp.mean(agg, axis=0, keepdims=True)
    cent = agg - mean
    var = jnp.mean(cent * cent, axis=0, keepdims=True)
    y = cent * lax.rsqrt(var + 1e-5) * g_ref[...] + be_ref[...]
    out_ref[...] = jnp.maximum(y, 0.0) + x_ref[...]
    cos_sum = jnp.sum(tu_ref[...] * accu_ref[...])
    gcd_ref[...] = jnp.reshape(1.0 - cos_sum * (1.0 / E), (1, 1))


_finish_call = pl.pallas_call(
    _finish_body,
    out_shape=[
        jax.ShapeDtypeStruct((N, D), jnp.float32),
        jax.ShapeDtypeStruct((1, 1), jnp.float32),
    ],
)


def kernel(x, edge_index, W, b, gamma, beta):
    src = edge_index[0]
    dst = edge_index[1]
    npad = _EPAD - E
    pad_src = (jnp.arange(npad, dtype=jnp.int32) * 131) % N
    pad_dst = N + (jnp.arange(npad, dtype=jnp.int32) % _NJUNK)
    src2 = jnp.concatenate([src, pad_src]).reshape(_NCHUNK, _CHUNK)
    dst2 = jnp.concatenate([dst, pad_dst]).reshape(_NCHUNK, _CHUNK)

    zdeg = jnp.zeros((N + _NJUNK,), jnp.float32)
    ones = jnp.ones((_CHUNK,), jnp.float32)
    zrow = jnp.zeros((_STRIPE, D), jnp.float32)

    degp0, degp1 = _deg_kernel(dst2, zdeg, ones)
    tg, tu, r = _prep_call(x, W, b.reshape(1, D),
                           degp0[:N].reshape(N, 1), degp1[:N].reshape(N, 1))
    accg, accu = _scatter_kernel(tg, tu, src2, dst2, zrow)
    out, gcd = _finish_call(accg, accu, tu, r, x,
                            gamma.reshape(1, D), beta.reshape(1, D))
    return out, gcd[0, 0]

# --- scband reference (transcript-rebuilt; emitter-appended) ---
"""Pipeline reference for scband-basic-sno-hgcn-53472342835569 (READ-ONLY COPY).

The authoritative reference and input builder live on the scoring server;
editing this copy changes nothing except your own understanding.
"""

import jax, jax.numpy as jnp
import numpy as np

N = 10000
E = 320000
D_IN = 128
D_OUT = 128


def setup_inputs(seed: int = 0) -> dict:
    key = jax.random.key(seed)
    k1, k2, k3 = jax.random.split(key, 3)
    x = jax.random.normal(k1, (N, D_IN), dtype=jnp.float32)
    edge_index = jax.random.randint(k2, (2, E), 0, N).astype(jnp.int32)
    # SnoHGCNconv linear weight (Glorot-ish) + bias
    W = jax.random.normal(k3, (D_IN, D_OUT), dtype=jnp.float32) * (1.0 / np.sqrt(D_IN))
    b = jnp.zeros((D_OUT,), dtype=jnp.float32)
    # BatchNorm1d affine params (training-mode batch stats used in reference)
    gamma = jnp.ones((D_OUT,), dtype=jnp.float32)
    beta = jnp.zeros((D_OUT,), dtype=jnp.float32)
    return {"x": x, "edge_index": edge_index, "W": W, "b": b, "gamma": gamma, "beta": beta}


def reference(x, edge_index, W, b, gamma, beta):
    src = edge_index[0]
    dst = edge_index[1]
    n = x.shape[0]
    # SnoHGCNconv: linear transform + symmetric-normalized aggregation
    h = x @ W + b
    deg = jnp.zeros((n,), dtype=h.dtype).at[dst].add(1.0)
    deg = jnp.clip(deg, 1.0)
    norm = jax.lax.rsqrt(deg[src]) * jax.lax.rsqrt(deg[dst])
    msg = h[src] * norm[:, None]
    agg = jnp.zeros_like(h).at[dst].add(msg)
    # graph cosine distance: mean over edges of (1 - cos_sim(h_src, h_dst))
    hs = h[src]
    hd = h[dst]
    cos = jnp.sum(hs * hd, axis=-1) / (
        jnp.linalg.norm(hs, axis=-1) * jnp.linalg.norm(hd, axis=-1) + 1e-8
    )
    graph_cos_dist = jnp.mean(1.0 - cos)
    # BatchNorm1d (training mode: batch statistics, biased variance)
    mean = jnp.mean(agg, axis=0)
    var = jnp.var(agg, axis=0)
    out = (agg - mean) * jax.lax.rsqrt(var + 1e-5) * gamma + beta
    # activation
    out = jax.nn.relu(out)
    # residual (in_channels == out_channels -> lin_mapping is identity)
    out = out + x
    return out, graph_cos_dist

if __name__ == "__main__":
    import jax
    _d = setup_inputs()
    print(jax.jit(kernel)(*tuple(_d.values())))

</pallas_src>

<mosaic_0001>
#map = affine_map<(d0, d1) -> (0, 0)>
#map1 = affine_map<(d0, d1) -> (0)>
module attributes {stable_mosaic.version = 14 : i64} {
  func.func @_deg_kernel(%arg0: i32, %arg1: i32, %arg2: memref<2560x128xi32, #tpu.memory_space<hbm>>, %arg3: memref<10008xf32, #tpu.memory_space<hbm>>, %arg4: memref<128xf32, #tpu.memory_space<hbm>>, %arg5: memref<10008xf32, #tpu.memory_space<hbm>>, %arg6: memref<10008xf32, #tpu.memory_space<hbm>>, %arg7: memref<10008xf32, #tpu.memory_space<vmem_shared>>, %arg8: memref<80x128xi32, #tpu.memory_space<vmem>>, %arg9: memref<128xf32, #tpu.memory_space<vmem>>, %arg10: memref<!tpu.dma_semaphore, #tpu.memory_space<semaphore_mem>>) attributes {dimension_semantics = [#tpu.dimension_semantics<core_parallel>, #tpu.dimension_semantics<subcore_parallel>], iteration_bounds = array<i64: 2, 16>, scalar_prefetch = 0 : i64, scratch_operands = 4 : i64, tpu.core_type = #tpu.core_type<sc_vector_subcore>, window_params = [{transform_indices = #map}, {transform_indices = #map1}, {transform_indices = #map1}, {transform_indices = #map1}, {transform_indices = #map1}]} {
    %eq3A = arith.constant 0 : i32
    %eq3A_0 = arith.cmpi eq, %arg1, %eq3A : i32
    %convert_element_type3A = arith.extui %eq3A_0 : i1 to i32
    %cond3A = arith.constant 0 : i32
    %cond3A_1 = arith.cmpi ne, %convert_element_type3A, %cond3A : i32
    scf.if %cond3A_1 {
      "tpu.region"() ({
        %run_scoped3A = tpu.sem_alloc : memref<!tpu.dma_semaphore, #tpu.memory_space<semaphore_mem>>
        tpu.enqueue_dma source(%arg3 : memref<10008xf32, #tpu.memory_space<hbm>>) target(%arg7 : memref<10008xf32, #tpu.memory_space<vmem_shared>>) target_semaphore(%run_scoped3A : memref<!tpu.dma_semaphore, #tpu.memory_space<semaphore_mem>>)
        tpu.wait_dma2 semaphore(%run_scoped3A : memref<!tpu.dma_semaphore, #tpu.memory_space<semaphore_mem>>) src(%arg3 : memref<10008xf32, #tpu.memory_space<hbm>>) dst(%arg7 : memref<10008xf32, #tpu.memory_space<vmem_shared>>)
        tpu.yield
      }) : () -> ()
    } else {
    }
    "tpu.region"() ({
      %run_scoped3A = tpu.sem_alloc : memref<!tpu.dma_semaphore, #tpu.memory_space<semaphore_mem>>
      tpu.enqueue_dma source(%arg4 : memref<128xf32, #tpu.memory_space<hbm>>) target(%arg9 : memref<128xf32, #tpu.memory_space<vmem>>) target_semaphore(%run_scoped3A : memref<!tpu.dma_semaphore, #tpu.memory_space<semaphore_mem>>)
      tpu.wait_dma2 semaphore(%run_scoped3A : memref<!tpu.dma_semaphore, #tpu.memory_space<semaphore_mem>>) src(%arg4 : memref<128xf32, #tpu.memory_space<hbm>>) dst(%arg9 : memref<128xf32, #tpu.memory_space<vmem>>)
      tpu.yield
    }) : () -> ()
    %mul3A = arith.constant 1280 : i32
    %mul3A_2 = arith.muli %arg0, %mul3A : i32
    %mul3A_3 = arith.constant 80 : i32
    %mul3A_4 = arith.muli %arg1, %mul3A_3 : i32
    %add3A = arith.addi %mul3A_2, %mul3A_4 : i32
    "tpu.region"() ({
      %run_scoped3A = tpu.sem_alloc : memref<!tpu.dma_semaphore, #tpu.memory_space<semaphore_mem>>
      %dma_start3A = arith.constant 0 : i32
      %dma_start3A_22 = tpu.memref_slice %arg2[%add3A, %dma_start3A] : memref<2560x128xi32, #tpu.memory_space<hbm>> -> memref<80x128xi32, #tpu.memory_space<hbm>>
      %dma_start3A_23 = arith.constant 0 : i32
      %dma_start3A_24 = tpu.memref_slice %arg2[%add3A, %dma_start3A_23] : memref<2560x128xi32, #tpu.memory_space<hbm>> -> memref<80x128xi32, #tpu.memory_space<hbm>>
      tpu.enqueue_dma source(%dma_start3A_24 : memref<80x128xi32, #tpu.memory_space<hbm>>) target(%arg8 : memref<80x128xi32, #tpu.memory_space<vmem>>) target_semaphore(%run_scoped3A : memref<!tpu.dma_semaphore, #tpu.memory_space<semaphore_mem>>)
      %dma_wait3A = arith.constant 0 : i32
      %dma_wait3A_25 = tpu.memref_slice %arg2[%add3A, %dma_wait3A] : memref<2560x128xi32, #tpu.memory_space<hbm>> -> memref<80x128xi32, #tpu.memory_space<hbm>>
      %dma_wait3A_26 = arith.constant 0 : i32
      %dma_wait3A_27 = tpu.memref_slice %arg2[%add3A, %dma_wait3A_26] : memref<2560x128xi32, #tpu.memory_space<hbm>> -> memref<80x128xi32, #tpu.memory_space<hbm>>
      tpu.wait_dma2 semaphore(%run_scoped3A : memref<!tpu.dma_semaphore, #tpu.memory_space<semaphore_mem>>) src(%dma_wait3A_27 : memref<80x128xi32, #tpu.memory_space<hbm>>) dst(%arg8 : memref<80x128xi32, #tpu.memory_space<vmem>>)
      tpu.yield
    }) : () -> ()
    %barrier3A = arith.constant 0 : index
    tpu.barrier barrier_id(%barrier3A)
    %scan3A = arith.constant 0 : i32
    %scan3A_5 = arith.constant 0 : i32
    %scan3A_6 = arith.constant 80 : i32
    %scan3A_7 = arith.addi %scan3A_5, %scan3A_6 : i32
    %scan3A_8 = arith.constant 1 : i32
    scf.for %scan3A_22 = %scan3A_5 to %scan3A_7 step %scan3A_8  : i32 {
      %dma_start3A = arith.constant 0 : i32
      %dma_start3A_23 = tpu.memref_slice %arg8[%scan3A_22, %dma_start3A] : memref<80x128xi32, #tpu.memory_space<vmem>> -> memref<1x128xi32, #tpu.memory_space<vmem>>
      %dma_start3A_24 = tpu.memref_squeeze %dma_start3A_23 : memref<1x128xi32, #tpu.memory_space<vmem>> -> memref<128xi32, #tpu.memory_space<vmem>>
      %dma_start3A_25 = arith.constant 0 : i32
      %dma_start3A_26 = tpu.memref_slice %arg7[%dma_start3A_25] : memref<10008xf32, #tpu.memory_space<vmem_shared>> -> memref<10008xf32, #tpu.memory_space<vmem_shared>>
      tpu.enqueue_indirect_dma source(%arg9 : memref<128xf32, #tpu.memory_space<vmem>>) target(%dma_start3A_26 : memref<10008xf32, #tpu.memory_space<vmem_shared>>) offsets(%dma_start3A_24 : memref<128xi32, #tpu.memory_space<vmem>>) semaphore(%arg10 : memref<!tpu.dma_semaphore, #tpu.memory_space<semaphore_mem>>) {add = true}
    }
    %scan3A_9 = arith.constant 80 : i32
    %scan3A_10 = arith.constant 0 : i32
    %scan3A_11 = arith.constant 0 : i32
    %scan3A_12 = arith.constant 80 : i32
    %scan3A_13 = arith.addi %scan3A_11, %scan3A_12 : i32
    %scan3A_14 = arith.constant 1 : i32
    scf.for %scan3A_22 = %scan3A_11 to %scan3A_13 step %scan3A_14  : i32 {
      %dma_wait3A = arith.constant 0 : i32
      %dma_wait3A_23 = tpu.memref_slice %arg8[%scan3A_22, %dma_wait3A] : memref<80x128xi32, #tpu.memory_space<vmem>> -> memref<1x128xi32, #tpu.memory_space<vmem>>
      %dma_wait3A_24 = tpu.memref_squeeze %dma_wait3A_23 : memref<1x128xi32, #tpu.memory_space<vmem>> -> memref<128xi32, #tpu.memory_space<vmem>>
      %dma_wait3A_25 = arith.constant 0 : i32
      %dma_wait3A_26 = tpu.memref_slice %arg7[%dma_wait3A_25] : memref<10008xf32, #tpu.memory_space<vmem_shared>> -> memref<10008xf32, #tpu.memory_space<vmem_shared>>
      tpu.wait_indirect_dma semaphore(%arg10 : memref<!tpu.dma_semaphore, #tpu.memory_space<semaphore_mem>>) src(%arg9 : memref<128xf32, #tpu.memory_space<vmem>>) dst(%dma_wait3A_26 : memref<10008xf32, #tpu.memory_space<vmem_shared>>)
    }
    %scan3A_15 = arith.constant 80 : i32
    %barrier3A_16 = arith.constant 0 : index
    tpu.barrier barrier_id(%barrier3A_16)
    %eq3A_17 = arith.constant 0 : i32
    %eq3A_18 = arith.cmpi eq, %arg1, %eq3A_17 : i32
    %convert_element_type3A_19 = arith.extui %eq3A_18 : i1 to i32
    %cond3A_20 = arith.constant 0 : i32
    %cond3A_21 = arith.cmpi ne, %convert_element_type3A_19, %cond3A_20 : i32
    scf.if %cond3A_21 {
      %eq3A_22 = arith.constant 0 : i32
      %eq3A_23 = arith.cmpi eq, %arg0, %eq3A_22 : i32
      %convert_element_type3A_24 = arith.extui %eq3A_23 : i1 to i32
      %cond3A_25 = arith.constant 0 : i32
      %cond3A_26 = arith.cmpi ne, %convert_element_type3A_24, %cond3A_25 : i32
      scf.if %cond3A_26 {
        "tpu.region"() ({
          %run_scoped3A = tpu.sem_alloc : memref<!tpu.dma_semaphore, #tpu.memory_space<semaphore_mem>>
          tpu.enqueue_dma source(%arg7 : memref<10008xf32, #tpu.memory_space<vmem_shared>>) target(%arg5 : memref<10008xf32, #tpu.memory_space<hbm>>) target_semaphore(%run_scoped3A : memref<!tpu.dma_semaphore, #tpu.memory_space<semaphore_mem>>)
          tpu.wait_dma2 semaphore(%run_scoped3A : memref<!tpu.dma_semaphore, #tpu.memory_space<semaphore_mem>>) src(%arg7 : memref<10008xf32, #tpu.memory_space<vmem_shared>>) dst(%arg5 : memref<10008xf32, #tpu.memory_space<hbm>>)
          tpu.yield
        }) : () -> ()
      } else {
      }
      %eq3A_27 = arith.constant 1 : i32
      %eq3A_28 = arith.cmpi eq, %arg0, %eq3A_27 : i32
      %convert_element_type3A_29 = arith.extui %eq3A_28 : i1 to i32
      %cond3A_30 = arith.constant 0 : i32
      %cond3A_31 = arith.cmpi ne, %convert_element_type3A_29, %cond3A_30 : i32
      scf.if %cond3A_31 {
        "tpu.region"() ({
          %run_scoped3A = tpu.sem_alloc : memref<!tpu.dma_semaphore, #tpu.memory_space<semaphore_mem>>
          tpu.enqueue_dma source(%arg7 : memref<10008xf32, #tpu.memory_space<vmem_shared>>) target(%arg6 : memref<10008xf32, #tpu.memory_space<hbm>>) target_semaphore(%run_scoped3A : memref<!tpu.dma_semaphore, #tpu.memory_space<semaphore_mem>>)
          tpu.wait_dma2 semaphore(%run_scoped3A : memref<!tpu.dma_semaphore, #tpu.memory_space<semaphore_mem>>) src(%arg7 : memref<10008xf32, #tpu.memory_space<vmem_shared>>) dst(%arg6 : memref<10008xf32, #tpu.memory_space<hbm>>)
          tpu.yield
        }) : () -> ()
      } else {
      }
    } else {
    }
    return
  }
}

#map = affine_map<(d0, d1) -> (0, 0)>
module attributes {stable_mosaic.version = 14 : i64} {
  func.func @_scatter_kernel(%arg0: i32, %arg1: i32, %arg2: memref<10000x128xf32, #tpu.memory_space<hbm>>, %arg3: memref<10000x128xf32, #tpu.memory_space<hbm>>, %arg4: memref<2560x128xi32, #tpu.memory_space<hbm>>, %arg5: memref<2560x128xi32, #tpu.memory_space<hbm>>, %arg6: memref<632x128xf32, #tpu.memory_space<hbm>>, %arg7: memref<10000x128xf32, #tpu.memory_space<hbm>>, %arg8: memref<10000x128xf32, #tpu.memory_space<hbm>>, %arg9: memref<10008x128xf32, #tpu.memory_space<vmem_shared>>, %arg10: memref<32x128xi32, #tpu.memory_space<vmem>>, %arg11: memref<32x128xi32, #tpu.memory_space<vmem>>, %arg12: memref<128x128xf32, #tpu.memory_space<vmem>>, %arg13: memref<128x128xf32, #tpu.memory_space<vmem>>, %arg14: memref<!tpu.dma_semaphore, #tpu.memory_space<semaphore_mem>>, %arg15: memref<!tpu.dma_semaphore, #tpu.memory_space<semaphore_mem>>, %arg16: memref<!tpu.dma_semaphore, #tpu.memory_space<semaphore_mem>>, %arg17: memref<!tpu.dma_semaphore, #tpu.memory_space<semaphore_mem>>) attributes {dimension_semantics = [#tpu.dimension_semantics<core_parallel>, #tpu.dimension_semantics<subcore_parallel>], iteration_bounds = array<i64: 2, 16>, scalar_prefetch = 0 : i64, scratch_operands = 9 : i64, tpu.core_type = #tpu.core_type<sc_vector_subcore>, window_params = [{transform_indices = #map}, {transform_indices = #map}, {transform_indices = #map}, {transform_indices = #map}, {transform_indices = #map}, {transform_indices = #map}, {transform_indices = #map}]} {
    %mul3A = arith.constant 632 : i32
    %mul3A_0 = arith.muli %arg1, %mul3A : i32
    %add3A = arith.constant 0 : i32
    %add3A_1 = arith.addi %mul3A_0, %add3A : i32
    "tpu.region"() ({
      %run_scoped3A = tpu.sem_alloc : memref<!tpu.dma_semaphore, #tpu.memory_space<semaphore_mem>>
      %dma_start3A = arith.constant 0 : i32
      %dma_start3A_35 = tpu.memref_slice %arg9[%add3A_1, %dma_start3A] : memref<10008x128xf32, #tpu.memory_space<vmem_shared>> -> memref<128x128xf32, #tpu.memory_space<vmem_shared>>
      %dma_start3A_36 = arith.constant 0 : i32
      %dma_start3A_37 = arith.constant 0 : i32
      %dma_start3A_38 = tpu.memref_slice %arg6[%dma_start3A_36, %dma_start3A_37] : memref<632x128xf32, #tpu.memory_space<hbm>> -> memref<128x128xf32, #tpu.memory_space<hbm>>
      tpu.enqueue_dma source(%dma_start3A_38 : memref<128x128xf32, #tpu.memory_space<hbm>>) target(%dma_start3A_35 : memref<128x128xf32, #tpu.memory_space<vmem_shared>>) target_semaphore(%run_scoped3A : memref<!tpu.dma_semaphore, #tpu.memory_space<semaphore_mem>>)
      %dma_wait3A = arith.constant 0 : i32
      %dma_wait3A_39 = tpu.memref_slice %arg9[%add3A_1, %dma_wait3A] : memref<10008x128xf32, #tpu.memory_space<vmem_shared>> -> memref<128x128xf32, #tpu.memory_space<vmem_shared>>
      %dma_wait3A_40 = arith.constant 0 : i32
      %dma_wait3A_41 = arith.constant 0 : i32
      %dma_wait3A_42 = tpu.memref_slice %arg6[%dma_wait3A_40, %dma_wait3A_41] : memref<632x128xf32, #tpu.memory_space<hbm>> -> memref<128x128xf32, #tpu.memory_space<hbm>>
      tpu.wait_dma2 semaphore(%run_scoped3A : memref<!tpu.dma_semaphore, #tpu.memory_space<semaphore_mem>>) src(%dma_wait3A_42 : memref<128x128xf32, #tpu.memory_space<hbm>>) dst(%dma_wait3A_39 : memref<128x128xf32, #tpu.memory_space<vmem_shared>>)
      tpu.yield
    }) : () -> ()
    %add3A_2 = arith.constant 128 : i32
    %add3A_3 = arith.addi %mul3A_0, %add3A_2 : i32
    "tpu.region"() ({
      %run_scoped3A = tpu.sem_alloc : memref<!tpu.dma_semaphore, #tpu.memory_space<semaphore_mem>>
      %dma_start3A = arith.constant 0 : i32
      %dma_start3A_35 = tpu.memref_slice %arg9[%add3A_3, %dma_start3A] : memref<10008x128xf32, #tpu.memory_space<vmem_shared>> -> memref<128x128xf32, #tpu.memory_space<vmem_shared>>
      %dma_start3A_36 = arith.constant 0 : i32
      %dma_start3A_37 = arith.constant 0 : i32
      %dma_start3A_38 = tpu.memref_slice %arg6[%dma_start3A_36, %dma_start3A_37] : memref<632x128xf32, #tpu.memory_space<hbm>> -> memref<128x128xf32, #tpu.memory_space<hbm>>
      tpu.enqueue_dma source(%dma_start3A_38 : memref<128x128xf32, #tpu.memory_space<hbm>>) target(%dma_start3A_35 : memref<128x128xf32, #tpu.memory_space<vmem_shared>>) target_semaphore(%run_scoped3A : memref<!tpu.dma_semaphore, #tpu.memory_space<semaphore_mem>>)
      %dma_wait3A = arith.constant 0 : i32
      %dma_wait3A_39 = tpu.memref_slice %arg9[%add3A_3, %dma_wait3A] : memref<10008x128xf32, #tpu.memory_space<vmem_shared>> -> memref<128x128xf32, #tpu.memory_space<vmem_shared>>
      %dma_wait3A_40 = arith.constant 0 : i32
      %dma_wait3A_41 = arith.constant 0 : i32
      %dma_wait3A_42 = tpu.memref_slice %arg6[%dma_wait3A_40, %dma_wait3A_41] : memref<632x128xf32, #tpu.memory_space<hbm>> -> memref<128x128xf32, #tpu.memory_space<hbm>>
      tpu.wait_dma2 semaphore(%run_scoped3A : memref<!tpu.dma_semaphore, #tpu.memory_space<semaphore_mem>>) src(%dma_wait3A_42 : memref<128x128xf32, #tpu.memory_space<hbm>>) dst(%dma_wait3A_39 : memref<128x128xf32, #tpu.memory_space<vmem_shared>>)
      tpu.yield
    }) : () -> ()
    %add3A_4 = arith.constant 256 : i32
    %add3A_5 = arith.addi %mul3A_0, %add3A_4 : i32
    "tpu.region"() ({
      %run_scoped3A = tpu.sem_alloc : memref<!tpu.dma_semaphore, #tpu.memory_space<semaphore_mem>>
      %dma_start3A = arith.constant 0 : i32
      %dma_start3A_35 = tpu.memref_slice %arg9[%add3A_5, %dma_start3A] : memref<10008x128xf32, #tpu.memory_space<vmem_shared>> -> memref<128x128xf32, #tpu.memory_space<vmem_shared>>
      %dma_start3A_36 = arith.constant 0 : i32
      %dma_start3A_37 = arith.constant 0 : i32
      %dma_start3A_38 = tpu.memref_slice %arg6[%dma_start3A_36, %dma_start3A_37] : memref<632x128xf32, #tpu.memory_space<hbm>> -> memref<128x128xf32, #tpu.memory_space<hbm>>
      tpu.enqueue_dma source(%dma_start3A_38 : memref<128x128xf32, #tpu.memory_space<hbm>>) target(%dma_start3A_35 : memref<128x128xf32, #tpu.memory_space<vmem_shared>>) target_semaphore(%run_scoped3A : memref<!tpu.dma_semaphore, #tpu.memory_space<semaphore_mem>>)
      %dma_wait3A = arith.constant 0 : i32
      %dma_wait3A_39 = tpu.memref_slice %arg9[%add3A_5, %dma_wait3A] : memref<10008x128xf32, #tpu.memory_space<vmem_shared>> -> memref<128x128xf32, #tpu.memory_space<vmem_shared>>
      %dma_wait3A_40 = arith.constant 0 : i32
      %dma_wait3A_41 = arith.constant 0 : i32
      %dma_wait3A_42 = tpu.memref_slice %arg6[%dma_wait3A_40, %dma_wait3A_41] : memref<632x128xf32, #tpu.memory_space<hbm>> -> memref<128x128xf32, #tpu.memory_space<hbm>>
      tpu.wait_dma2 semaphore(%run_scoped3A : memref<!tpu.dma_semaphore, #tpu.memory_space<semaphore_mem>>) src(%dma_wait3A_42 : memref<128x128xf32, #tpu.memory_space<hbm>>) dst(%dma_wait3A_39 : memref<128x128xf32, #tpu.memory_space<vmem_shared>>)
      tpu.yield
    }) : () -> ()
    %add3A_6 = arith.constant 384 : i32
    %add3A_7 = arith.addi %mul3A_0, %add3A_6 : i32
    "tpu.region"() ({
      %run_scoped3A = tpu.sem_alloc : memref<!tpu.dma_semaphore, #tpu.memory_space<semaphore_mem>>
      %dma_start3A = arith.constant 0 : i32
      %dma_start3A_35 = tpu.memref_slice %arg9[%add3A_7, %dma_start3A] : memref<10008x128xf32, #tpu.memory_space<vmem_shared>> -> memref<128x128xf32, #tpu.memory_space<vmem_shared>>
      %dma_start3A_36 = arith.constant 0 : i32
      %dma_start3A_37 = arith.constant 0 : i32
      %dma_start3A_38 = tpu.memref_slice %arg6[%dma_start3A_36, %dma_start3A_37] : memref<632x128xf32, #tpu.memory_space<hbm>> -> memref<128x128xf32, #tpu.memory_space<hbm>>
      tpu.enqueue_dma source(%dma_start3A_38 : memref<128x128xf32, #tpu.memory_space<hbm>>) target(%dma_start3A_35 : memref<128x128xf32, #tpu.memory_space<vmem_shared>>) target_semaphore(%run_scoped3A : memref<!tpu.dma_semaphore, #tpu.memory_space<semaphore_mem>>)
      %dma_wait3A = arith.constant 0 : i32
      %dma_wait3A_39 = tpu.memref_slice %arg9[%add3A_7, %dma_wait3A] : memref<10008x128xf32, #tpu.memory_space<vmem_shared>> -> memref<128x128xf32, #tpu.memory_space<vmem_shared>>
      %dma_wait3A_40 = arith.constant 0 : i32
      %dma_wait3A_41 = arith.constant 0 : i32
      %dma_wait3A_42 = tpu.memref_slice %arg6[%dma_wait3A_40, %dma_wait3A_41] : memref<632x128xf32, #tpu.memory_space<hbm>> -> memref<128x128xf32, #tpu.memory_space<hbm>>
      tpu.wait_dma2 semaphore(%run_scoped3A : memref<!tpu.dma_semaphore, #tpu.memory_space<semaphore_mem>>) src(%dma_wait3A_42 : memref<128x128xf32, #tpu.memory_space<hbm>>) dst(%dma_wait3A_39 : memref<128x128xf32, #tpu.memory_space<vmem_shared>>)
      tpu.yield
    }) : () -> ()
    %lt3A = arith.constant 15 : i32
    %lt3A_8 = arith.cmpi slt, %arg1, %lt3A : i32
    %convert_element_type3A = arith.extui %lt3A_8 : i1 to i32
    %cond3A = arith.constant 0 : i32
    %cond3A_9 = arith.cmpi ne, %convert_element_type3A, %cond3A : i32
    scf.if %cond3A_9 {
      %add3A_35 = arith.constant 512 : i32
      %add3A_36 = arith.addi %mul3A_0, %add3A_35 : i32
      "tpu.region"() ({
        %run_scoped3A = tpu.sem_alloc : memref<!tpu.dma_semaphore, #tpu.memory_space<semaphore_mem>>
        %dma_start3A = arith.constant 0 : i32
        %dma_start3A_37 = tpu.memref_slice %arg9[%add3A_36, %dma_start3A] : memref<10008x128xf32, #tpu.memory_space<vmem_shared>> -> memref<120x128xf32, #tpu.memory_space<vmem_shared>>
        %dma_start3A_38 = arith.constant 0 : i32
        %dma_start3A_39 = arith.constant 0 : i32
        %dma_start3A_40 = tpu.memref_slice %arg6[%dma_start3A_38, %dma_start3A_39] : memref<632x128xf32, #tpu.memory_space<hbm>> -> memref<120x128xf32, #tpu.memory_space<hbm>>
        tpu.enqueue_dma source(%dma_start3A_40 : memref<120x128xf32, #tpu.memory_space<hbm>>) target(%dma_start3A_37 : memref<120x128xf32, #tpu.memory_space<vmem_shared>>) target_semaphore(%run_scoped3A : memref<!tpu.dma_semaphore, #tpu.memory_space<semaphore_mem>>)
        %dma_wait3A = arith.constant 0 : i32
        %dma_wait3A_41 = tpu.memref_slice %arg9[%add3A_36, %dma_wait3A] : memref<10008x128xf32, #tpu.memory_space<vmem_shared>> -> memref<120x128xf32, #tpu.memory_space<vmem_shared>>
        %dma_wait3A_42 = arith.constant 0 : i32
        %dma_wait3A_43 = arith.constant 0 : i32
        %dma_wait3A_44 = tpu.memref_slice %arg6[%dma_wait3A_42, %dma_wait3A_43] : memref<632x128xf32, #tpu.memory_space<hbm>> -> memref<120x128xf32, #tpu.memory_space<hbm>>
        tpu.wait_dma2 semaphore(%run_scoped3A : memref<!tpu.dma_semaphore, #tpu.memory_space<semaphore_mem>>) src(%dma_wait3A_44 : memref<120x128xf32, #tpu.memory_space<hbm>>) dst(%dma_wait3A_41 : memref<120x128xf32, #tpu.memory_space<vmem_shared>>)
        tpu.yield
      }) : () -> ()
    } else {
    }
    %eq3A = arith.constant 15 : i32
    %eq3A_10 = arith.cmpi eq, %arg1, %eq3A : i32
    %convert_element_type3A_11 = arith.extui %eq3A_10 : i1 to i32
    %cond3A_12 = arith.constant 0 : i32
    %cond3A_13 = arith.cmpi ne, %convert_element_type3A_11, %cond3A_12 : i32
    scf.if %cond3A_13 {
      %add3A_35 = arith.constant 512 : i32
      %add3A_36 = arith.addi %mul3A_0, %add3A_35 : i32
      "tpu.region"() ({
        %run_scoped3A = tpu.sem_alloc : memref<!tpu.dma_semaphore, #tpu.memory_space<semaphore_mem>>
        %dma_start3A = arith.constant 0 : i32
        %dma_start3A_37 = tpu.memref_slice %arg9[%add3A_36, %dma_start3A] : memref<10008x128xf32, #tpu.memory_space<vmem_shared>> -> memref<8x128xf32, #tpu.memory_space<vmem_shared>>
        %dma_start3A_38 = arith.constant 0 : i32
        %dma_start3A_39 = arith.constant 0 : i32
        %dma_start3A_40 = tpu.memref_slice %arg6[%dma_start3A_38, %dma_start3A_39] : memref<632x128xf32, #tpu.memory_space<hbm>> -> memref<8x128xf32, #tpu.memory_space<hbm>>
        tpu.enqueue_dma source(%dma_start3A_40 : memref<8x128xf32, #tpu.memory_space<hbm>>) target(%dma_start3A_37 : memref<8x128xf32, #tpu.memory_space<vmem_shared>>) target_semaphore(%run_scoped3A : memref<!tpu.dma_semaphore, #tpu.memory_space<semaphore_mem>>)
        %dma_wait3A = arith.constant 0 : i32
        %dma_wait3A_41 = tpu.memref_slice %arg9[%add3A_36, %dma_wait3A] : memref<10008x128xf32, #tpu.memory_space<vmem_shared>> -> memref<8x128xf32, #tpu.memory_space<vmem_shared>>
        %dma_wait3A_42 = arith.constant 0 : i32
        %dma_wait3A_43 = arith.constant 0 : i32
        %dma_wait3A_44 = tpu.memref_slice %arg6[%dma_wait3A_42, %dma_wait3A_43] : memref<632x128xf32, #tpu.memory_space<hbm>> -> memref<8x128xf32, #tpu.memory_space<hbm>>
        tpu.wait_dma2 semaphore(%run_scoped3A : memref<!tpu.dma_semaphore, #tpu.memory_space<semaphore_mem>>) src(%dma_wait3A_44 : memref<8x128xf32, #tpu.memory_space<hbm>>) dst(%dma_wait3A_41 : memref<8x128xf32, #tpu.memory_space<vmem_shared>>)
        tpu.yield
      }) : () -> ()
    } else {
    }
    %barrier3A = arith.constant 0 : index
    tpu.barrier barrier_id(%barrier3A)
    %eq3A_14 = arith.constant 0 : i32
    %eq3A_15 = arith.cmpi eq, %arg0, %eq3A_14 : i32
    %convert_element_type3A_16 = arith.extui %eq3A_15 : i1 to i32
    %cond3A_17 = arith.constant 0 : i32
    %cond3A_18 = arith.cmpi ne, %convert_element_type3A_16, %cond3A_17 : i32
    scf.if %cond3A_18 {
      %mul3A_35 = arith.constant 160 : i32
      %mul3A_36 = arith.muli %arg1, %mul3A_35 : i32
      %add3A_37 = arith.constant 0 : i32
      %add3A_38 = arith.addi %mul3A_36, %add3A_37 : i32
      "tpu.region"() ({
        %run_scoped3A = tpu.sem_alloc : memref<!tpu.dma_semaphore, #tpu.memory_space<semaphore_mem>>
        %dma_start3A_144 = arith.constant 0 : i32
        %dma_start3A_145 = tpu.memref_slice %arg4[%add3A_38, %dma_start3A_144] : memref<2560x128xi32, #tpu.memory_space<hbm>> -> memref<32x128xi32, #tpu.memory_space<hbm>>
        %dma_start3A_146 = arith.constant 0 : i32
        %dma_start3A_147 = tpu.memref_slice %arg4[%add3A_38, %dma_start3A_146] : memref<2560x128xi32, #tpu.memory_space<hbm>> -> memref<32x128xi32, #tpu.memory_space<hbm>>
        tpu.enqueue_dma source(%dma_start3A_147 : memref<32x128xi32, #tpu.memory_space<hbm>>) target(%arg10 : memref<32x128xi32, #tpu.memory_space<vmem>>) target_semaphore(%run_scoped3A : memref<!tpu.dma_semaphore, #tpu.memory_space<semaphore_mem>>)
        %dma_wait3A_148 = arith.constant 0 : i32
        %dma_wait3A_149 = tpu.memref_slice %arg4[%add3A_38, %dma_wait3A_148] : memref<2560x128xi32, #tpu.memory_space<hbm>> -> memref<32x128xi32, #tpu.memory_space<hbm>>
        %dma_wait3A_150 = arith.constant 0 : i32
        %dma_wait3A_151 = tpu.memref_slice %arg4[%add3A_38, %dma_wait3A_150] : memref<2560x128xi32, #tpu.memory_space<hbm>> -> memref<32x128xi32, #tpu.memory_space<hbm>>
        tpu.wait_dma2 semaphore(%run_scoped3A : memref<!tpu.dma_semaphore, #tpu.memory_space<semaphore_mem>>) src(%dma_wait3A_151 : memref<32x128xi32, #tpu.memory_space<hbm>>) dst(%arg10 : memref<32x128xi32, #tpu.memory_space<vmem>>)
        tpu.yield
      }) : () -> ()
      "tpu.region"() ({
        %run_scoped3A = tpu.sem_alloc : memref<!tpu.dma_semaphore, #tpu.memory_space<semaphore_mem>>
        %dma_start3A_144 = arith.constant 0 : i32
        %dma_start3A_145 = tpu.memref_slice %arg5[%add3A_38, %dma_start3A_144] : memref<2560x128xi32, #tpu.memory_space<hbm>> -> memref<32x128xi32, #tpu.memory_space<hbm>>
        %dma_start3A_146 = arith.constant 0 : i32
        %dma_start3A_147 = tpu.memref_slice %arg5[%add3A_38, %dma_start3A_146] : memref<2560x128xi32, #tpu.memory_space<hbm>> -> memref<32x128xi32, #tpu.memory_space<hbm>>
        tpu.enqueue_dma source(%dma_start3A_147 : memref<32x128xi32, #tpu.memory_space<hbm>>) target(%arg11 : memref<32x128xi32, #tpu.memory_space<vmem>>) target_semaphore(%run_scoped3A : memref<!tpu.dma_semaphore, #tpu.memory_space<semaphore_mem>>)
        %dma_wait3A_148 = arith.constant 0 : i32
        %dma_wait3A_149 = tpu.memref_slice %arg5[%add3A_38, %dma_wait3A_148] : memref<2560x128xi32, #tpu.memory_space<hbm>> -> memref<32x128xi32, #tpu.memory_space<hbm>>
        %dma_wait3A_150 = arith.constant 0 : i32
        %dma_wait3A_151 = tpu.memref_slice %arg5[%add3A_38, %dma_wait3A_150] : memref<2560x128xi32, #tpu.memory_space<hbm>> -> memref<32x128xi32, #tpu.memory_space<hbm>>
        tpu.wait_dma2 semaphore(%run_scoped3A : memref<!tpu.dma_semaphore, #tpu.memory_space<semaphore_mem>>) src(%dma_wait3A_151 : memref<32x128xi32, #tpu.memory_space<hbm>>) dst(%arg11 : memref<32x128xi32, #tpu.memory_space<vmem>>)
        tpu.yield
      }) : () -> ()
      %dma_start3A = arith.constant 0 : i32
      %dma_start3A_39 = arith.constant 0 : i32
      %dma_start3A_40 = tpu.memref_slice %arg10[%dma_start3A, %dma_start3A_39] : memref<32x128xi32, #tpu.memory_space<vmem>> -> memref<1x128xi32, #tpu.memory_space<vmem>>
      %dma_start3A_41 = tpu.memref_squeeze %dma_start3A_40 : memref<1x128xi32, #tpu.memory_space<vmem>> -> memref<128xi32, #tpu.memory_space<vmem>>
      %dma_start3A_42 = arith.constant 0 : i32
      %dma_start3A_43 = arith.constant 0 : i32
      %dma_start3A_44 = tpu.memref_slice %arg2[%dma_start3A_42, %dma_start3A_43] : memref<10000x128xf32, #tpu.memory_space<hbm>> -> memref<10000x128xf32, #tpu.memory_space<hbm>>
      tpu.enqueue_indirect_dma source(%dma_start3A_44 : memref<10000x128xf32, #tpu.memory_space<hbm>>) target(%arg12 : memref<128x128xf32, #tpu.memory_space<vmem>>) offsets(%dma_start3A_41 : memref<128xi32, #tpu.memory_space<vmem>>) semaphore(%arg14 : memref<!tpu.dma_semaphore, #tpu.memory_space<semaphore_mem>>)
      %scan3A = arith.constant 0 : i32
      %scan3A_45 = arith.constant 0 : i32
      %scan3A_46 = arith.constant 16 : i32
      %scan3A_47 = arith.addi %scan3A_45, %scan3A_46 : i32
      %scan3A_48 = arith.constant 1 : i32
      scf.for %scan3A_144 = %scan3A_45 to %scan3A_47 step %scan3A_48  : i32 {
        %mul3A_145 = arith.constant 2 : i32
        %mul3A_146 = arith.muli %mul3A_145, %scan3A_144 : i32
        %add3A_147 = arith.constant 1 : i32
        %add3A_148 = arith.addi %mul3A_146, %add3A_147 : i32
        %dma_wait3A_149 = arith.constant 0 : i32
        %dma_wait3A_150 = tpu.memref_slice %arg10[%mul3A_146, %dma_wait3A_149] : memref<32x128xi32, #tpu.memory_space<vmem>> -> memref<1x128xi32, #tpu.memory_space<vmem>>
        %dma_wait3A_151 = tpu.memref_squeeze %dma_wait3A_150 : memref<1x128xi32, #tpu.memory_space<vmem>> -> memref<128xi32, #tpu.memory_space<vmem>>
        %dma_wait3A_152 = arith.constant 0 : i32
        %dma_wait3A_153 = arith.constant 0 : i32
        %dma_wait3A_154 = tpu.memref_slice %arg2[%dma_wait3A_152, %dma_wait3A_153] : memref<10000x128xf32, #tpu.memory_space<hbm>> -> memref<10000x128xf32, #tpu.memory_space<hbm>>
        tpu.wait_indirect_dma semaphore(%arg14 : memref<!tpu.dma_semaphore, #tpu.memory_space<semaphore_mem>>) src(%dma_wait3A_154 : memref<10000x128xf32, #tpu.memory_space<hbm>>) dst(%arg12 : memref<128x128xf32, #tpu.memory_space<vmem>>)
        %dma_start3A_155 = arith.constant 0 : i32
        %dma_start3A_156 = tpu.memref_slice %arg11[%mul3A_146, %dma_start3A_155] : memref<32x128xi32, #tpu.memory_space<vmem>> -> memref<1x128xi32, #tpu.memory_space<vmem>>
        %dma_start3A_157 = tpu.memref_squeeze %dma_start3A_156 : memref<1x128xi32, #tpu.memory_space<vmem>> -> memref<128xi32, #tpu.memory_space<vmem>>
        %dma_start3A_158 = arith.constant 0 : i32
        %dma_start3A_159 = arith.constant 0 : i32
        %dma_start3A_160 = tpu.memref_slice %arg9[%dma_start3A_158, %dma_start3A_159] : memref<10008x128xf32, #tpu.memory_space<vmem_shared>> -> memref<10008x128xf32, #tpu.memory_space<vmem_shared>>
        tpu.enqueue_indirect_dma source(%arg12 : memref<128x128xf32, #tpu.memory_space<vmem>>) target(%dma_start3A_160 : memref<10008x128xf32, #tpu.memory_space<vmem_shared>>) offsets(%dma_start3A_157 : memref<128xi32, #tpu.memory_space<vmem>>) semaphore(%arg16 : memref<!tpu.dma_semaphore, #tpu.memory_space<semaphore_mem>>) {add = true}
        %gt3A = arith.constant 0 : i32
        %gt3A_161 = arith.cmpi sgt, %scan3A_144, %gt3A : i32
        %convert_element_type3A_162 = arith.extui %gt3A_161 : i1 to i32
        %cond3A_163 = arith.constant 0 : i32
        %cond3A_164 = arith.cmpi ne, %convert_element_type3A_162, %cond3A_163 : i32
        scf.if %cond3A_164 {
          %sub3A = arith.constant 2 : i32
          %sub3A_194 = arith.subi %add3A_148, %sub3A : i32
          %dma_wait3A_195 = arith.constant 0 : i32
          %dma_wait3A_196 = tpu.memref_slice %arg11[%sub3A_194, %dma_wait3A_195] : memref<32x128xi32, #tpu.memory_space<vmem>> -> memref<1x128xi32, #tpu.memory_space<vmem>>
          %dma_wait3A_197 = tpu.memref_squeeze %dma_wait3A_196 : memref<1x128xi32, #tpu.memory_space<vmem>> -> memref<128xi32, #tpu.memory_space<vmem>>
          %dma_wait3A_198 = arith.constant 0 : i32
          %dma_wait3A_199 = arith.constant 0 : i32
          %dma_wait3A_200 = tpu.memref_slice %arg9[%dma_wait3A_198, %dma_wait3A_199] : memref<10008x128xf32, #tpu.memory_space<vmem_shared>> -> memref<10008x128xf32, #tpu.memory_space<vmem_shared>>
          tpu.wait_indirect_dma semaphore(%arg17 : memref<!tpu.dma_semaphore, #tpu.memory_space<semaphore_mem>>) src(%arg13 : memref<128x128xf32, #tpu.memory_space<vmem>>) dst(%dma_wait3A_200 : memref<10008x128xf32, #tpu.memory_space<vmem_shared>>)
        } else {
        }
        %dma_start3A_165 = arith.constant 0 : i32
        %dma_start3A_166 = tpu.memref_slice %arg10[%add3A_148, %dma_start3A_165] : memref<32x128xi32, #tpu.memory_space<vmem>> -> memref<1x128xi32, #tpu.memory_space<vmem>>
        %dma_start3A_167 = tpu.memref_squeeze %dma_start3A_166 : memref<1x128xi32, #tpu.memory_space<vmem>> -> memref<128xi32, #tpu.memory_space<vmem>>
        %dma_start3A_168 = arith.constant 0 : i32
        %dma_start3A_169 = arith.constant 0 : i32
        %dma_start3A_170 = tpu.memref_slice %arg2[%dma_start3A_168, %dma_start3A_169] : memref<10000x128xf32, #tpu.memory_space<hbm>> -> memref<10000x128xf32, #tpu.memory_space<hbm>>
        tpu.enqueue_indirect_dma source(%dma_start3A_170 : memref<10000x128xf32, #tpu.memory_space<hbm>>) target(%arg13 : memref<128x128xf32, #tpu.memory_space<vmem>>) offsets(%dma_start3A_167 : memref<128xi32, #tpu.memory_space<vmem>>) semaphore(%arg15 : memref<!tpu.dma_semaphore, #tpu.memory_space<semaphore_mem>>)
        %dma_wait3A_171 = arith.constant 0 : i32
        %dma_wait3A_172 = tpu.memref_slice %arg10[%add3A_148, %dma_wait3A_171] : memref<32x128xi32, #tpu.memory_space<vmem>> -> memref<1x128xi32, #tpu.memory_space<vmem>>
        %dma_wait3A_173 = tpu.memref_squeeze %dma_wait3A_172 : memref<1x128xi32, #tpu.memory_space<vmem>> -> memref<128xi32, #tpu.memory_space<vmem>>
        %dma_wait3A_174 = arith.constant 0 : i32
        %dma_wait3A_175 = arith.constant 0 : i32
        %dma_wait3A_176 = tpu.memref_slice %arg2[%dma_wait3A_174, %dma_wait3A_175] : memref<10000x128xf32, #tpu.memory_space<hbm>> -> memref<10000x128xf32, #tpu.memory_space<hbm>>
        tpu.wait_indirect_dma semaphore(%arg15 : memref<!tpu.dma_semaphore, #tpu.memory_space<semaphore_mem>>) src(%dma_wait3A_176 : memref<10000x128xf32, #tpu.memory_space<hbm>>) dst(%arg13 : memref<128x128xf32, #tpu.memory_space<vmem>>)
        %dma_start3A_177 = arith.constant 0 : i32
        %dma_start3A_178 = tpu.memref_slice %arg11[%add3A_148, %dma_start3A_177] : memref<32x128xi32, #tpu.memory_space<vmem>> -> memref<1x128xi32, #tpu.memory_space<vmem>>
        %dma_start3A_179 = tpu.memref_squeeze %dma_start3A_178 : memref<1x128xi32, #tpu.memory_space<vmem>> -> memref<128xi32, #tpu.memory_space<vmem>>
        %dma_start3A_180 = arith.constant 0 : i32
        %dma_start3A_181 = arith.constant 0 : i32
        %dma_start3A_182 = tpu.memref_slice %arg9[%dma_start3A_180, %dma_start3A_181] : memref<10008x128xf32, #tpu.memory_space<vmem_shared>> -> memref<10008x128xf32, #tpu.memory_space<vmem_shared>>
        tpu.enqueue_indirect_dma source(%arg13 : memref<128x128xf32, #tpu.memory_space<vmem>>) target(%dma_start3A_182 : memref<10008x128xf32, #tpu.memory_space<vmem_shared>>) offsets(%dma_start3A_179 : memref<128xi32, #tpu.memory_space<vmem>>) semaphore(%arg17 : memref<!tpu.dma_semaphore, #tpu.memory_space<semaphore_mem>>) {add = true}
        %dma_wait3A_183 = arith.constant 0 : i32
        %dma_wait3A_184 = tpu.memref_slice %arg11[%mul3A_146, %dma_wait3A_183] : memref<32x128xi32, #tpu.memory_space<vmem>> -> memref<1x128xi32, #tpu.memory_space<vmem>>
        %dma_wait3A_185 = tpu.memref_squeeze %dma_wait3A_184 : memref<1x128xi32, #tpu.memory_space<vmem>> -> memref<128xi32, #tpu.memory_space<vmem>>
        %dma_wait3A_186 = arith.constant 0 : i32
        %dma_wait3A_187 = arith.constant 0 : i32
        %dma_wait3A_188 = tpu.memref_slice %arg9[%dma_wait3A_186, %dma_wait3A_187] : memref<10008x128xf32, #tpu.memory_space<vmem_shared>> -> memref<10008x128xf32, #tpu.memory_space<vmem_shared>>
        tpu.wait_indirect_dma semaphore(%arg16 : memref<!tpu.dma_semaphore, #tpu.memory_space<semaphore_mem>>) src(%arg12 : memref<128x128xf32, #tpu.memory_space<vmem>>) dst(%dma_wait3A_188 : memref<10008x128xf32, #tpu.memory_space<vmem_shared>>)
        %lt3A_189 = arith.constant 15 : i32
        %lt3A_190 = arith.cmpi slt, %scan3A_144, %lt3A_189 : i32
        %convert_element_type3A_191 = arith.extui %lt3A_190 : i1 to i32
        %cond3A_192 = arith.constant 0 : i32
        %cond3A_193 = arith.cmpi ne, %convert_element_type3A_191, %cond3A_192 : i32
        scf.if %cond3A_193 {
          %add3A_194 = arith.constant 2 : i32
          %add3A_195 = arith.addi %mul3A_146, %add3A_194 : i32
          %dma_start3A_196 = arith.constant 0 : i32
          %dma_start3A_197 = tpu.memref_slice %arg10[%add3A_195, %dma_start3A_196] : memref<32x128xi32, #tpu.memory_space<vmem>> -> memref<1x128xi32, #tpu.memory_space<vmem>>
          %dma_start3A_198 = tpu.memref_squeeze %dma_start3A_197 : memref<1x128xi32, #tpu.memory_space<vmem>> -> memref<128xi32, #tpu.memory_space<vmem>>
          %dma_start3A_199 = arith.constant 0 : i32
          %dma_start3A_200 = arith.constant 0 : i32
          %dma_start3A_201 = tpu.memref_slice %arg2[%dma_start3A_199, %dma_start3A_200] : memref<10000x128xf32, #tpu.memory_space<hbm>> -> memref<10000x128xf32, #tpu.memory_space<hbm>>
          tpu.enqueue_indirect_dma source(%dma_start3A_201 : memref<10000x128xf32, #tpu.memory_space<hbm>>) target(%arg12 : memref<128x128xf32, #tpu.memory_space<vmem>>) offsets(%dma_start3A_198 : memref<128xi32, #tpu.memory_space<vmem>>) semaphore(%arg14 : memref<!tpu.dma_semaphore, #tpu.memory_space<semaphore_mem>>)
        } else {
        }
      }
      %scan3A_49 = arith.constant 16 : i32
      %dma_wait3A = arith.constant 31 : i32
      %dma_wait3A_50 = arith.constant 0 : i32
      %dma_wait3A_51 = tpu.memref_slice %arg11[%dma_wait3A, %dma_wait3A_50] : memref<32x128xi32, #tpu.memory_space<vmem>> -> memref<1x128xi32, #tpu.memory_space<vmem>>
      %dma_wait3A_52 = tpu.memref_squeeze %dma_wait3A_51 : memref<1x128xi32, #tpu.memory_space<vmem>> -> memref<128xi32, #tpu.memory_space<vmem>>
      %dma_wait3A_53 = arith.constant 0 : i32
      %dma_wait3A_54 = arith.constant 0 : i32
      %dma_wait3A_55 = tpu.memref_slice %arg9[%dma_wait3A_53, %dma_wait3A_54] : memref<10008x128xf32, #tpu.memory_space<vmem_shared>> -> memref<10008x128xf32, #tpu.memory_space<vmem_shared>>
      tpu.wait_indirect_dma semaphore(%arg17 : memref<!tpu.dma_semaphore, #tpu.memory_space<semaphore_mem>>) src(%arg13 : memref<128x128xf32, #tpu.memory_space<vmem>>) dst(%dma_wait3A_55 : memref<10008x128xf32, #tpu.memory_space<vmem_shared>>)
      %add3A_56 = arith.constant 32 : i32
      %add3A_57 = arith.addi %mul3A_36, %add3A_56 : i32
      "tpu.region"() ({
        %run_scoped3A = tpu.sem_alloc : memref<!tpu.dma_semaphore, #tpu.memory_space<semaphore_mem>>
        %dma_start3A_144 = arith.constant 0 : i32
        %dma_start3A_145 = tpu.memref_slice %arg4[%add3A_57, %dma_start3A_144] : memref<2560x128xi32, #tpu.memory_space<hbm>> -> memref<32x128xi32, #tpu.memory_space<hbm>>
        %dma_start3A_146 = arith.constant 0 : i32
        %dma_start3A_147 = tpu.memref_slice %arg4[%add3A_57, %dma_start3A_146] : memref<2560x128xi32, #tpu.memory_space<hbm>> -> memref<32x128xi32, #tpu.memory_space<hbm>>
        tpu.enqueue_dma source(%dma_start3A_147 : memref<32x128xi32, #tpu.memory_space<hbm>>) target(%arg10 : memref<32x128xi32, #tpu.memory_space<vmem>>) target_semaphore(%run_scoped3A : memref<!tpu.dma_semaphore, #tpu.memory_space<semaphore_mem>>)
        %dma_wait3A_148 = arith.constant 0 : i32
        %dma_wait3A_149 = tpu.memref_slice %arg4[%add3A_57, %dma_wait3A_148] : memref<2560x128xi32, #tpu.memory_space<hbm>> -> memref<32x128xi32, #tpu.memory_space<hbm>>
        %dma_wait3A_150 = arith.constant 0 : i32
        %dma_wait3A_151 = tpu.memref_slice %arg4[%add3A_57, %dma_wait3A_150] : memref<2560x128xi32, #tpu.memory_space<hbm>> -> memref<32x128xi32, #tpu.memory_space<hbm>>
        tpu.wait_dma2 semaphore(%run_scoped3A : memref<!tpu.dma_semaphore, #tpu.memory_space<semaphore_mem>>) src(%dma_wait3A_151 : memref<32x128xi32, #tpu.memory_space<hbm>>) dst(%arg10 : memref<32x128xi32, #tpu.memory_space<vmem>>)
        tpu.yield
      }) : () -> ()
      "tpu.region"() ({
        %run_scoped3A = tpu.sem_alloc : memref<!tpu.dma_semaphore, #tpu.memory_space<semaphore_mem>>
        %dma_start3A_144 = arith.constant 0 : i32
        %dma_start3A_145 = tpu.memref_slice %arg5[%add3A_57, %dma_start3A_144] : memref<2560x128xi32, #tpu.memory_space<hbm>> -> memref<32x128xi32, #tpu.memory_space<hbm>>
        %dma_start3A_146 = arith.constant 0 : i32
        %dma_start3A_147 = tpu.memref_slice %arg5[%add3A_57, %dma_start3A_146] : memref<2560x128xi32, #tpu.memory_space<hbm>> -> memref<32x128xi32, #tpu.memory_space<hbm>>
        tpu.enqueue_dma source(%dma_start3A_147 : memref<32x128xi32, #tpu.memory_space<hbm>>) target(%arg11 : memref<32x128xi32, #tpu.memory_space<vmem>>) target_semaphore(%run_scoped3A : memref<!tpu.dma_semaphore, #tpu.memory_space<semaphore_mem>>)
        %dma_wait3A_148 = arith.constant 0 : i32
        %dma_wait3A_149 = tpu.memref_slice %arg5[%add3A_57, %dma_wait3A_148] : memref<2560x128xi32, #tpu.memory_space<hbm>> -> memref<32x128xi32, #tpu.memory_space<hbm>>
        %dma_wait3A_150 = arith.constant 0 : i32
        %dma_wait3A_151 = tpu.memref_slice %arg5[%add3A_57, %dma_wait3A_150] : memref<2560x128xi32, #tpu.memory_space<hbm>> -> memref<32x128xi32, #tpu.memory_space<hbm>>
        tpu.wait_dma2 semaphore(%run_scoped3A : memref<!tpu.dma_semaphore, #tpu.memory_space<semaphore_mem>>) src(%dma_wait3A_151 : memref<32x128xi32, #tpu.memory_space<hbm>>) dst(%arg11 : memref<32x128xi32, #tpu.memory_space<vmem>>)
        tpu.yield
      }) : () -> ()
      %dma_start3A_58 = arith.constant 0 : i32
      %dma_start3A_59 = arith.constant 0 : i32
      %dma_start3A_60 = tpu.memref_slice %arg10[%dma_start3A_58, %dma_start3A_59] : memref<32x128xi32, #tpu.memory_space<vmem>> -> memref<1x128xi32, #tpu.memory_space<vmem>>
      %dma_start3A_61 = tpu.memref_squeeze %dma_start3A_60 : memref<1x128xi32, #tpu.memory_space<vmem>> -> memref<128xi32, #tpu.memory_space<vmem>>
      %dma_start3A_62 = arith.constant 0 : i32
      %dma_start3A_63 = arith.constant 0 : i32
      %dma_start3A_64 = tpu.memref_slice %arg2[%dma_start3A_62, %dma_start3A_63] : memref<10000x128xf32, #tpu.memory_space<hbm>> -> memref<10000x128xf32, #tpu.memory_space<hbm>>
      tpu.enqueue_indirect_dma source(%dma_start3A_64 : memref<10000x128xf32, #tpu.memory_space<hbm>>) target(%arg12 : memref<128x128xf32, #tpu.memory_space<vmem>>) offsets(%dma_start3A_61 : memref<128xi32, #tpu.memory_space<vmem>>) semaphore(%arg14 : memref<!tpu.dma_semaphore, #tpu.memory_space<semaphore_mem>>)
      %scan3A_65 = arith.constant 0 : i32
      %scan3A_66 = arith.constant 0 : i32
      %scan3A_67 = arith.constant 16 : i32
      %scan3A_68 = arith.addi %scan3A_66, %scan3A_67 : i32
      %scan3A_69 = arith.constant 1 : i32
      scf.for %scan3A_144 = %scan3A_66 to %scan3A_68 step %scan3A_69  : i32 {
        %mul3A_145 = arith.constant 2 : i32
        %mul3A_146 = arith.muli %mul3A_145, %scan3A_144 : i32
        %add3A_147 = arith.constant 1 : i32
        %add3A_148 = arith.addi %mul3A_146, %add3A_147 : i32
        %dma_wait3A_149 = arith.constant 0 : i32
        %dma_wait3A_150 = tpu.memref_slice %arg10[%mul3A_146, %dma_wait3A_149] : memref<32x128xi32, #tpu.memory_space<vmem>> -> memref<1x128xi32, #tpu.memory_space<vmem>>
        %dma_wait3A_151 = tpu.memref_squeeze %dma_wait3A_150 : memref<1x128xi32, #tpu.memory_space<vmem>> -> memref<128xi32, #tpu.memory_space<vmem>>
        %dma_wait3A_152 = arith.constant 0 : i32
        %dma_wait3A_153 = arith.constant 0 : i32
        %dma_wait3A_154 = tpu.memref_slice %arg2[%dma_wait3A_152, %dma_wait3A_153] : memref<10000x128xf32, #tpu.memory_space<hbm>> -> memref<10000x128xf32, #tpu.memory_space<hbm>>
        tpu.wait_indirect_dma semaphore(%arg14 : memref<!tpu.dma_semaphore, #tpu.memory_space<semaphore_mem>>) src(%dma_wait3A_154 : memref<10000x128xf32, #tpu.memory_space<hbm>>) dst(%arg12 : memref<128x128xf32, #tpu.memory_space<vmem>>)
        %dma_start3A_155 = arith.constant 0 : i32
        %dma_start3A_156 = tpu.memref_slice %arg11[%mul3A_146, %dma_start3A_155] : memref<32x128xi32, #tpu.memory_space<vmem>> -> memref<1x128xi32, #tpu.memory_space<vmem>>
        %dma_start3A_157 = tpu.memref_squeeze %dma_start3A_156 : memref<1x128xi32, #tpu.memory_space<vmem>> -> memref<128xi32, #tpu.memory_space<vmem>>
        %dma_start3A_158 = arith.constant 0 : i32
        %dma_start3A_159 = arith.constant 0 : i32
        %dma_start3A_160 = tpu.memref_slice %arg9[%dma_start3A_158, %dma_start3A_159] : memref<10008x128xf32, #tpu.memory_space<vmem_shared>> -> memref<10008x128xf32, #tpu.memory_space<vmem_shared>>
        tpu.enqueue_indirect_dma source(%arg12 : memref<128x128xf32, #tpu.memory_space<vmem>>) target(%dma_start3A_160 : memref<10008x128xf32, #tpu.memory_space<vmem_shared>>) offsets(%dma_start3A_157 : memref<128xi32, #tpu.memory_space<vmem>>) semaphore(%arg16 : memref<!tpu.dma_semaphore, #tpu.memory_space<semaphore_mem>>) {add = true}
        %gt3A = arith.constant 0 : i32
        %gt3A_161 = arith.cmpi sgt, %scan3A_144, %gt3A : i32
        %convert_element_type3A_162 = arith.extui %gt3A_161 : i1 to i32
        %cond3A_163 = arith.constant 0 : i32
        %cond3A_164 = arith.cmpi ne, %convert_element_type3A_162, %cond3A_163 : i32
        scf.if %cond3A_164 {
          %sub3A = arith.constant 2 : i32
          %sub3A_194 = arith.subi %add3A_148, %sub3A : i32
          %dma_wait3A_195 = arith.constant 0 : i32
          %dma_wait3A_196 = tpu.memref_slice %arg11[%sub3A_194, %dma_wait3A_195] : memref<32x128xi32, #tpu.memory_space<vmem>> -> memref<1x128xi32, #tpu.memory_space<vmem>>
          %dma_wait3A_197 = tpu.memref_squeeze %dma_wait3A_196 : memref<1x128xi32, #tpu.memory_space<vmem>> -> memref<128xi32, #tpu.memory_space<vmem>>
          %dma_wait3A_198 = arith.constant 0 : i32
          %dma_wait3A_199 = arith.constant 0 : i32
          %dma_wait3A_200 = tpu.memref_slice %arg9[%dma_wait3A_198, %dma_wait3A_199] : memref<10008x128xf32, #tpu.memory_space<vmem_shared>> -> memref<10008x128xf32, #tpu.memory_space<vmem_shared>>
          tpu.wait_indirect_dma semaphore(%arg17 : memref<!tpu.dma_semaphore, #tpu.memory_space<semaphore_mem>>) src(%arg13 : memref<128x128xf32, #tpu.memory_space<vmem>>) dst(%dma_wait3A_200 : memref<10008x128xf32, #tpu.memory_space<vmem_shared>>)
        } else {
        }
        %dma_start3A_165 = arith.constant 0 : i32
        %dma_start3A_166 = tpu.memref_slice %arg10[%add3A_148, %dma_start3A_165] : memref<32x128xi32, #tpu.memory_space<vmem>> -> memref<1x128xi32, #tpu.memory_space<vmem>>
        %dma_start3A_167 = tpu.memref_squeeze %dma_start3A_166 : memref<1x128xi32, #tpu.memory_space<vmem>> -> memref<128xi32, #tpu.memory_space<vmem>>
        %dma_start3A_168 = arith.constant 0 : i32
        %dma_start3A_169 = arith.constant 0 : i32
        %dma_start3A_170 = tpu.memref_slice %arg2[%dma_start3A_168, %dma_start3A_169] : memref<10000x128xf32, #tpu.memory_space<hbm>> -> memref<10000x128xf32, #tpu.memory_space<hbm>>
        tpu.enqueue_indirect_dma source(%dma_start3A_170 : memref<10000x128xf32, #tpu.memory_space<hbm>>) target(%arg13 : memref<128x128xf32, #tpu.memory_space<vmem>>) offsets(%dma_start3A_167 : memref<128xi32, #tpu.memory_space<vmem>>) semaphore(%arg15 : memref<!tpu.dma_semaphore, #tpu.memory_space<semaphore_mem>>)
        %dma_wait3A_171 = arith.constant 0 : i32
        %dma_wait3A_172 = tpu.memref_slice %arg10[%add3A_148, %dma_wait3A_171] : memref<32x128xi32, #tpu.memory_space<vmem>> -> memref<1x128xi32, #tpu.memory_space<vmem>>
        %dma_wait3A_173 = tpu.memref_squeeze %dma_wait3A_172 : memref<1x128xi32, #tpu.memory_space<vmem>> -> memref<128xi32, #tpu.memory_space<vmem>>
        %dma_wait3A_174 = arith.constant 0 : i32
        %dma_wait3A_175 = arith.constant 0 : i32
        %dma_wait3A_176 = tpu.memref_slice %arg2[%dma_wait3A_174, %dma_wait3A_175] : memref<10000x128xf32, #tpu.memory_space<hbm>> -> memref<10000x128xf32, #tpu.memory_space<hbm>>
        tpu.wait_indirect_dma semaphore(%arg15 : memref<!tpu.dma_semaphore, #tpu.memory_space<semaphore_mem>>) src(%dma_wait3A_176 : memref<10000x128xf32, #tpu.memory_space<hbm>>) dst(%arg13 : memref<128x128xf32, #tpu.memory_space<vmem>>)
        %dma_start3A_177 = arith.constant 0 : i32
        %dma_start3A_178 = tpu.memref_slice %arg11[%add3A_148, %dma_start3A_177] : memref<32x128xi32, #tpu.memory_space<vmem>> -> memref<1x128xi32, #tpu.memory_space<vmem>>
        %dma_start3A_179 = tpu.memref_squeeze %dma_start3A_178 : memref<1x128xi32, #tpu.memory_space<vmem>> -> memref<128xi32, #tpu.memory_space<vmem>>
        %dma_start3A_180 = arith.constant 0 : i32
        %dma_start3A_181 = arith.constant 0 : i32
        %dma_start3A_182 = tpu.memref_slice %arg9[%dma_start3A_180, %dma_start3A_181] : memref<10008x128xf32, #tpu.memory_space<vmem_shared>> -> memref<10008x128xf32, #tpu.memory_space<vmem_shared>>
        tpu.enqueue_indirect_dma source(%arg13 : memref<128x128xf32, #tpu.memory_space<vmem>>) target(%dma_start3A_182 : memref<10008x128xf32, #tpu.memory_space<vmem_shared>>) offsets(%dma_start3A_179 : memref<128xi32, #tpu.memory_space<vmem>>) semaphore(%arg17 : memref<!tpu.dma_semaphore, #tpu.memory_space<semaphore_mem>>) {add = true}
        %dma_wait3A_183 = arith.constant 0 : i32
        %dma_wait3A_184 = tpu.memref_slice %arg11[%mul3A_146, %dma_wait3A_183] : memref<32x128xi32, #tpu.memory_space<vmem>> -> memref<1x128xi32, #tpu.memory_space<vmem>>
        %dma_wait3A_185 = tpu.memref_squeeze %dma_wait3A_184 : memref<1x128xi32, #tpu.memory_space<vmem>> -> memref<128xi32, #tpu.memory_space<vmem>>
        %dma_wait3A_186 = arith.constant 0 : i32
        %dma_wait3A_187 = arith.constant 0 : i32
        %dma_wait3A_188 = tpu.memref_slice %arg9[%dma_wait3A_186, %dma_wait3A_187] : memref<10008x128xf32, #tpu.memory_space<vmem_shared>> -> memref<10008x128xf32, #tpu.memory_space<vmem_shared>>
        tpu.wait_indirect_dma semaphore(%arg16 : memref<!tpu.dma_semaphore, #tpu.memory_space<semaphore_mem>>) src(%arg12 : memref<128x128xf32, #tpu.memory_space<vmem>>) dst(%dma_wait3A_188 : memref<10008x128xf32, #tpu.memory_space<vmem_shared>>)
        %lt3A_189 = arith.constant 15 : i32
        %lt3A_190 = arith.cmpi slt, %scan3A_144, %lt3A_189 : i32
        %convert_element_type3A_191 = arith.extui %lt3A_190 : i1 to i32
        %cond3A_192 = arith.constant 0 : i32
        %cond3A_193 = arith.cmpi ne, %convert_element_type3A_191, %cond3A_192 : i32
        scf.if %cond3A_193 {
          %add3A_194 = arith.constant 2 : i32
          %add3A_195 = arith.addi %mul3A_146, %add3A_194 : i32
          %dma_start3A_196 = arith.constant 0 : i32
          %dma_start3A_197 = tpu.memref_slice %arg10[%add3A_195, %dma_start3A_196] : memref<32x128xi32, #tpu.memory_space<vmem>> -> memref<1x128xi32, #tpu.memory_space<vmem>>
          %dma_start3A_198 = tpu.memref_squeeze %dma_start3A_197 : memref<1x128xi32, #tpu.memory_space<vmem>> -> memref<128xi32, #tpu.memory_space<vmem>>
          %dma_start3A_199 = arith.constant 0 : i32
          %dma_start3A_200 = arith.constant 0 : i32
          %dma_start3A_201 = tpu.memref_slice %arg2[%dma_start3A_199, %dma_start3A_200] : memref<10000x128xf32, #tpu.memory_space<hbm>> -> memref<10000x128xf32, #tpu.memory_space<hbm>>
          tpu.enqueue_indirect_dma source(%dma_start3A_201 : memref<10000x128xf32, #tpu.memory_space<hbm>>) target(%arg12 : memref<128x128xf32, #tpu.memory_space<vmem>>) offsets(%dma_start3A_198 : memref<128xi32, #tpu.memory_space<vmem>>) semaphore(%arg14 : memref<!tpu.dma_semaphore, #tpu.memory_space<semaphore_mem>>)
        } else {
        }
      }
      %scan3A_70 = arith.constant 16 : i32
      %dma_wait3A_71 = arith.constant 31 : i32
      %dma_wait3A_72 = arith.constant 0 : i32
      %dma_wait3A_73 = tpu.memref_slice %arg11[%dma_wait3A_71, %dma_wait3A_72] : memref<32x128xi32, #tpu.memory_space<vmem>> -> memref<1x128xi32, #tpu.memory_space<vmem>>
      %dma_wait3A_74 = tpu.memref_squeeze %dma_wait3A_73 : memref<1x128xi32, #tpu.memory_space<vmem>> -> memref<128xi32, #tpu.memory_space<vmem>>
      %dma_wait3A_75 = arith.constant 0 : i32
      %dma_wait3A_76 = arith.constant 0 : i32
      %dma_wait3A_77 = tpu.memref_slice %arg9[%dma_wait3A_75, %dma_wait3A_76] : memref<10008x128xf32, #tpu.memory_space<vmem_shared>> -> memref<10008x128xf32, #tpu.memory_space<vmem_shared>>
      tpu.wait_indirect_dma semaphore(%arg17 : memref<!tpu.dma_semaphore, #tpu.memory_space<semaphore_mem>>) src(%arg13 : memref<128x128xf32, #tpu.memory_space<vmem>>) dst(%dma_wait3A_77 : memref<10008x128xf32, #tpu.memory_space<vmem_shared>>)
      %add3A_78 = arith.constant 64 : i32
      %add3A_79 = arith.addi %mul3A_36, %add3A_78 : i32
      "tpu.region"() ({
        %run_scoped3A = tpu.sem_alloc : memref<!tpu.dma_semaphore, #tpu.memory_space<semaphore_mem>>
        %dma_start3A_144 = arith.constant 0 : i32
        %dma_start3A_145 = tpu.memref_slice %arg4[%add3A_79, %dma_start3A_144] : memref<2560x128xi32, #tpu.memory_space<hbm>> -> memref<32x128xi32, #tpu.memory_space<hbm>>
        %dma_start3A_146 = arith.constant 0 : i32
        %dma_start3A_147 = tpu.memref_slice %arg4[%add3A_79, %dma_start3A_146] : memref<2560x128xi32, #tpu.memory_space<hbm>> -> memref<32x128xi32, #tpu.memory_space<hbm>>
        tpu.enqueue_dma source(%dma_start3A_147 : memref<32x128xi32, #tpu.memory_space<hbm>>) target(%arg10 : memref<32x128xi32, #tpu.memory_space<vmem>>) target_semaphore(%run_scoped3A : memref<!tpu.dma_semaphore, #tpu.memory_space<semaphore_mem>>)
        %dma_wait3A_148 = arith.constant 0 : i32
        %dma_wait3A_149 = tpu.memref_slice %arg4[%add3A_79, %dma_wait3A_148] : memref<2560x128xi32, #tpu.memory_space<hbm>> -> memref<32x128xi32, #tpu.memory_space<hbm>>
        %dma_wait3A_150 = arith.constant 0 : i32
        %dma_wait3A_151 = tpu.memref_slice %arg4[%add3A_79, %dma_wait3A_150] : memref<2560x128xi32, #tpu.memory_space<hbm>> -> memref<32x128xi32, #tpu.memory_space<hbm>>
        tpu.wait_dma2 semaphore(%run_scoped3A : memref<!tpu.dma_semaphore, #tpu.memory_space<semaphore_mem>>) src(%dma_wait3A_151 : memref<32x128xi32, #tpu.memory_space<hbm>>) dst(%arg10 : memref<32x128xi32, #tpu.memory_space<vmem>>)
        tpu.yield
      }) : () -> ()
      "tpu.region"() ({
        %run_scoped3A = tpu.sem_alloc : memref<!tpu.dma_semaphore, #tpu.memory_space<semaphore_mem>>
        %dma_start3A_144 = arith.constant 0 : i32
        %dma_start3A_145 = tpu.memref_slice %arg5[%add3A_79, %dma_start3A_144] : memref<2560x128xi32, #tpu.memory_space<hbm>> -> memref<32x128xi32, #tpu.memory_space<hbm>>
        %dma_start3A_146 = arith.constant 0 : i32
        %dma_start3A_147 = tpu.memref_slice %arg5[%add3A_79, %dma_start3A_146] : memref<2560x128xi32, #tpu.memory_space<hbm>> -> memref<32x128xi32, #tpu.memory_space<hbm>>
        tpu.enqueue_dma source(%dma_start3A_147 : memref<32x128xi32, #tpu.memory_space<hbm>>) target(%arg11 : memref<32x128xi32, #tpu.memory_space<vmem>>) target_semaphore(%run_scoped3A : memref<!tpu.dma_semaphore, #tpu.memory_space<semaphore_mem>>)
        %dma_wait3A_148 = arith.constant 0 : i32
        %dma_wait3A_149 = tpu.memref_slice %arg5[%add3A_79, %dma_wait3A_148] : memref<2560x128xi32, #tpu.memory_space<hbm>> -> memref<32x128xi32, #tpu.memory_space<hbm>>
        %dma_wait3A_150 = arith.constant 0 : i32
        %dma_wait3A_151 = tpu.memref_slice %arg5[%add3A_79, %dma_wait3A_150] : memref<2560x128xi32, #tpu.memory_space<hbm>> -> memref<32x128xi32, #tpu.memory_space<hbm>>
        tpu.wait_dma2 semaphore(%run_scoped3A : memref<!tpu.dma_semaphore, #tpu.memory_space<semaphore_mem>>) src(%dma_wait3A_151 : memref<32x128xi32, #tpu.memory_space<hbm>>) dst(%arg11 : memref<32x128xi32, #tpu.memory_space<vmem>>)
        tpu.yield
      }) : () -> ()
      %dma_start3A_80 = arith.constant 0 : i32
      %dma_start3A_81 = arith.constant 0 : i32
      %dma_start3A_82 = tpu.memref_slice %arg10[%dma_start3A_80, %dma_start3A_81] : memref<32x128xi32, #tpu.memory_space<vmem>> -> memref<1x128xi32, #tpu.memory_space<vmem>>
      %dma_start3A_83 = tpu.memref_squeeze %dma_start3A_82 : memref<1x128xi32, #tpu.memory_space<vmem>> -> memref<128xi32, #tpu.memory_space<vmem>>
      %dma_start3A_84 = arith.constant 0 : i32
      %dma_start3A_85 = arith.constant 0 : i32
      %dma_start3A_86 = tpu.memref_slice %arg2[%dma_start3A_84, %dma_start3A_85] : memref<10000x128xf32, #tpu.memory_space<hbm>> -> memref<10000x128xf32, #tpu.memory_space<hbm>>
      tpu.enqueue_indirect_dma source(%dma_start3A_86 : memref<10000x128xf32, #tpu.memory_space<hbm>>) target(%arg12 : memref<128x128xf32, #tpu.memory_space<vmem>>) offsets(%dma_start3A_83 : memref<128xi32, #tpu.memory_space<vmem>>) semaphore(%arg14 : memref<!tpu.dma_semaphore, #tpu.memory_space<semaphore_mem>>)
      %scan3A_87 = arith.constant 0 : i32
      %scan3A_88 = arith.constant 0 : i32
      %scan3A_89 = arith.constant 16 : i32
      %scan3A_90 = arith.addi %scan3A_88, %scan3A_89 : i32
      %scan3A_91 = arith.constant 1 : i32
      scf.for %scan3A_144 = %scan3A_88 to %scan3A_90 step %scan3A_91  : i32 {
        %mul3A_145 = arith.constant 2 : i32
        %mul3A_146 = arith.muli %mul3A_145, %scan3A_144 : i32
        %add3A_147 = arith.constant 1 : i32
        %add3A_148 = arith.addi %mul3A_146, %add3A_147 : i32
        %dma_wait3A_149 = arith.constant 0 : i32
        %dma_wait3A_150 = tpu.memref_slice %arg10[%mul3A_146, %dma_wait3A_149] : memref<32x128xi32, #tpu.memory_space<vmem>> -> memref<1x128xi32, #tpu.memory_space<vmem>>
        %dma_wait3A_151 = tpu.memref_squeeze %dma_wait3A_150 : memref<1x128xi32, #tpu.memory_space<vmem>> -> memref<128xi32, #tpu.memory_space<vmem>>
        %dma_wait3A_152 = arith.constant 0 : i32
        %dma_wait3A_153 = arith.constant 0 : i32
        %dma_wait3A_154 = tpu.memref_slice %arg2[%dma_wait3A_152, %dma_wait3A_153] : memref<10000x128xf32, #tpu.memory_space<hbm>> -> memref<10000x128xf32, #tpu.memory_space<hbm>>
        tpu.wait_indirect_dma semaphore(%arg14 : memref<!tpu.dma_semaphore, #tpu.memory_space<semaphore_mem>>) src(%dma_wait3A_154 : memref<10000x128xf32, #tpu.memory_space<hbm>>) dst(%arg12 : memref<128x128xf32, #tpu.memory_space<vmem>>)
        %dma_start3A_155 = arith.constant 0 : i32
        %dma_start3A_156 = tpu.memref_slice %arg11[%mul3A_146, %dma_start3A_155] : memref<32x128xi32, #tpu.memory_space<vmem>> -> memref<1x128xi32, #tpu.memory_space<vmem>>
        %dma_start3A_157 = tpu.memref_squeeze %dma_start3A_156 : memref<1x128xi32, #tpu.memory_space<vmem>> -> memref<128xi32, #tpu.memory_space<vmem>>
        %dma_start3A_158 = arith.constant 0 : i32
        %dma_start3A_159 = arith.constant 0 : i32
        %dma_start3A_160 = tpu.memref_slice %arg9[%dma_start3A_158, %dma_start3A_159] : memref<10008x128xf32, #tpu.memory_space<vmem_shared>> -> memref<10008x128xf32, #tpu.memory_space<vmem_shared>>
        tpu.enqueue_indirect_dma source(%arg12 : memref<128x128xf32, #tpu.memory_space<vmem>>) target(%dma_start3A_160 : memref<10008x128xf32, #tpu.memory_space<vmem_shared>>) offsets(%dma_start3A_157 : memref<128xi32, #tpu.memory_space<vmem>>) semaphore(%arg16 : memref<!tpu.dma_semaphore, #tpu.memory_space<semaphore_mem>>) {add = true}
        %gt3A = arith.constant 0 : i32
        %gt3A_161 = arith.cmpi sgt, %scan3A_144, %gt3A : i32
        %convert_element_type3A_162 = arith.extui %gt3A_161 : i1 to i32
        %cond3A_163 = arith.constant 0 : i32
        %cond3A_164 = arith.cmpi ne, %convert_element_type3A_162, %cond3A_163 : i32
        scf.if %cond3A_164 {
          %sub3A = arith.constant 2 : i32
          %sub3A_194 = arith.subi %add3A_148, %sub3A : i32
          %dma_wait3A_195 = arith.constant 0 : i32
          %dma_wait3A_196 = tpu.memref_slice %arg11[%sub3A_194, %dma_wait3A_195] : memref<32x128xi32, #tpu.memory_space<vmem>> -> memref<1x128xi32, #tpu.memory_space<vmem>>
          %dma_wait3A_197 = tpu.memref_squeeze %dma_wait3A_196 : memref<1x128xi32, #tpu.memory_space<vmem>> -> memref<128xi32, #tpu.memory_space<vmem>>
          %dma_wait3A_198 = arith.constant 0 : i32
          %dma_wait3A_199 = arith.constant 0 : i32
          %dma_wait3A_200 = tpu.memref_slice %arg9[%dma_wait3A_198, %dma_wait3A_199] : memref<10008x128xf32, #tpu.memory_space<vmem_shared>> -> memref<10008x128xf32, #tpu.memory_space<vmem_shared>>
          tpu.wait_indirect_dma semaphore(%arg17 : memref<!tpu.dma_semaphore, #tpu.memory_space<semaphore_mem>>) src(%arg13 : memref<128x128xf32, #tpu.memory_space<vmem>>) dst(%dma_wait3A_200 : memref<10008x128xf32, #tpu.memory_space<vmem_shared>>)
        } else {
        }
        %dma_start3A_165 = arith.constant 0 : i32
        %dma_start3A_166 = tpu.memref_slice %arg10[%add3A_148, %dma_start3A_165] : memref<32x128xi32, #tpu.memory_space<vmem>> -> memref<1x128xi32, #tpu.memory_space<vmem>>
        %dma_start3A_167 = tpu.memref_squeeze %dma_start3A_166 : memref<1x128xi32, #tpu.memory_space<vmem>> -> memref<128xi32, #tpu.memory_space<vmem>>
        %dma_start3A_168 = arith.constant 0 : i32
        %dma_start3A_169 = arith.constant 0 : i32
        %dma_start3A_170 = tpu.memref_slice %arg2[%dma_start3A_168, %dma_start3A_169] : memref<10000x128xf32, #tpu.memory_space<hbm>> -> memref<10000x128xf32, #tpu.memory_space<hbm>>
        tpu.enqueue_indirect_dma source(%dma_start3A_170 : memref<10000x128xf32, #tpu.memory_space<hbm>>) target(%arg13 : memref<128x128xf32, #tpu.memory_space<vmem>>) offsets(%dma_start3A_167 : memref<128xi32, #tpu.memory_space<vmem>>) semaphore(%arg15 : memref<!tpu.dma_semaphore, #tpu.memory_space<semaphore_mem>>)
        %dma_wait3A_171 = arith.constant 0 : i32
        %dma_wait3A_172 = tpu.memref_slice %arg10[%add3A_148, %dma_wait3A_171] : memref<32x128xi32, #tpu.memory_space<vmem>> -> memref<1x128xi32, #tpu.memory_space<vmem>>
        %dma_wait3A_173 = tpu.memref_squeeze %dma_wait3A_172 : memref<1x128xi32, #tpu.memory_space<vmem>> -> memref<128xi32, #tpu.memory_space<vmem>>
        %dma_wait3A_174 = arith.constant 0 : i32
        %dma_wait3A_175 = arith.constant 0 : i32
        %dma_wait3A_176 = tpu.memref_slice %arg2[%dma_wait3A_174, %dma_wait3A_175] : memref<10000x128xf32, #tpu.memory_space<hbm>> -> memref<10000x128xf32, #tpu.memory_space<hbm>>
        tpu.wait_indirect_dma semaphore(%arg15 : memref<!tpu.dma_semaphore, #tpu.memory_space<semaphore_mem>>) src(%dma_wait3A_176 : memref<10000x128xf32, #tpu.memory_space<hbm>>) dst(%arg13 : memref<128x128xf32, #tpu.memory_space<vmem>>)
        %dma_start3A_177 = arith.constant 0 : i32
        %dma_start3A_178 = tpu.memref_slice %arg11[%add3A_148, %dma_start3A_177] : memref<32x128xi32, #tpu.memory_space<vmem>> -> memref<1x128xi32, #tpu.memory_space<vmem>>
        %dma_start3A_179 = tpu.memref_squeeze %dma_start3A_178 : memref<1x128xi32, #tpu.memory_space<vmem>> -> memref<128xi32, #tpu.memory_space<vmem>>
        %dma_start3A_180 = arith.constant 0 : i32
        %dma_start3A_181 = arith.constant 0 : i32
        %dma_start3A_182 = tpu.memref_slice %arg9[%dma_start3A_180, %dma_start3A_181] : memref<10008x128xf32, #tpu.memory_space<vmem_shared>> -> memref<10008x128xf32, #tpu.memory_space<vmem_shared>>
        tpu.enqueue_indirect_dma source(%arg13 : memref<128x128xf32, #tpu.memory_space<vmem>>) target(%dma_start3A_182 : memref<10008x128xf32, #tpu.memory_space<vmem_shared>>) offsets(%dma_start3A_179 : memref<128xi32, #tpu.memory_space<vmem>>) semaphore(%arg17 : memref<!tpu.dma_semaphore, #tpu.memory_space<semaphore_mem>>) {add = true}
        %dma_wait3A_183 = arith.constant 0 : i32
        %dma_wait3A_184 = tpu.memref_slice %arg11[%mul3A_146, %dma_wait3A_183] : memref<32x128xi32, #tpu.memory_space<vmem>> -> memref<1x128xi32, #tpu.memory_space<vmem>>
        %dma_wait3A_185 = tpu.memref_squeeze %dma_wait3A_184 : memref<1x128xi32, #tpu.memory_space<vmem>> -> memref<128xi32, #tpu.memory_space<vmem>>
        %dma_wait3A_186 = arith.constant 0 : i32
        %dma_wait3A_187 = arith.constant 0 : i32
        %dma_wait3A_188 = tpu.memref_slice %arg9[%dma_wait3A_186, %dma_wait3A_187] : memref<10008x128xf32, #tpu.memory_space<vmem_shared>> -> memref<10008x128xf32, #tpu.memory_space<vmem_shared>>
        tpu.wait_indirect_dma semaphore(%arg16 : memref<!tpu.dma_semaphore, #tpu.memory_space<semaphore_mem>>) src(%arg12 : memref<128x128xf32, #tpu.memory_space<vmem>>) dst(%dma_wait3A_188 : memref<10008x128xf32, #tpu.memory_space<vmem_shared>>)
        %lt3A_189 = arith.constant 15 : i32
        %lt3A_190 = arith.cmpi slt, %scan3A_144, %lt3A_189 : i32
        %convert_element_type3A_191 = arith.extui %lt3A_190 : i1 to i32
        %cond3A_192 = arith.constant 0 : i32
        %cond3A_193 = arith.cmpi ne, %convert_element_type3A_191, %cond3A_192 : i32
        scf.if %cond3A_193 {
          %add3A_194 = arith.constant 2 : i32
          %add3A_195 = arith.addi %mul3A_146, %add3A_194 : i32
          %dma_start3A_196 = arith.constant 0 : i32
          %dma_start3A_197 = tpu.memref_slice %arg10[%add3A_195, %dma_start3A_196] : memref<32x128xi32, #tpu.memory_space<vmem>> -> memref<1x128xi32, #tpu.memory_space<vmem>>
          %dma_start3A_198 = tpu.memref_squeeze %dma_start3A_197 : memref<1x128xi32, #tpu.memory_space<vmem>> -> memref<128xi32, #tpu.memory_space<vmem>>
          %dma_start3A_199 = arith.constant 0 : i32
          %dma_start3A_200 = arith.constant 0 : i32
          %dma_start3A_201 = tpu.memref_slice %arg2[%dma_start3A_199, %dma_start3A_200] : memref<10000x128xf32, #tpu.memory_space<hbm>> -> memref<10000x128xf32, #tpu.memory_space<hbm>>
          tpu.enqueue_indirect_dma source(%dma_start3A_201 : memref<10000x128xf32, #tpu.memory_space<hbm>>) target(%arg12 : memref<128x128xf32, #tpu.memory_space<vmem>>) offsets(%dma_start3A_198 : memref<128xi32, #tpu.memory_space<vmem>>) semaphore(%arg14 : memref<!tpu.dma_semaphore, #tpu.memory_space<semaphore_mem>>)
        } else {
        }
      }
      %scan3A_92 = arith.constant 16 : i32
      %dma_wait3A_93 = arith.constant 31 : i32
      %dma_wait3A_94 = arith.constant 0 : i32
      %dma_wait3A_95 = tpu.memref_slice %arg11[%dma_wait3A_93, %dma_wait3A_94] : memref<32x128xi32, #tpu.memory_space<vmem>> -> memref<1x128xi32, #tpu.memory_space<vmem>>
      %dma_wait3A_96 = tpu.memref_squeeze %dma_wait3A_95 : memref<1x128xi32, #tpu.memory_space<vmem>> -> memref<128xi32, #tpu.memory_space<vmem>>
      %dma_wait3A_97 = arith.constant 0 : i32
      %dma_wait3A_98 = arith.constant 0 : i32
      %dma_wait3A_99 = tpu.memref_slice %arg9[%dma_wait3A_97, %dma_wait3A_98] : memref<10008x128xf32, #tpu.memory_space<vmem_shared>> -> memref<10008x128xf32, #tpu.memory_space<vmem_shared>>
      tpu.wait_indirect_dma semaphore(%arg17 : memref<!tpu.dma_semaphore, #tpu.memory_space<semaphore_mem>>) src(%arg13 : memref<128x128xf32, #tpu.memory_space<vmem>>) dst(%dma_wait3A_99 : memref<10008x128xf32, #tpu.memory_space<vmem_shared>>)
      %add3A_100 = arith.constant 96 : i32
      %add3A_101 = arith.addi %mul3A_36, %add3A_100 : i32
      "tpu.region"() ({
        %run_scoped3A = tpu.sem_alloc : memref<!tpu.dma_semaphore, #tpu.memory_space<semaphore_mem>>
        %dma_start3A_144 = arith.constant 0 : i32
        %dma_start3A_145 = tpu.memref_slice %arg4[%add3A_101, %dma_start3A_144] : memref<2560x128xi32, #tpu.memory_space<hbm>> -> memref<32x128xi32, #tpu.memory_space<hbm>>
        %dma_start3A_146 = arith.constant 0 : i32
        %dma_start3A_147 = tpu.memref_slice %arg4[%add3A_101, %dma_start3A_146] : memref<2560x128xi32, #tpu.memory_space<hbm>> -> memref<32x128xi32, #tpu.memory_space<hbm>>
        tpu.enqueue_dma source(%dma_start3A_147 : memref<32x128xi32, #tpu.memory_space<hbm>>) target(%arg10 : memref<32x128xi32, #tpu.memory_space<vmem>>) target_semaphore(%run_scoped3A : memref<!tpu.dma_semaphore, #tpu.memory_space<semaphore_mem>>)
        %dma_wait3A_148 = arith.constant 0 : i32
        %dma_wait3A_149 = tpu.memref_slice %arg4[%add3A_101, %dma_wait3A_148] : memref<2560x128xi32, #tpu.memory_space<hbm>> -> memref<32x128xi32, #tpu.memory_space<hbm>>
        %dma_wait3A_150 = arith.constant 0 : i32
        %dma_wait3A_151 = tpu.memref_slice %arg4[%add3A_101, %dma_wait3A_150] : memref<2560x128xi32, #tpu.memory_space<hbm>> -> memref<32x128xi32, #tpu.memory_space<hbm>>
        tpu.wait_dma2 semaphore(%run_scoped3A : memref<!tpu.dma_semaphore, #tpu.memory_space<semaphore_mem>>) src(%dma_wait3A_151 : memref<32x128xi32, #tpu.memory_space<hbm>>) dst(%arg10 : memref<32x128xi32, #tpu.memory_space<vmem>>)
        tpu.yield
      }) : () -> ()
      "tpu.region"() ({
        %run_scoped3A = tpu.sem_alloc : memref<!tpu.dma_semaphore, #tpu.memory_space<semaphore_mem>>
        %dma_start3A_144 = arith.constant 0 : i32
        %dma_start3A_145 = tpu.memref_slice %arg5[%add3A_101, %dma_start3A_144] : memref<2560x128xi32, #tpu.memory_space<hbm>> -> memref<32x128xi32, #tpu.memory_space<hbm>>
        %dma_start3A_146 = arith.constant 0 : i32
        %dma_start3A_147 = tpu.memref_slice %arg5[%add3A_101, %dma_start3A_146] : memref<2560x128xi32, #tpu.memory_space<hbm>> -> memref<32x128xi32, #tpu.memory_space<hbm>>
        tpu.enqueue_dma source(%dma_start3A_147 : memref<32x128xi32, #tpu.memory_space<hbm>>) target(%arg11 : memref<32x128xi32, #tpu.memory_space<vmem>>) target_semaphore(%run_scoped3A : memref<!tpu.dma_semaphore, #tpu.memory_space<semaphore_mem>>)
        %dma_wait3A_148 = arith.constant 0 : i32
        %dma_wait3A_149 = tpu.memref_slice %arg5[%add3A_101, %dma_wait3A_148] : memref<2560x128xi32, #tpu.memory_space<hbm>> -> memref<32x128xi32, #tpu.memory_space<hbm>>
        %dma_wait3A_150 = arith.constant 0 : i32
        %dma_wait3A_151 = tpu.memref_slice %arg5[%add3A_101, %dma_wait3A_150] : memref<2560x128xi32, #tpu.memory_space<hbm>> -> memref<32x128xi32, #tpu.memory_space<hbm>>
        tpu.wait_dma2 semaphore(%run_scoped3A : memref<!tpu.dma_semaphore, #tpu.memory_space<semaphore_mem>>) src(%dma_wait3A_151 : memref<32x128xi32, #tpu.memory_space<hbm>>) dst(%arg11 : memref<32x128xi32, #tpu.memory_space<vmem>>)
        tpu.yield
      }) : () -> ()
      %dma_start3A_102 = arith.constant 0 : i32
      %dma_start3A_103 = arith.constant 0 : i32
      %dma_start3A_104 = tpu.memref_slice %arg10[%dma_start3A_102, %dma_start3A_103] : memref<32x128xi32, #tpu.memory_space<vmem>> -> memref<1x128xi32, #tpu.memory_space<vmem>>
      %dma_start3A_105 = tpu.memref_squeeze %dma_start3A_104 : memref<1x128xi32, #tpu.memory_space<vmem>> -> memref<128xi32, #tpu.memory_space<vmem>>
      %dma_start3A_106 = arith.constant 0 : i32
      %dma_start3A_107 = arith.constant 0 : i32
      %dma_start3A_108 = tpu.memref_slice %arg2[%dma_start3A_106, %dma_start3A_107] : memref<10000x128xf32, #tpu.memory_space<hbm>> -> memref<10000x128xf32, #tpu.memory_space<hbm>>
      tpu.enqueue_indirect_dma source(%dma_start3A_108 : memref<10000x128xf32, #tpu.memory_space<hbm>>) target(%arg12 : memref<128x128xf32, #tpu.memory_space<vmem>>) offsets(%dma_start3A_105 : memref<128xi32, #tpu.memory_space<vmem>>) semaphore(%arg14 : memref<!tpu.dma_semaphore, #tpu.memory_space<semaphore_mem>>)
      %scan3A_109 = arith.constant 0 : i32
      %scan3A_110 = arith.constant 0 : i32
      %scan3A_111 = arith.constant 16 : i32
      %scan3A_112 = arith.addi %scan3A_110, %scan3A_111 : i32
      %scan3A_113 = arith.constant 1 : i32
      scf.for %scan3A_144 = %scan3A_110 to %scan3A_112 step %scan3A_113  : i32 {
        %mul3A_145 = arith.constant 2 : i32
        %mul3A_146 = arith.muli %mul3A_145, %scan3A_144 : i32
        %add3A_147 = arith.constant 1 : i32
        %add3A_148 = arith.addi %mul3A_146, %add3A_147 : i32
        %dma_wait3A_149 = arith.constant 0 : i32
        %dma_wait3A_150 = tpu.memref_slice %arg10[%mul3A_146, %dma_wait3A_149] : memref<32x128xi32, #tpu.memory_space<vmem>> -> memref<1x128xi32, #tpu.memory_space<vmem>>
        %dma_wait3A_151 = tpu.memref_squeeze %dma_wait3A_150 : memref<1x128xi32, #tpu.memory_space<vmem>> -> memref<128xi32, #tpu.memory_space<vmem>>
        %dma_wait3A_152 = arith.constant 0 : i32
        %dma_wait3A_153 = arith.constant 0 : i32
        %dma_wait3A_154 = tpu.memref_slice %arg2[%dma_wait3A_152, %dma_wait3A_153] : memref<10000x128xf32, #tpu.memory_space<hbm>> -> memref<10000x128xf32, #tpu.memory_space<hbm>>
        tpu.wait_indirect_dma semaphore(%arg14 : memref<!tpu.dma_semaphore, #tpu.memory_space<semaphore_mem>>) src(%dma_wait3A_154 : memref<10000x128xf32, #tpu.memory_space<hbm>>) dst(%arg12 : memref<128x128xf32, #tpu.memory_space<vmem>>)
        %dma_start3A_155 = arith.constant 0 : i32
        %dma_start3A_156 = tpu.memref_slice %arg11[%mul3A_146, %dma_start3A_155] : memref<32x128xi32, #tpu.memory_space<vmem>> -> memref<1x128xi32, #tpu.memory_space<vmem>>
        %dma_start3A_157 = tpu.memref_squeeze %dma_start3A_156 : memref<1x128xi32, #tpu.memory_space<vmem>> -> memref<128xi32, #tpu.memory_space<vmem>>
        %dma_start3A_158 = arith.constant 0 : i32
        %dma_start3A_159 = arith.constant 0 : i32
        %dma_start3A_160 = tpu.memref_slice %arg9[%dma_start3A_158, %dma_start3A_159] : memref<10008x128xf32, #tpu.memory_space<vmem_shared>> -> memref<10008x128xf32, #tpu.memory_space<vmem_shared>>
        tpu.enqueue_indirect_dma source(%arg12 : memref<128x128xf32, #tpu.memory_space<vmem>>) target(%dma_start3A_160 : memref<10008x128xf32, #tpu.memory_space<vmem_shared>>) offsets(%dma_start3A_157 : memref<128xi32, #tpu.memory_space<vmem>>) semaphore(%arg16 : memref<!tpu.dma_semaphore, #tpu.memory_space<semaphore_mem>>) {add = true}
        %gt3A = arith.constant 0 : i32
        %gt3A_161 = arith.cmpi sgt, %scan3A_144, %gt3A : i32
        %convert_element_type3A_162 = arith.extui %gt3A_161 : i1 to i32
        %cond3A_163 = arith.constant 0 : i32
        %cond3A_164 = arith.cmpi ne, %convert_element_type3A_162, %cond3A_163 : i32
        scf.if %cond3A_164 {
          %sub3A = arith.constant 2 : i32
          %sub3A_194 = arith.subi %add3A_148, %sub3A : i32
          %dma_wait3A_195 = arith.constant 0 : i32
          %dma_wait3A_196 = tpu.memref_slice %arg11[%sub3A_194, %dma_wait3A_195] : memref<32x128xi32, #tpu.memory_space<vmem>> -> memref<1x128xi32, #tpu.memory_space<vmem>>
          %dma_wait3A_197 = tpu.memref_squeeze %dma_wait3A_196 : memref<1x128xi32, #tpu.memory_space<vmem>> -> memref<128xi32, #tpu.memory_space<vmem>>
          %dma_wait3A_198 = arith.constant 0 : i32
          %dma_wait3A_199 = arith.constant 0 : i32
          %dma_wait3A_200 = tpu.memref_slice %arg9[%dma_wait3A_198, %dma_wait3A_199] : memref<10008x128xf32, #tpu.memory_space<vmem_shared>> -> memref<10008x128xf32, #tpu.memory_space<vmem_shared>>
          tpu.wait_indirect_dma semaphore(%arg17 : memref<!tpu.dma_semaphore, #tpu.memory_space<semaphore_mem>>) src(%arg13 : memref<128x128xf32, #tpu.memory_space<vmem>>) dst(%dma_wait3A_200 : memref<10008x128xf32, #tpu.memory_space<vmem_shared>>)
        } else {
        }
        %dma_start3A_165 = arith.constant 0 : i32
        %dma_start3A_166 = tpu.memref_slice %arg10[%add3A_148, %dma_start3A_165] : memref<32x128xi32, #tpu.memory_space<vmem>> -> memref<1x128xi32, #tpu.memory_space<vmem>>
        %dma_start3A_167 = tpu.memref_squeeze %dma_start3A_166 : memref<1x128xi32, #tpu.memory_space<vmem>> -> memref<128xi32, #tpu.memory_space<vmem>>
        %dma_start3A_168 = arith.constant 0 : i32
        %dma_start3A_169 = arith.constant 0 : i32
        %dma_start3A_170 = tpu.memref_slice %arg2[%dma_start3A_168, %dma_start3A_169] : memref<10000x128xf32, #tpu.memory_space<hbm>> -> memref<10000x128xf32, #tpu.memory_space<hbm>>
        tpu.enqueue_indirect_dma source(%dma_start3A_170 : memref<10000x128xf32, #tpu.memory_space<hbm>>) target(%arg13 : memref<128x128xf32, #tpu.memory_space<vmem>>) offsets(%dma_start3A_167 : memref<128xi32, #tpu.memory_space<vmem>>) semaphore(%arg15 : memref<!tpu.dma_semaphore, #tpu.memory_space<semaphore_mem>>)
        %dma_wait3A_171 = arith.constant 0 : i32
        %dma_wait3A_172 = tpu.memref_slice %arg10[%add3A_148, %dma_wait3A_171] : memref<32x128xi32, #tpu.memory_space<vmem>> -> memref<1x128xi32, #tpu.memory_space<vmem>>
        %dma_wait3A_173 = tpu.memref_squeeze %dma_wait3A_172 : memref<1x128xi32, #tpu.memory_space<vmem>> -> memref<128xi32, #tpu.memory_space<vmem>>
        %dma_wait3A_174 = arith.constant 0 : i32
        %dma_wait3A_175 = arith.constant 0 : i32
        %dma_wait3A_176 = tpu.memref_slice %arg2[%dma_wait3A_174, %dma_wait3A_175] : memref<10000x128xf32, #tpu.memory_space<hbm>> -> memref<10000x128xf32, #tpu.memory_space<hbm>>
        tpu.wait_indirect_dma semaphore(%arg15 : memref<!tpu.dma_semaphore, #tpu.memory_space<semaphore_mem>>) src(%dma_wait3A_176 : memref<10000x128xf32, #tpu.memory_space<hbm>>) dst(%arg13 : memref<128x128xf32, #tpu.memory_space<vmem>>)
        %dma_start3A_177 = arith.constant 0 : i32
        %dma_start3A_178 = tpu.memref_slice %arg11[%add3A_148, %dma_start3A_177] : memref<32x128xi32, #tpu.memory_space<vmem>> -> memref<1x128xi32, #tpu.memory_space<vmem>>
        %dma_start3A_179 = tpu.memref_squeeze %dma_start3A_178 : memref<1x128xi32, #tpu.memory_space<vmem>> -> memref<128xi32, #tpu.memory_space<vmem>>
        %dma_start3A_180 = arith.constant 0 : i32
        %dma_start3A_181 = arith.constant 0 : i32
        %dma_start3A_182 = tpu.memref_slice %arg9[%dma_start3A_180, %dma_start3A_181] : memref<10008x128xf32, #tpu.memory_space<vmem_shared>> -> memref<10008x128xf32, #tpu.memory_space<vmem_shared>>
        tpu.enqueue_indirect_dma source(%arg13 : memref<128x128xf32, #tpu.memory_space<vmem>>) target(%dma_start3A_182 : memref<10008x128xf32, #tpu.memory_space<vmem_shared>>) offsets(%dma_start3A_179 : memref<128xi32, #tpu.memory_space<vmem>>) semaphore(%arg17 : memref<!tpu.dma_semaphore, #tpu.memory_space<semaphore_mem>>) {add = true}
        %dma_wait3A_183 = arith.constant 0 : i32
        %dma_wait3A_184 = tpu.memref_slice %arg11[%mul3A_146, %dma_wait3A_183] : memref<32x128xi32, #tpu.memory_space<vmem>> -> memref<1x128xi32, #tpu.memory_space<vmem>>
        %dma_wait3A_185 = tpu.memref_squeeze %dma_wait3A_184 : memref<1x128xi32, #tpu.memory_space<vmem>> -> memref<128xi32, #tpu.memory_space<vmem>>
        %dma_wait3A_186 = arith.constant 0 : i32
        %dma_wait3A_187 = arith.constant 0 : i32
        %dma_wait3A_188 = tpu.memref_slice %arg9[%dma_wait3A_186, %dma_wait3A_187] : memref<10008x128xf32, #tpu.memory_space<vmem_shared>> -> memref<10008x128xf32, #tpu.memory_space<vmem_shared>>
        tpu.wait_indirect_dma semaphore(%arg16 : memref<!tpu.dma_semaphore, #tpu.memory_space<semaphore_mem>>) src(%arg12 : memref<128x128xf32, #tpu.memory_space<vmem>>) dst(%dma_wait3A_188 : memref<10008x128xf32, #tpu.memory_space<vmem_shared>>)
        %lt3A_189 = arith.constant 15 : i32
        %lt3A_190 = arith.cmpi slt, %scan3A_144, %lt3A_189 : i32
        %convert_element_type3A_191 = arith.extui %lt3A_190 : i1 to i32
        %cond3A_192 = arith.constant 0 : i32
        %cond3A_193 = arith.cmpi ne, %convert_element_type3A_191, %cond3A_192 : i32
        scf.if %cond3A_193 {
          %add3A_194 = arith.constant 2 : i32
          %add3A_195 = arith.addi %mul3A_146, %add3A_194 : i32
          %dma_start3A_196 = arith.constant 0 : i32
          %dma_start3A_197 = tpu.memref_slice %arg10[%add3A_195, %dma_start3A_196] : memref<32x128xi32, #tpu.memory_space<vmem>> -> memref<1x128xi32, #tpu.memory_space<vmem>>
          %dma_start3A_198 = tpu.memref_squeeze %dma_start3A_197 : memref<1x128xi32, #tpu.memory_space<vmem>> -> memref<128xi32, #tpu.memory_space<vmem>>
          %dma_start3A_199 = arith.constant 0 : i32
          %dma_start3A_200 = arith.constant 0 : i32
          %dma_start3A_201 = tpu.memref_slice %arg2[%dma_start3A_199, %dma_start3A_200] : memref<10000x128xf32, #tpu.memory_space<hbm>> -> memref<10000x128xf32, #tpu.memory_space<hbm>>
          tpu.enqueue_indirect_dma source(%dma_start3A_201 : memref<10000x128xf32, #tpu.memory_space<hbm>>) target(%arg12 : memref<128x128xf32, #tpu.memory_space<vmem>>) offsets(%dma_start3A_198 : memref<128xi32, #tpu.memory_space<vmem>>) semaphore(%arg14 : memref<!tpu.dma_semaphore, #tpu.memory_space<semaphore_mem>>)
        } else {
        }
      }
      %scan3A_114 = arith.constant 16 : i32
      %dma_wait3A_115 = arith.constant 31 : i32
      %dma_wait3A_116 = arith.constant 0 : i32
      %dma_wait3A_117 = tpu.memref_slice %arg11[%dma_wait3A_115, %dma_wait3A_116] : memref<32x128xi32, #tpu.memory_space<vmem>> -> memref<1x128xi32, #tpu.memory_space<vmem>>
      %dma_wait3A_118 = tpu.memref_squeeze %dma_wait3A_117 : memref<1x128xi32, #tpu.memory_space<vmem>> -> memref<128xi32, #tpu.memory_space<vmem>>
      %dma_wait3A_119 = arith.constant 0 : i32
      %dma_wait3A_120 = arith.constant 0 : i32
      %dma_wait3A_121 = tpu.memref_slice %arg9[%dma_wait3A_119, %dma_wait3A_120] : memref<10008x128xf32, #tpu.memory_space<vmem_shared>> -> memref<10008x128xf32, #tpu.memory_space<vmem_shared>>
      tpu.wait_indirect_dma semaphore(%arg17 : memref<!tpu.dma_semaphore, #tpu.memory_space<semaphore_mem>>) src(%arg13 : memref<128x128xf32, #tpu.memory_space<vmem>>) dst(%dma_wait3A_121 : memref<10008x128xf32, #tpu.memory_space<vmem_shared>>)
      %add3A_122 = arith.constant 128 : i32
      %add3A_123 = arith.addi %mul3A_36, %add3A_122 : i32
      "tpu.region"() ({
        %run_scoped3A = tpu.sem_alloc : memref<!tpu.dma_semaphore, #tpu.memory_space<semaphore_mem>>
        %dma_start3A_144 = arith.constant 0 : i32
        %dma_start3A_145 = tpu.memref_slice %arg4[%add3A_123, %dma_start3A_144] : memref<2560x128xi32, #tpu.memory_space<hbm>> -> memref<32x128xi32, #tpu.memory_space<hbm>>
        %dma_start3A_146 = arith.constant 0 : i32
        %dma_start3A_147 = tpu.memref_slice %arg4[%add3A_123, %dma_start3A_146] : memref<2560x128xi32, #tpu.memory_space<hbm>> -> memref<32x128xi32, #tpu.memory_space<hbm>>
        tpu.enqueue_dma source(%dma_start3A_147 : memref<32x128xi32, #tpu.memory_space<hbm>>) target(%arg10 : memref<32x128xi32, #tpu.memory_space<vmem>>) target_semaphore(%run_scoped3A : memref<!tpu.dma_semaphore, #tpu.memory_space<semaphore_mem>>)
        %dma_wait3A_148 = arith.constant 0 : i32
        %dma_wait3A_149 = tpu.memref_slice %arg4[%add3A_123, %dma_wait3A_148] : memref<2560x128xi32, #tpu.memory_space<hbm>> -> memref<32x128xi32, #tpu.memory_space<hbm>>
        %dma_wait3A_150 = arith.constant 0 : i32
        %dma_wait3A_151 = tpu.memref_slice %arg4[%add3A_123, %dma_wait3A_150] : memref<2560x128xi32, #tpu.memory_space<hbm>> -> memref<32x128xi32, #tpu.memory_space<hbm>>
        tpu.wait_dma2 semaphore(%run_scoped3A : memref<!tpu.dma_semaphore, #tpu.memory_space<semaphore_mem>>) src(%dma_wait3A_151 : memref<32x128xi32, #tpu.memory_space<hbm>>) dst(%arg10 : memref<32x128xi32, #tpu.memory_space<vmem>>)
        tpu.yield
      }) : () -> ()
      "tpu.region"() ({
        %run_scoped3A = tpu.sem_alloc : memref<!tpu.dma_semaphore, #tpu.memory_space<semaphore_mem>>
        %dma_start3A_144 = arith.constant 0 : i32
        %dma_start3A_145 = tpu.memref_slice %arg5[%add3A_123, %dma_start3A_144] : memref<2560x128xi32, #tpu.memory_space<hbm>> -> memref<32x128xi32, #tpu.memory_space<hbm>>
        %dma_start3A_146 = arith.constant 0 : i32
        %dma_start3A_147 = tpu.memref_slice %arg5[%add3A_123, %dma_start3A_146] : memref<2560x128xi32, #tpu.memory_space<hbm>> -> memref<32x128xi32, #tpu.memory_space<hbm>>
        tpu.enqueue_dma source(%dma_start3A_147 : memref<32x128xi32, #tpu.memory_space<hbm>>) target(%arg11 : memref<32x128xi32, #tpu.memory_space<vmem>>) target_semaphore(%run_scoped3A : memref<!tpu.dma_semaphore, #tpu.memory_space<semaphore_mem>>)
        %dma_wait3A_148 = arith.constant 0 : i32
        %dma_wait3A_149 = tpu.memref_slice %arg5[%add3A_123, %dma_wait3A_148] : memref<2560x128xi32, #tpu.memory_space<hbm>> -> memref<32x128xi32, #tpu.memory_space<hbm>>
        %dma_wait3A_150 = arith.constant 0 : i32
        %dma_wait3A_151 = tpu.memref_slice %arg5[%add3A_123, %dma_wait3A_150] : memref<2560x128xi32, #tpu.memory_space<hbm>> -> memref<32x128xi32, #tpu.memory_space<hbm>>
        tpu.wait_dma2 semaphore(%run_scoped3A : memref<!tpu.dma_semaphore, #tpu.memory_space<semaphore_mem>>) src(%dma_wait3A_151 : memref<32x128xi32, #tpu.memory_space<hbm>>) dst(%arg11 : memref<32x128xi32, #tpu.memory_space<vmem>>)
        tpu.yield
      }) : () -> ()
      %dma_start3A_124 = arith.constant 0 : i32
      %dma_start3A_125 = arith.constant 0 : i32
      %dma_start3A_126 = tpu.memref_slice %arg10[%dma_start3A_124, %dma_start3A_125] : memref<32x128xi32, #tpu.memory_space<vmem>> -> memref<1x128xi32, #tpu.memory_space<vmem>>
      %dma_start3A_127 = tpu.memref_squeeze %dma_start3A_126 : memref<1x128xi32, #tpu.memory_space<vmem>> -> memref<128xi32, #tpu.memory_space<vmem>>
      %dma_start3A_128 = arith.constant 0 : i32
      %dma_start3A_129 = arith.constant 0 : i32
      %dma_start3A_130 = tpu.memref_slice %arg2[%dma_start3A_128, %dma_start3A_129] : memref<10000x128xf32, #tpu.memory_space<hbm>> -> memref<10000x128xf32, #tpu.memory_space<hbm>>
      tpu.enqueue_indirect_dma source(%dma_start3A_130 : memref<10000x128xf32, #tpu.memory_space<hbm>>) target(%arg12 : memref<128x128xf32, #tpu.memory_space<vmem>>) offsets(%dma_start3A_127 : memref<128xi32, #tpu.memory_space<vmem>>) semaphore(%arg14 : memref<!tpu.dma_semaphore, #tpu.memory_space<semaphore_mem>>)
      %scan3A_131 = arith.constant 0 : i32
      %scan3A_132 = arith.constant 0 : i32
      %scan3A_133 = arith.constant 16 : i32
      %scan3A_134 = arith.addi %scan3A_132, %scan3A_133 : i32
      %scan3A_135 = arith.constant 1 : i32
      scf.for %scan3A_144 = %scan3A_132 to %scan3A_134 step %scan3A_135  : i32 {
        %mul3A_145 = arith.constant 2 : i32
        %mul3A_146 = arith.muli %mul3A_145, %scan3A_144 : i32
        %add3A_147 = arith.constant 1 : i32
        %add3A_148 = arith.addi %mul3A_146, %add3A_147 : i32
        %dma_wait3A_149 = arith.constant 0 : i32
        %dma_wait3A_150 = tpu.memref_slice %arg10[%mul3A_146, %dma_wait3A_149] : memref<32x128xi32, #tpu.memory_space<vmem>> -> memref<1x128xi32, #tpu.memory_space<vmem>>
        %dma_wait3A_151 = tpu.memref_squeeze %dma_wait3A_150 : memref<1x128xi32, #tpu.memory_space<vmem>> -> memref<128xi32, #tpu.memory_space<vmem>>
        %dma_wait3A_152 = arith.constant 0 : i32
        %dma_wait3A_153 = arith.constant 0 : i32
        %dma_wait3A_154 = tpu.memref_slice %arg2[%dma_wait3A_152, %dma_wait3A_153] : memref<10000x128xf32, #tpu.memory_space<hbm>> -> memref<10000x128xf32, #tpu.memory_space<hbm>>
        tpu.wait_indirect_dma semaphore(%arg14 : memref<!tpu.dma_semaphore, #tpu.memory_space<semaphore_mem>>) src(%dma_wait3A_154 : memref<10000x128xf32, #tpu.memory_space<hbm>>) dst(%arg12 : memref<128x128xf32, #tpu.memory_space<vmem>>)
        %dma_start3A_155 = arith.constant 0 : i32
        %dma_start3A_156 = tpu.memref_slice %arg11[%mul3A_146, %dma_start3A_155] : memref<32x128xi32, #tpu.memory_space<vmem>> -> memref<1x128xi32, #tpu.memory_space<vmem>>
        %dma_start3A_157 = tpu.memref_squeeze %dma_start3A_156 : memref<1x128xi32, #tpu.memory_space<vmem>> -> memref<128xi32, #tpu.memory_space<vmem>>
        %dma_start3A_158 = arith.constant 0 : i32
        %dma_start3A_159 = arith.constant 0 : i32
        %dma_start3A_160 = tpu.memref_slice %arg9[%dma_start3A_158, %dma_start3A_159] : memref<10008x128xf32, #tpu.memory_space<vmem_shared>> -> memref<10008x128xf32, #tpu.memory_space<vmem_shared>>
        tpu.enqueue_indirect_dma source(%arg12 : memref<128x128xf32, #tpu.memory_space<vmem>>) target(%dma_start3A_160 : memref<10008x128xf32, #tpu.memory_space<vmem_shared>>) offsets(%dma_start3A_157 : memref<128xi32, #tpu.memory_space<vmem>>) semaphore(%arg16 : memref<!tpu.dma_semaphore, #tpu.memory_space<semaphore_mem>>) {add = true}
        %gt3A = arith.constant 0 : i32
        %gt3A_161 = arith.cmpi sgt, %scan3A_144, %gt3A : i32
        %convert_element_type3A_162 = arith.extui %gt3A_161 : i1 to i32
        %cond3A_163 = arith.constant 0 : i32
        %cond3A_164 = arith.cmpi ne, %convert_element_type3A_162, %cond3A_163 : i32
        scf.if %cond3A_164 {
          %sub3A = arith.constant 2 : i32
          %sub3A_194 = arith.subi %add3A_148, %sub3A : i32
          %dma_wait3A_195 = arith.constant 0 : i32
          %dma_wait3A_196 = tpu.memref_slice %arg11[%sub3A_194, %dma_wait3A_195] : memref<32x128xi32, #tpu.memory_space<vmem>> -> memref<1x128xi32, #tpu.memory_space<vmem>>
          %dma_wait3A_197 = tpu.memref_squeeze %dma_wait3A_196 : memref<1x128xi32, #tpu.memory_space<vmem>> -> memref<128xi32, #tpu.memory_space<vmem>>
          %dma_wait3A_198 = arith.constant 0 : i32
          %dma_wait3A_199 = arith.constant 0 : i32
          %dma_wait3A_200 = tpu.memref_slice %arg9[%dma_wait3A_198, %dma_wait3A_199] : memref<10008x128xf32, #tpu.memory_space<vmem_shared>> -> memref<10008x128xf32, #tpu.memory_space<vmem_shared>>
          tpu.wait_indirect_dma semaphore(%arg17 : memref<!tpu.dma_semaphore, #tpu.memory_space<semaphore_mem>>) src(%arg13 : memref<128x128xf32, #tpu.memory_space<vmem>>) dst(%dma_wait3A_200 : memref<10008x128xf32, #tpu.memory_space<vmem_shared>>)
        } else {
        }
        %dma_start3A_165 = arith.constant 0 : i32
        %dma_start3A_166 = tpu.memref_slice %arg10[%add3A_148, %dma_start3A_165] : memref<32x128xi32, #tpu.memory_space<vmem>> -> memref<1x128xi32, #tpu.memory_space<vmem>>
        %dma_start3A_167 = tpu.memref_squeeze %dma_start3A_166 : memref<1x128xi32, #tpu.memory_space<vmem>> -> memref<128xi32, #tpu.memory_space<vmem>>
        %dma_start3A_168 = arith.constant 0 : i32
        %dma_start3A_169 = arith.constant 0 : i32
        %dma_start3A_170 = tpu.memref_slice %arg2[%dma_start3A_168, %dma_start3A_169] : memref<10000x128xf32, #tpu.memory_space<hbm>> -> memref<10000x128xf32, #tpu.memory_space<hbm>>
        tpu.enqueue_indirect_dma source(%dma_start3A_170 : memref<10000x128xf32, #tpu.memory_space<hbm>>) target(%arg13 : memref<128x128xf32, #tpu.memory_space<vmem>>) offsets(%dma_start3A_167 : memref<128xi32, #tpu.memory_space<vmem>>) semaphore(%arg15 : memref<!tpu.dma_semaphore, #tpu.memory_space<semaphore_mem>>)
        %dma_wait3A_171 = arith.constant 0 : i32
        %dma_wait3A_172 = tpu.memref_slice %arg10[%add3A_148, %dma_wait3A_171] : memref<32x128xi32, #tpu.memory_space<vmem>> -> memref<1x128xi32, #tpu.memory_space<vmem>>
        %dma_wait3A_173 = tpu.memref_squeeze %dma_wait3A_172 : memref<1x128xi32, #tpu.memory_space<vmem>> -> memref<128xi32, #tpu.memory_space<vmem>>
        %dma_wait3A_174 = arith.constant 0 : i32
        %dma_wait3A_175 = arith.constant 0 : i32
        %dma_wait3A_176 = tpu.memref_slice %arg2[%dma_wait3A_174, %dma_wait3A_175] : memref<10000x128xf32, #tpu.memory_space<hbm>> -> memref<10000x128xf32, #tpu.memory_space<hbm>>
        tpu.wait_indirect_dma semaphore(%arg15 : memref<!tpu.dma_semaphore, #tpu.memory_space<semaphore_mem>>) src(%dma_wait3A_176 : memref<10000x128xf32, #tpu.memory_space<hbm>>) dst(%arg13 : memref<128x128xf32, #tpu.memory_space<vmem>>)
        %dma_start3A_177 = arith.constant 0 : i32
        %dma_start3A_178 = tpu.memref_slice %arg11[%add3A_148, %dma_start3A_177] : memref<32x128xi32, #tpu.memory_space<vmem>> -> memref<1x128xi32, #tpu.memory_space<vmem>>
        %dma_start3A_179 = tpu.memref_squeeze %dma_start3A_178 : memref<1x128xi32, #tpu.memory_space<vmem>> -> memref<128xi32, #tpu.memory_space<vmem>>
        %dma_start3A_180 = arith.constant 0 : i32
        %dma_start3A_181 = arith.constant 0 : i32
        %dma_start3A_182 = tpu.memref_slice %arg9[%dma_start3A_180, %dma_start3A_181] : memref<10008x128xf32, #tpu.memory_space<vmem_shared>> -> memref<10008x128xf32, #tpu.memory_space<vmem_shared>>
        tpu.enqueue_indirect_dma source(%arg13 : memref<128x128xf32, #tpu.memory_space<vmem>>) target(%dma_start3A_182 : memref<10008x128xf32, #tpu.memory_space<vmem_shared>>) offsets(%dma_start3A_179 : memref<128xi32, #tpu.memory_space<vmem>>) semaphore(%arg17 : memref<!tpu.dma_semaphore, #tpu.memory_space<semaphore_mem>>) {add = true}
        %dma_wait3A_183 = arith.constant 0 : i32
        %dma_wait3A_184 = tpu.memref_slice %arg11[%mul3A_146, %dma_wait3A_183] : memref<32x128xi32, #tpu.memory_space<vmem>> -> memref<1x128xi32, #tpu.memory_space<vmem>>
        %dma_wait3A_185 = tpu.memref_squeeze %dma_wait3A_184 : memref<1x128xi32, #tpu.memory_space<vmem>> -> memref<128xi32, #tpu.memory_space<vmem>>
        %dma_wait3A_186 = arith.constant 0 : i32
        %dma_wait3A_187 = arith.constant 0 : i32
        %dma_wait3A_188 = tpu.memref_slice %arg9[%dma_wait3A_186, %dma_wait3A_187] : memref<10008x128xf32, #tpu.memory_space<vmem_shared>> -> memref<10008x128xf32, #tpu.memory_space<vmem_shared>>
        tpu.wait_indirect_dma semaphore(%arg16 : memref<!tpu.dma_semaphore, #tpu.memory_space<semaphore_mem>>) src(%arg12 : memref<128x128xf32, #tpu.memory_space<vmem>>) dst(%dma_wait3A_188 : memref<10008x128xf32, #tpu.memory_space<vmem_shared>>)
        %lt3A_189 = arith.constant 15 : i32
        %lt3A_190 = arith.cmpi slt, %scan3A_144, %lt3A_189 : i32
        %convert_element_type3A_191 = arith.extui %lt3A_190 : i1 to i32
        %cond3A_192 = arith.constant 0 : i32
        %cond3A_193 = arith.cmpi ne, %convert_element_type3A_191, %cond3A_192 : i32
        scf.if %cond3A_193 {
          %add3A_194 = arith.constant 2 : i32
          %add3A_195 = arith.addi %mul3A_146, %add3A_194 : i32
          %dma_start3A_196 = arith.constant 0 : i32
          %dma_start3A_197 = tpu.memref_slice %arg10[%add3A_195, %dma_start3A_196] : memref<32x128xi32, #tpu.memory_space<vmem>> -> memref<1x128xi32, #tpu.memory_space<vmem>>
          %dma_start3A_198 = tpu.memref_squeeze %dma_start3A_197 : memref<1x128xi32, #tpu.memory_space<vmem>> -> memref<128xi32, #tpu.memory_space<vmem>>
          %dma_start3A_199 = arith.constant 0 : i32
          %dma_start3A_200 = arith.constant 0 : i32
          %dma_start3A_201 = tpu.memref_slice %arg2[%dma_start3A_199, %dma_start3A_200] : memref<10000x128xf32, #tpu.memory_space<hbm>> -> memref<10000x128xf32, #tpu.memory_space<hbm>>
          tpu.enqueue_indirect_dma source(%dma_start3A_201 : memref<10000x128xf32, #tpu.memory_space<hbm>>) target(%arg12 : memref<128x128xf32, #tpu.memory_space<vmem>>) offsets(%dma_start3A_198 : memref<128xi32, #tpu.memory_space<vmem>>) semaphore(%arg14 : memref<!tpu.dma_semaphore, #tpu.memory_space<semaphore_mem>>)
        } else {
        }
      }
      %scan3A_136 = arith.constant 16 : i32
      %dma_wait3A_137 = arith.constant 31 : i32
      %dma_wait3A_138 = arith.constant 0 : i32
      %dma_wait3A_139 = tpu.memref_slice %arg11[%dma_wait3A_137, %dma_wait3A_138] : memref<32x128xi32, #tpu.memory_space<vmem>> -> memref<1x128xi32, #tpu.memory_space<vmem>>
      %dma_wait3A_140 = tpu.memref_squeeze %dma_wait3A_139 : memref<1x128xi32, #tpu.memory_space<vmem>> -> memref<128xi32, #tpu.memory_space<vmem>>
      %dma_wait3A_141 = arith.constant 0 : i32
      %dma_wait3A_142 = arith.constant 0 : i32
      %dma_wait3A_143 = tpu.memref_slice %arg9[%dma_wait3A_141, %dma_wait3A_142] : memref<10008x128xf32, #tpu.memory_space<vmem_shared>> -> memref<10008x128xf32, #tpu.memory_space<vmem_shared>>
      tpu.wait_indirect_dma semaphore(%arg17 : memref<!tpu.dma_semaphore, #tpu.memory_space<semaphore_mem>>) src(%arg13 : memref<128x128xf32, #tpu.memory_space<vmem>>) dst(%dma_wait3A_143 : memref<10008x128xf32, #tpu.memory_space<vmem_shared>>)
    } else {
    }
    %eq3A_19 = arith.constant 1 : i32
    %eq3A_20 = arith.cmpi eq, %arg0, %eq3A_19 : i32
    %convert_element_type3A_21 = arith.extui %eq3A_20 : i1 to i32
    %cond3A_22 = arith.constant 0 : i32
    %cond3A_23 = arith.cmpi ne, %convert_element_type3A_21, %cond3A_22 : i32
    scf.if %cond3A_23 {
      %mul3A_35 = arith.constant 160 : i32
      %mul3A_36 = arith.muli %arg1, %mul3A_35 : i32
      %add3A_37 = arith.constant 0 : i32
      %add3A_38 = arith.addi %mul3A_36, %add3A_37 : i32
      "tpu.region"() ({
        %run_scoped3A = tpu.sem_alloc : memref<!tpu.dma_semaphore, #tpu.memory_space<semaphore_mem>>
        %dma_start3A_144 = arith.constant 0 : i32
        %dma_start3A_145 = tpu.memref_slice %arg4[%add3A_38, %dma_start3A_144] : memref<2560x128xi32, #tpu.memory_space<hbm>> -> memref<32x128xi32, #tpu.memory_space<hbm>>
        %dma_start3A_146 = arith.constant 0 : i32
        %dma_start3A_147 = tpu.memref_slice %arg4[%add3A_38, %dma_start3A_146] : memref<2560x128xi32, #tpu.memory_space<hbm>> -> memref<32x128xi32, #tpu.memory_space<hbm>>
        tpu.enqueue_dma source(%dma_start3A_147 : memref<32x128xi32, #tpu.memory_space<hbm>>) target(%arg10 : memref<32x128xi32, #tpu.memory_space<vmem>>) target_semaphore(%run_scoped3A : memref<!tpu.dma_semaphore, #tpu.memory_space<semaphore_mem>>)
        %dma_wait3A_148 = arith.constant 0 : i32
        %dma_wait3A_149 = tpu.memref_slice %arg4[%add3A_38, %dma_wait3A_148] : memref<2560x128xi32, #tpu.memory_space<hbm>> -> memref<32x128xi32, #tpu.memory_space<hbm>>
        %dma_wait3A_150 = arith.constant 0 : i32
        %dma_wait3A_151 = tpu.memref_slice %arg4[%add3A_38, %dma_wait3A_150] : memref<2560x128xi32, #tpu.memory_space<hbm>> -> memref<32x128xi32, #tpu.memory_space<hbm>>
        tpu.wait_dma2 semaphore(%run_scoped3A : memref<!tpu.dma_semaphore, #tpu.memory_space<semaphore_mem>>) src(%dma_wait3A_151 : memref<32x128xi32, #tpu.memory_space<hbm>>) dst(%arg10 : memref<32x128xi32, #tpu.memory_space<vmem>>)
        tpu.yield
      }) : () -> ()
      "tpu.region"() ({
        %run_scoped3A = tpu.sem_alloc : memref<!tpu.dma_semaphore, #tpu.memory_space<semaphore_mem>>
        %dma_start3A_144 = arith.constant 0 : i32
        %dma_start3A_145 = tpu.memref_slice %arg5[%add3A_38, %dma_start3A_144] : memref<2560x128xi32, #tpu.memory_space<hbm>> -> memref<32x128xi32, #tpu.memory_space<hbm>>
        %dma_start3A_146 = arith.constant 0 : i32
        %dma_start3A_147 = tpu.memref_slice %arg5[%add3A_38, %dma_start3A_146] : memref<2560x128xi32, #tpu.memory_space<hbm>> -> memref<32x128xi32, #tpu.memory_space<hbm>>
        tpu.enqueue_dma source(%dma_start3A_147 : memref<32x128xi32, #tpu.memory_space<hbm>>) target(%arg11 : memref<32x128xi32, #tpu.memory_space<vmem>>) target_semaphore(%run_scoped3A : memref<!tpu.dma_semaphore, #tpu.memory_space<semaphore_mem>>)
        %dma_wait3A_148 = arith.constant 0 : i32
        %dma_wait3A_149 = tpu.memref_slice %arg5[%add3A_38, %dma_wait3A_148] : memref<2560x128xi32, #tpu.memory_space<hbm>> -> memref<32x128xi32, #tpu.memory_space<hbm>>
        %dma_wait3A_150 = arith.constant 0 : i32
        %dma_wait3A_151 = tpu.memref_slice %arg5[%add3A_38, %dma_wait3A_150] : memref<2560x128xi32, #tpu.memory_space<hbm>> -> memref<32x128xi32, #tpu.memory_space<hbm>>
        tpu.wait_dma2 semaphore(%run_scoped3A : memref<!tpu.dma_semaphore, #tpu.memory_space<semaphore_mem>>) src(%dma_wait3A_151 : memref<32x128xi32, #tpu.memory_space<hbm>>) dst(%arg11 : memref<32x128xi32, #tpu.memory_space<vmem>>)
        tpu.yield
      }) : () -> ()
      %dma_start3A = arith.constant 0 : i32
      %dma_start3A_39 = arith.constant 0 : i32
      %dma_start3A_40 = tpu.memref_slice %arg10[%dma_start3A, %dma_start3A_39] : memref<32x128xi32, #tpu.memory_space<vmem>> -> memref<1x128xi32, #tpu.memory_space<vmem>>
      %dma_start3A_41 = tpu.memref_squeeze %dma_start3A_40 : memref<1x128xi32, #tpu.memory_space<vmem>> -> memref<128xi32, #tpu.memory_space<vmem>>
      %dma_start3A_42 = arith.constant 0 : i32
      %dma_start3A_43 = arith.constant 0 : i32
      %dma_start3A_44 = tpu.memref_slice %arg3[%dma_start3A_42, %dma_start3A_43] : memref<10000x128xf32, #tpu.memory_space<hbm>> -> memref<10000x128xf32, #tpu.memory_space<hbm>>
      tpu.enqueue_indirect_dma source(%dma_start3A_44 : memref<10000x128xf32, #tpu.memory_space<hbm>>) target(%arg12 : memref<128x128xf32, #tpu.memory_space<vmem>>) offsets(%dma_start3A_41 : memref<128xi32, #tpu.memory_space<vmem>>) semaphore(%arg14 : memref<!tpu.dma_semaphore, #tpu.memory_space<semaphore_mem>>)
      %scan3A = arith.constant 0 : i32
      %scan3A_45 = arith.constant 0 : i32
      %scan3A_46 = arith.constant 16 : i32
      %scan3A_47 = arith.addi %scan3A_45, %scan3A_46 : i32
      %scan3A_48 = arith.constant 1 : i32
      scf.for %scan3A_144 = %scan3A_45 to %scan3A_47 step %scan3A_48  : i32 {
        %mul3A_145 = arith.constant 2 : i32
        %mul3A_146 = arith.muli %mul3A_145, %scan3A_144 : i32
        %add3A_147 = arith.constant 1 : i32
        %add3A_148 = arith.addi %mul3A_146, %add3A_147 : i32
        %dma_wait3A_149 = arith.constant 0 : i32
        %dma_wait3A_150 = tpu.memref_slice %arg10[%mul3A_146, %dma_wait3A_149] : memref<32x128xi32, #tpu.memory_space<vmem>> -> memref<1x128xi32, #tpu.memory_space<vmem>>
        %dma_wait3A_151 = tpu.memref_squeeze %dma_wait3A_150 : memref<1x128xi32, #tpu.memory_space<vmem>> -> memref<128xi32, #tpu.memory_space<vmem>>
        %dma_wait3A_152 = arith.constant 0 : i32
        %dma_wait3A_153 = arith.constant 0 : i32
        %dma_wait3A_154 = tpu.memref_slice %arg3[%dma_wait3A_152, %dma_wait3A_153] : memref<10000x128xf32, #tpu.memory_space<hbm>> -> memref<10000x128xf32, #tpu.memory_space<hbm>>
        tpu.wait_indirect_dma semaphore(%arg14 : memref<!tpu.dma_semaphore, #tpu.memory_space<semaphore_mem>>) src(%dma_wait3A_154 : memref<10000x128xf32, #tpu.memory_space<hbm>>) dst(%arg12 : memref<128x128xf32, #tpu.memory_space<vmem>>)
        %dma_start3A_155 = arith.constant 0 : i32
        %dma_start3A_156 = tpu.memref_slice %arg11[%mul3A_146, %dma_start3A_155] : memref<32x128xi32, #tpu.memory_space<vmem>> -> memref<1x128xi32, #tpu.memory_space<vmem>>
        %dma_start3A_157 = tpu.memref_squeeze %dma_start3A_156 : memref<1x128xi32, #tpu.memory_space<vmem>> -> memref<128xi32, #tpu.memory_space<vmem>>
        %dma_start3A_158 = arith.constant 0 : i32
        %dma_start3A_159 = arith.constant 0 : i32
        %dma_start3A_160 = tpu.memref_slice %arg9[%dma_start3A_158, %dma_start3A_159] : memref<10008x128xf32, #tpu.memory_space<vmem_shared>> -> memref<10008x128xf32, #tpu.memory_space<vmem_shared>>
        tpu.enqueue_indirect_dma source(%arg12 : memref<128x128xf32, #tpu.memory_space<vmem>>) target(%dma_start3A_160 : memref<10008x128xf32, #tpu.memory_space<vmem_shared>>) offsets(%dma_start3A_157 : memref<128xi32, #tpu.memory_space<vmem>>) semaphore(%arg16 : memref<!tpu.dma_semaphore, #tpu.memory_space<semaphore_mem>>) {add = true}
        %gt3A = arith.constant 0 : i32
        %gt3A_161 = arith.cmpi sgt, %scan3A_144, %gt3A : i32
        %convert_element_type3A_162 = arith.extui %gt3A_161 : i1 to i32
        %cond3A_163 = arith.constant 0 : i32
        %cond3A_164 = arith.cmpi ne, %convert_element_type3A_162, %cond3A_163 : i32
        scf.if %cond3A_164 {
          %sub3A = arith.constant 2 : i32
          %sub3A_194 = arith.subi %add3A_148, %sub3A : i32
          %dma_wait3A_195 = arith.constant 0 : i32
          %dma_wait3A_196 = tpu.memref_slice %arg11[%sub3A_194, %dma_wait3A_195] : memref<32x128xi32, #tpu.memory_space<vmem>> -> memref<1x128xi32, #tpu.memory_space<vmem>>
          %dma_wait3A_197 = tpu.memref_squeeze %dma_wait3A_196 : memref<1x128xi32, #tpu.memory_space<vmem>> -> memref<128xi32, #tpu.memory_space<vmem>>
          %dma_wait3A_198 = arith.constant 0 : i32
          %dma_wait3A_199 = arith.constant 0 : i32
          %dma_wait3A_200 = tpu.memref_slice %arg9[%dma_wait3A_198, %dma_wait3A_199] : memref<10008x128xf32, #tpu.memory_space<vmem_shared>> -> memref<10008x128xf32, #tpu.memory_space<vmem_shared>>
          tpu.wait_indirect_dma semaphore(%arg17 : memref<!tpu.dma_semaphore, #tpu.memory_space<semaphore_mem>>) src(%arg13 : memref<128x128xf32, #tpu.memory_space<vmem>>) dst(%dma_wait3A_200 : memref<10008x128xf32, #tpu.memory_space<vmem_shared>>)
        } else {
        }
        %dma_start3A_165 = arith.constant 0 : i32
        %dma_start3A_166 = tpu.memref_slice %arg10[%add3A_148, %dma_start3A_165] : memref<32x128xi32, #tpu.memory_space<vmem>> -> memref<1x128xi32, #tpu.memory_space<vmem>>
        %dma_start3A_167 = tpu.memref_squeeze %dma_start3A_166 : memref<1x128xi32, #tpu.memory_space<vmem>> -> memref<128xi32, #tpu.memory_space<vmem>>
        %dma_start3A_168 = arith.constant 0 : i32
        %dma_start3A_169 = arith.constant 0 : i32
        %dma_start3A_170 = tpu.memref_slice %arg3[%dma_start3A_168, %dma_start3A_169] : memref<10000x128xf32, #tpu.memory_space<hbm>> -> memref<10000x128xf32, #tpu.memory_space<hbm>>
        tpu.enqueue_indirect_dma source(%dma_start3A_170 : memref<10000x128xf32, #tpu.memory_space<hbm>>) target(%arg13 : memref<128x128xf32, #tpu.memory_space<vmem>>) offsets(%dma_start3A_167 : memref<128xi32, #tpu.memory_space<vmem>>) semaphore(%arg15 : memref<!tpu.dma_semaphore, #tpu.memory_space<semaphore_mem>>)
        %dma_wait3A_171 = arith.constant 0 : i32
        %dma_wait3A_172 = tpu.memref_slice %arg10[%add3A_148, %dma_wait3A_171] : memref<32x128xi32, #tpu.memory_space<vmem>> -> memref<1x128xi32, #tpu.memory_space<vmem>>
        %dma_wait3A_173 = tpu.memref_squeeze %dma_wait3A_172 : memref<1x128xi32, #tpu.memory_space<vmem>> -> memref<128xi32, #tpu.memory_space<vmem>>
        %dma_wait3A_174 = arith.constant 0 : i32
        %dma_wait3A_175 = arith.constant 0 : i32
        %dma_wait3A_176 = tpu.memref_slice %arg3[%dma_wait3A_174, %dma_wait3A_175] : memref<10000x128xf32, #tpu.memory_space<hbm>> -> memref<10000x128xf32, #tpu.memory_space<hbm>>
        tpu.wait_indirect_dma semaphore(%arg15 : memref<!tpu.dma_semaphore, #tpu.memory_space<semaphore_mem>>) src(%dma_wait3A_176 : memref<10000x128xf32, #tpu.memory_space<hbm>>) dst(%arg13 : memref<128x128xf32, #tpu.memory_space<vmem>>)
        %dma_start3A_177 = arith.constant 0 : i32
        %dma_start3A_178 = tpu.memref_slice %arg11[%add3A_148, %dma_start3A_177] : memref<32x128xi32, #tpu.memory_space<vmem>> -> memref<1x128xi32, #tpu.memory_space<vmem>>
        %dma_start3A_179 = tpu.memref_squeeze %dma_start3A_178 : memref<1x128xi32, #tpu.memory_space<vmem>> -> memref<128xi32, #tpu.memory_space<vmem>>
        %dma_start3A_180 = arith.constant 0 : i32
        %dma_start3A_181 = arith.constant 0 : i32
        %dma_start3A_182 = tpu.memref_slice %arg9[%dma_start3A_180, %dma_start3A_181] : memref<10008x128xf32, #tpu.memory_space<vmem_shared>> -> memref<10008x128xf32, #tpu.memory_space<vmem_shared>>
        tpu.enqueue_indirect_dma source(%arg13 : memref<128x128xf32, #tpu.memory_space<vmem>>) target(%dma_start3A_182 : memref<10008x128xf32, #tpu.memory_space<vmem_shared>>) offsets(%dma_start3A_179 : memref<128xi32, #tpu.memory_space<vmem>>) semaphore(%arg17 : memref<!tpu.dma_semaphore, #tpu.memory_space<semaphore_mem>>) {add = true}
        %dma_wait3A_183 = arith.constant 0 : i32
        %dma_wait3A_184 = tpu.memref_slice %arg11[%mul3A_146, %dma_wait3A_183] : memref<32x128xi32, #tpu.memory_space<vmem>> -> memref<1x128xi32, #tpu.memory_space<vmem>>
        %dma_wait3A_185 = tpu.memref_squeeze %dma_wait3A_184 : memref<1x128xi32, #tpu.memory_space<vmem>> -> memref<128xi32, #tpu.memory_space<vmem>>
        %dma_wait3A_186 = arith.constant 0 : i32
        %dma_wait3A_187 = arith.constant 0 : i32
        %dma_wait3A_188 = tpu.memref_slice %arg9[%dma_wait3A_186, %dma_wait3A_187] : memref<10008x128xf32, #tpu.memory_space<vmem_shared>> -> memref<10008x128xf32, #tpu.memory_space<vmem_shared>>
        tpu.wait_indirect_dma semaphore(%arg16 : memref<!tpu.dma_semaphore, #tpu.memory_space<semaphore_mem>>) src(%arg12 : memref<128x128xf32, #tpu.memory_space<vmem>>) dst(%dma_wait3A_188 : memref<10008x128xf32, #tpu.memory_space<vmem_shared>>)
        %lt3A_189 = arith.constant 15 : i32
        %lt3A_190 = arith.cmpi slt, %scan3A_144, %lt3A_189 : i32
        %convert_element_type3A_191 = arith.extui %lt3A_190 : i1 to i32
        %cond3A_192 = arith.constant 0 : i32
        %cond3A_193 = arith.cmpi ne, %convert_element_type3A_191, %cond3A_192 : i32
        scf.if %cond3A_193 {
          %add3A_194 = arith.constant 2 : i32
          %add3A_195 = arith.addi %mul3A_146, %add3A_194 : i32
          %dma_start3A_196 = arith.constant 0 : i32
          %dma_start3A_197 = tpu.memref_slice %arg10[%add3A_195, %dma_start3A_196] : memref<32x128xi32, #tpu.memory_space<vmem>> -> memref<1x128xi32, #tpu.memory_space<vmem>>
          %dma_start3A_198 = tpu.memref_squeeze %dma_start3A_197 : memref<1x128xi32, #tpu.memory_space<vmem>> -> memref<128xi32, #tpu.memory_space<vmem>>
          %dma_start3A_199 = arith.constant 0 : i32
          %dma_start3A_200 = arith.constant 0 : i32
          %dma_start3A_201 = tpu.memref_slice %arg3[%dma_start3A_199, %dma_start3A_200] : memref<10000x128xf32, #tpu.memory_space<hbm>> -> memref<10000x128xf32, #tpu.memory_space<hbm>>
          tpu.enqueue_indirect_dma source(%dma_start3A_201 : memref<10000x128xf32, #tpu.memory_space<hbm>>) target(%arg12 : memref<128x128xf32, #tpu.memory_space<vmem>>) offsets(%dma_start3A_198 : memref<128xi32, #tpu.memory_space<vmem>>) semaphore(%arg14 : memref<!tpu.dma_semaphore, #tpu.memory_space<semaphore_mem>>)
        } else {
        }
      }
      %scan3A_49 = arith.constant 16 : i32
      %dma_wait3A = arith.constant 31 : i32
      %dma_wait3A_50 = arith.constant 0 : i32
      %dma_wait3A_51 = tpu.memref_slice %arg11[%dma_wait3A, %dma_wait3A_50] : memref<32x128xi32, #tpu.memory_space<vmem>> -> memref<1x128xi32, #tpu.memory_space<vmem>>
      %dma_wait3A_52 = tpu.memref_squeeze %dma_wait3A_51 : memref<1x128xi32, #tpu.memory_space<vmem>> -> memref<128xi32, #tpu.memory_space<vmem>>
      %dma_wait3A_53 = arith.constant 0 : i32
      %dma_wait3A_54 = arith.constant 0 : i32
      %dma_wait3A_55 = tpu.memref_slice %arg9[%dma_wait3A_53, %dma_wait3A_54] : memref<10008x128xf32, #tpu.memory_space<vmem_shared>> -> memref<10008x128xf32, #tpu.memory_space<vmem_shared>>
      tpu.wait_indirect_dma semaphore(%arg17 : memref<!tpu.dma_semaphore, #tpu.memory_space<semaphore_mem>>) src(%arg13 : memref<128x128xf32, #tpu.memory_space<vmem>>) dst(%dma_wait3A_55 : memref<10008x128xf32, #tpu.memory_space<vmem_shared>>)
      %add3A_56 = arith.constant 32 : i32
      %add3A_57 = arith.addi %mul3A_36, %add3A_56 : i32
      "tpu.region"() ({
        %run_scoped3A = tpu.sem_alloc : memref<!tpu.dma_semaphore, #tpu.memory_space<semaphore_mem>>
        %dma_start3A_144 = arith.constant 0 : i32
        %dma_start3A_145 = tpu.memref_slice %arg4[%add3A_57, %dma_start3A_144] : memref<2560x128xi32, #tpu.memory_space<hbm>> -> memref<32x128xi32, #tpu.memory_space<hbm>>
        %dma_start3A_146 = arith.constant 0 : i32
        %dma_start3A_147 = tpu.memref_slice %arg4[%add3A_57, %dma_start3A_146] : memref<2560x128xi32, #tpu.memory_space<hbm>> -> memref<32x128xi32, #tpu.memory_space<hbm>>
        tpu.enqueue_dma source(%dma_start3A_147 : memref<32x128xi32, #tpu.memory_space<hbm>>) target(%arg10 : memref<32x128xi32, #tpu.memory_space<vmem>>) target_semaphore(%run_scoped3A : memref<!tpu.dma_semaphore, #tpu.memory_space<semaphore_mem>>)
        %dma_wait3A_148 = arith.constant 0 : i32
        %dma_wait3A_149 = tpu.memref_slice %arg4[%add3A_57, %dma_wait3A_148] : memref<2560x128xi32, #tpu.memory_space<hbm>> -> memref<32x128xi32, #tpu.memory_space<hbm>>
        %dma_wait3A_150 = arith.constant 0 : i32
        %dma_wait3A_151 = tpu.memref_slice %arg4[%add3A_57, %dma_wait3A_150] : memref<2560x128xi32, #tpu.memory_space<hbm>> -> memref<32x128xi32, #tpu.memory_space<hbm>>
        tpu.wait_dma2 semaphore(%run_scoped3A : memref<!tpu.dma_semaphore, #tpu.memory_space<semaphore_mem>>) src(%dma_wait3A_151 : memref<32x128xi32, #tpu.memory_space<hbm>>) dst(%arg10 : memref<32x128xi32, #tpu.memory_space<vmem>>)
        tpu.yield
      }) : () -> ()
      "tpu.region"() ({
        %run_scoped3A = tpu.sem_alloc : memref<!tpu.dma_semaphore, #tpu.memory_space<semaphore_mem>>
        %dma_start3A_144 = arith.constant 0 : i32
        %dma_start3A_145 = tpu.memref_slice %arg5[%add3A_57, %dma_start3A_144] : memref<2560x128xi32, #tpu.memory_space<hbm>> -> memref<32x128xi32, #tpu.memory_space<hbm>>
        %dma_start3A_146 = arith.constant 0 : i32
        %dma_start3A_147 = tpu.memref_slice %arg5[%add3A_57, %dma_start3A_146] : memref<2560x128xi32, #tpu.memory_space<hbm>> -> memref<32x128xi32, #tpu.memory_space<hbm>>
        tpu.enqueue_dma source(%dma_start3A_147 : memref<32x128xi32, #tpu.memory_space<hbm>>) target(%arg11 : memref<32x128xi32, #tpu.memory_space<vmem>>) target_semaphore(%run_scoped3A : memref<!tpu.dma_semaphore, #tpu.memory_space<semaphore_mem>>)
        %dma_wait3A_148 = arith.constant 0 : i32
        %dma_wait3A_149 = tpu.memref_slice %arg5[%add3A_57, %dma_wait3A_148] : memref<2560x128xi32, #tpu.memory_space<hbm>> -> memref<32x128xi32, #tpu.memory_space<hbm>>
        %dma_wait3A_150 = arith.constant 0 : i32
        %dma_wait3A_151 = tpu.memref_slice %arg5[%add3A_57, %dma_wait3A_150] : memref<2560x128xi32, #tpu.memory_space<hbm>> -> memref<32x128xi32, #tpu.memory_space<hbm>>
        tpu.wait_dma2 semaphore(%run_scoped3A : memref<!tpu.dma_semaphore, #tpu.memory_space<semaphore_mem>>) src(%dma_wait3A_151 : memref<32x128xi32, #tpu.memory_space<hbm>>) dst(%arg11 : memref<32x128xi32, #tpu.memory_space<vmem>>)
        tpu.yield
      }) : () -> ()
      %dma_start3A_58 = arith.constant 0 : i32
      %dma_start3A_59 = arith.constant 0 : i32
      %dma_start3A_60 = tpu.memref_slice %arg10[%dma_start3A_58, %dma_start3A_59] : memref<32x128xi32, #tpu.memory_space<vmem>> -> memref<1x128xi32, #tpu.memory_space<vmem>>
      %dma_start3A_61 = tpu.memref_squeeze %dma_start3A_60 : memref<1x128xi32, #tpu.memory_space<vmem>> -> memref<128xi32, #tpu.memory_space<vmem>>
      %dma_start3A_62 = arith.constant 0 : i32
      %dma_start3A_63 = arith.constant 0 : i32
      %dma_start3A_64 = tpu.memref_slice %arg3[%dma_start3A_62, %dma_start3A_63] : memref<10000x128xf32, #tpu.memory_space<hbm>> -> memref<10000x128xf32, #tpu.memory_space<hbm>>
      tpu.enqueue_indirect_dma source(%dma_start3A_64 : memref<10000x128xf32, #tpu.memory_space<hbm>>) target(%arg12 : memref<128x128xf32, #tpu.memory_space<vmem>>) offsets(%dma_start3A_61 : memref<128xi32, #tpu.memory_space<vmem>>) semaphore(%arg14 : memref<!tpu.dma_semaphore, #tpu.memory_space<semaphore_mem>>)
      %scan3A_65 = arith.constant 0 : i32
      %scan3A_66 = arith.constant 0 : i32
      %scan3A_67 = arith.constant 16 : i32
      %scan3A_68 = arith.addi %scan3A_66, %scan3A_67 : i32
      %scan3A_69 = arith.constant 1 : i32
      scf.for %scan3A_144 = %scan3A_66 to %scan3A_68 step %scan3A_69  : i32 {
        %mul3A_145 = arith.constant 2 : i32
        %mul3A_146 = arith.muli %mul3A_145, %scan3A_144 : i32
        %add3A_147 = arith.constant 1 : i32
        %add3A_148 = arith.addi %mul3A_146, %add3A_147 : i32
        %dma_wait3A_149 = arith.constant 0 : i32
        %dma_wait3A_150 = tpu.memref_slice %arg10[%mul3A_146, %dma_wait3A_149] : memref<32x128xi32, #tpu.memory_space<vmem>> -> memref<1x128xi32, #tpu.memory_space<vmem>>
        %dma_wait3A_151 = tpu.memref_squeeze %dma_wait3A_150 : memref<1x128xi32, #tpu.memory_space<vmem>> -> memref<128xi32, #tpu.memory_space<vmem>>
        %dma_wait3A_152 = arith.constant 0 : i32
        %dma_wait3A_153 = arith.constant 0 : i32
        %dma_wait3A_154 = tpu.memref_slice %arg3[%dma_wait3A_152, %dma_wait3A_153] : memref<10000x128xf32, #tpu.memory_space<hbm>> -> memref<10000x128xf32, #tpu.memory_space<hbm>>
        tpu.wait_indirect_dma semaphore(%arg14 : memref<!tpu.dma_semaphore, #tpu.memory_space<semaphore_mem>>) src(%dma_wait3A_154 : memref<10000x128xf32, #tpu.memory_space<hbm>>) dst(%arg12 : memref<128x128xf32, #tpu.memory_space<vmem>>)
        %dma_start3A_155 = arith.constant 0 : i32
        %dma_start3A_156 = tpu.memref_slice %arg11[%mul3A_146, %dma_start3A_155] : memref<32x128xi32, #tpu.memory_space<vmem>> -> memref<1x128xi32, #tpu.memory_space<vmem>>
        %dma_start3A_157 = tpu.memref_squeeze %dma_start3A_156 : memref<1x128xi32, #tpu.memory_space<vmem>> -> memref<128xi32, #tpu.memory_space<vmem>>
        %dma_start3A_158 = arith.constant 0 : i32
        %dma_start3A_159 = arith.constant 0 : i32
        %dma_start3A_160 = tpu.memref_slice %arg9[%dma_start3A_158, %dma_start3A_159] : memref<10008x128xf32, #tpu.memory_space<vmem_shared>> -> memref<10008x128xf32, #tpu.memory_space<vmem_shared>>
        tpu.enqueue_indirect_dma source(%arg12 : memref<128x128xf32, #tpu.memory_space<vmem>>) target(%dma_start3A_160 : memref<10008x128xf32, #tpu.memory_space<vmem_shared>>) offsets(%dma_start3A_157 : memref<128xi32, #tpu.memory_space<vmem>>) semaphore(%arg16 : memref<!tpu.dma_semaphore, #tpu.memory_space<semaphore_mem>>) {add = true}
        %gt3A = arith.constant 0 : i32
        %gt3A_161 = arith.cmpi sgt, %scan3A_144, %gt3A : i32
        %convert_element_type3A_162 = arith.extui %gt3A_161 : i1 to i32
        %cond3A_163 = arith.constant 0 : i32
        %cond3A_164 = arith.cmpi ne, %convert_element_type3A_162, %cond3A_163 : i32
        scf.if %cond3A_164 {
          %sub3A = arith.constant 2 : i32
          %sub3A_194 = arith.subi %add3A_148, %sub3A : i32
          %dma_wait3A_195 = arith.constant 0 : i32
          %dma_wait3A_196 = tpu.memref_slice %arg11[%sub3A_194, %dma_wait3A_195] : memref<32x128xi32, #tpu.memory_space<vmem>> -> memref<1x128xi32, #tpu.memory_space<vmem>>
          %dma_wait3A_197 = tpu.memref_squeeze %dma_wait3A_196 : memref<1x128xi32, #tpu.memory_space<vmem>> -> memref<128xi32, #tpu.memory_space<vmem>>
          %dma_wait3A_198 = arith.constant 0 : i32
          %dma_wait3A_199 = arith.constant 0 : i32
          %dma_wait3A_200 = tpu.memref_slice %arg9[%dma_wait3A_198, %dma_wait3A_199] : memref<10008x128xf32, #tpu.memory_space<vmem_shared>> -> memref<10008x128xf32, #tpu.memory_space<vmem_shared>>
          tpu.wait_indirect_dma semaphore(%arg17 : memref<!tpu.dma_semaphore, #tpu.memory_space<semaphore_mem>>) src(%arg13 : memref<128x128xf32, #tpu.memory_space<vmem>>) dst(%dma_wait3A_200 : memref<10008x128xf32, #tpu.memory_space<vmem_shared>>)
        } else {
        }
        %dma_start3A_165 = arith.constant 0 : i32
        %dma_start3A_166 = tpu.memref_slice %arg10[%add3A_148, %dma_start3A_165] : memref<32x128xi32, #tpu.memory_space<vmem>> -> memref<1x128xi32, #tpu.memory_space<vmem>>
        %dma_start3A_167 = tpu.memref_squeeze %dma_start3A_166 : memref<1x128xi32, #tpu.memory_space<vmem>> -> memref<128xi32, #tpu.memory_space<vmem>>
        %dma_start3A_168 = arith.constant 0 : i32
        %dma_start3A_169 = arith.constant 0 : i32
        %dma_start3A_170 = tpu.memref_slice %arg3[%dma_start3A_168, %dma_start3A_169] : memref<10000x128xf32, #tpu.memory_space<hbm>> -> memref<10000x128xf32, #tpu.memory_space<hbm>>
        tpu.enqueue_indirect_dma source(%dma_start3A_170 : memref<10000x128xf32, #tpu.memory_space<hbm>>) target(%arg13 : memref<128x128xf32, #tpu.memory_space<vmem>>) offsets(%dma_start3A_167 : memref<128xi32, #tpu.memory_space<vmem>>) semaphore(%arg15 : memref<!tpu.dma_semaphore, #tpu.memory_space<semaphore_mem>>)
        %dma_wait3A_171 = arith.constant 0 : i32
        %dma_wait3A_172 = tpu.memref_slice %arg10[%add3A_148, %dma_wait3A_171] : memref<32x128xi32, #tpu.memory_space<vmem>> -> memref<1x128xi32, #tpu.memory_space<vmem>>
        %dma_wait3A_173 = tpu.memref_squeeze %dma_wait3A_172 : memref<1x128xi32, #tpu.memory_space<vmem>> -> memref<128xi32, #tpu.memory_space<vmem>>
        %dma_wait3A_174 = arith.constant 0 : i32
        %dma_wait3A_175 = arith.constant 0 : i32
        %dma_wait3A_176 = tpu.memref_slice %arg3[%dma_wait3A_174, %dma_wait3A_175] : memref<10000x128xf32, #tpu.memory_space<hbm>> -> memref<10000x128xf32, #tpu.memory_space<hbm>>
        tpu.wait_indirect_dma semaphore(%arg15 : memref<!tpu.dma_semaphore, #tpu.memory_space<semaphore_mem>>) src(%dma_wait3A_176 : memref<10000x128xf32, #tpu.memory_space<hbm>>) dst(%arg13 : memref<128x128xf32, #tpu.memory_space<vmem>>)
        %dma_start3A_177 = arith.constant 0 : i32
        %dma_start3A_178 = tpu.memref_slice %arg11[%add3A_148, %dma_start3A_177] : memref<32x128xi32, #tpu.memory_space<vmem>> -> memref<1x128xi32, #tpu.memory_space<vmem>>
        %dma_start3A_179 = tpu.memref_squeeze %dma_start3A_178 : memref<1x128xi32, #tpu.memory_space<vmem>> -> memref<128xi32, #tpu.memory_space<vmem>>
        %dma_start3A_180 = arith.constant 0 : i32
        %dma_start3A_181 = arith.constant 0 : i32
        %dma_start3A_182 = tpu.memref_slice %arg9[%dma_start3A_180, %dma_start3A_181] : memref<10008x128xf32, #tpu.memory_space<vmem_shared>> -> memref<10008x128xf32, #tpu.memory_space<vmem_shared>>
        tpu.enqueue_indirect_dma source(%arg13 : memref<128x128xf32, #tpu.memory_space<vmem>>) target(%dma_start3A_182 : memref<10008x128xf32, #tpu.memory_space<vmem_shared>>) offsets(%dma_start3A_179 : memref<128xi32, #tpu.memory_space<vmem>>) semaphore(%arg17 : memref<!tpu.dma_semaphore, #tpu.memory_space<semaphore_mem>>) {add = true}
        %dma_wait3A_183 = arith.constant 0 : i32
        %dma_wait3A_184 = tpu.memref_slice %arg11[%mul3A_146, %dma_wait3A_183] : memref<32x128xi32, #tpu.memory_space<vmem>> -> memref<1x128xi32, #tpu.memory_space<vmem>>
        %dma_wait3A_185 = tpu.memref_squeeze %dma_wait3A_184 : memref<1x128xi32, #tpu.memory_space<vmem>> -> memref<128xi32, #tpu.memory_space<vmem>>
        %dma_wait3A_186 = arith.constant 0 : i32
        %dma_wait3A_187 = arith.constant 0 : i32
        %dma_wait3A_188 = tpu.memref_slice %arg9[%dma_wait3A_186, %dma_wait3A_187] : memref<10008x128xf32, #tpu.memory_space<vmem_shared>> -> memref<10008x128xf32, #tpu.memory_space<vmem_shared>>
        tpu.wait_indirect_dma semaphore(%arg16 : memref<!tpu.dma_semaphore, #tpu.memory_space<semaphore_mem>>) src(%arg12 : memref<128x128xf32, #tpu.memory_space<vmem>>) dst(%dma_wait3A_188 : memref<10008x128xf32, #tpu.memory_space<vmem_shared>>)
        %lt3A_189 = arith.constant 15 : i32
        %lt3A_190 = arith.cmpi slt, %scan3A_144, %lt3A_189 : i32
        %convert_element_type3A_191 = arith.extui %lt3A_190 : i1 to i32
        %cond3A_192 = arith.constant 0 : i32
        %cond3A_193 = arith.cmpi ne, %convert_element_type3A_191, %cond3A_192 : i32
        scf.if %cond3A_193 {
          %add3A_194 = arith.constant 2 : i32
          %add3A_195 = arith.addi %mul3A_146, %add3A_194 : i32
          %dma_start3A_196 = arith.constant 0 : i32
          %dma_start3A_197 = tpu.memref_slice %arg10[%add3A_195, %dma_start3A_196] : memref<32x128xi32, #tpu.memory_space<vmem>> -> memref<1x128xi32, #tpu.memory_space<vmem>>
          %dma_start3A_198 = tpu.memref_squeeze %dma_start3A_197 : memref<1x128xi32, #tpu.memory_space<vmem>> -> memref<128xi32, #tpu.memory_space<vmem>>
          %dma_start3A_199 = arith.constant 0 : i32
          %dma_start3A_200 = arith.constant 0 : i32
          %dma_start3A_201 = tpu.memref_slice %arg3[%dma_start3A_199, %dma_start3A_200] : memref<10000x128xf32, #tpu.memory_space<hbm>> -> memref<10000x128xf32, #tpu.memory_space<hbm>>
          tpu.enqueue_indirect_dma source(%dma_start3A_201 : memref<10000x128xf32, #tpu.memory_space<hbm>>) target(%arg12 : memref<128x128xf32, #tpu.memory_space<vmem>>) offsets(%dma_start3A_198 : memref<128xi32, #tpu.memory_space<vmem>>) semaphore(%arg14 : memref<!tpu.dma_semaphore, #tpu.memory_space<semaphore_mem>>)
        } else {
        }
      }
      %scan3A_70 = arith.constant 16 : i32
      %dma_wait3A_71 = arith.constant 31 : i32
      %dma_wait3A_72 = arith.constant 0 : i32
      %dma_wait3A_73 = tpu.memref_slice %arg11[%dma_wait3A_71, %dma_wait3A_72] : memref<32x128xi32, #tpu.memory_space<vmem>> -> memref<1x128xi32, #tpu.memory_space<vmem>>
      %dma_wait3A_74 = tpu.memref_squeeze %dma_wait3A_73 : memref<1x128xi32, #tpu.memory_space<vmem>> -> memref<128xi32, #tpu.memory_space<vmem>>
      %dma_wait3A_75 = arith.constant 0 : i32
      %dma_wait3A_76 = arith.constant 0 : i32
      %dma_wait3A_77 = tpu.memref_slice %arg9[%dma_wait3A_75, %dma_wait3A_76] : memref<10008x128xf32, #tpu.memory_space<vmem_shared>> -> memref<10008x128xf32, #tpu.memory_space<vmem_shared>>
      tpu.wait_indirect_dma semaphore(%arg17 : memref<!tpu.dma_semaphore, #tpu.memory_space<semaphore_mem>>) src(%arg13 : memref<128x128xf32, #tpu.memory_space<vmem>>) dst(%dma_wait3A_77 : memref<10008x128xf32, #tpu.memory_space<vmem_shared>>)
      %add3A_78 = arith.constant 64 : i32
      %add3A_79 = arith.addi %mul3A_36, %add3A_78 : i32
      "tpu.region"() ({
        %run_scoped3A = tpu.sem_alloc : memref<!tpu.dma_semaphore, #tpu.memory_space<semaphore_mem>>
        %dma_start3A_144 = arith.constant 0 : i32
        %dma_start3A_145 = tpu.memref_slice %arg4[%add3A_79, %dma_start3A_144] : memref<2560x128xi32, #tpu.memory_space<hbm>> -> memref<32x128xi32, #tpu.memory_space<hbm>>
        %dma_start3A_146 = arith.constant 0 : i32
        %dma_start3A_147 = tpu.memref_slice %arg4[%add3A_79, %dma_start3A_146] : memref<2560x128xi32, #tpu.memory_space<hbm>> -> memref<32x128xi32, #tpu.memory_space<hbm>>
        tpu.enqueue_dma source(%dma_start3A_147 : memref<32x128xi32, #tpu.memory_space<hbm>>) target(%arg10 : memref<32x128xi32, #tpu.memory_space<vmem>>) target_semaphore(%run_scoped3A : memref<!tpu.dma_semaphore, #tpu.memory_space<semaphore_mem>>)
        %dma_wait3A_148 = arith.constant 0 : i32
        %dma_wait3A_149 = tpu.memref_slice %arg4[%add3A_79, %dma_wait3A_148] : memref<2560x128xi32, #tpu.memory_space<hbm>> -> memref<32x128xi32, #tpu.memory_space<hbm>>
        %dma_wait3A_150 = arith.constant 0 : i32
        %dma_wait3A_151 = tpu.memref_slice %arg4[%add3A_79, %dma_wait3A_150] : memref<2560x128xi32, #tpu.memory_space<hbm>> -> memref<32x128xi32, #tpu.memory_space<hbm>>
        tpu.wait_dma2 semaphore(%run_scoped3A : memref<!tpu.dma_semaphore, #tpu.memory_space<semaphore_mem>>) src(%dma_wait3A_151 : memref<32x128xi32, #tpu.memory_space<hbm>>) dst(%arg10 : memref<32x128xi32, #tpu.memory_space<vmem>>)
        tpu.yield
      }) : () -> ()
      "tpu.region"() ({
        %run_scoped3A = tpu.sem_alloc : memref<!tpu.dma_semaphore, #tpu.memory_space<semaphore_mem>>
        %dma_start3A_144 = arith.constant 0 : i32
        %dma_start3A_145 = tpu.memref_slice %arg5[%add3A_79, %dma_start3A_144] : memref<2560x128xi32, #tpu.memory_space<hbm>> -> memref<32x128xi32, #tpu.memory_space<hbm>>
        %dma_start3A_146 = arith.constant 0 : i32
        %dma_start3A_147 = tpu.memref_slice %arg5[%add3A_79, %dma_start3A_146] : memref<2560x128xi32, #tpu.memory_space<hbm>> -> memref<32x128xi32, #tpu.memory_space<hbm>>
        tpu.enqueue_dma source(%dma_start3A_147 : memref<32x128xi32, #tpu.memory_space<hbm>>) target(%arg11 : memref<32x128xi32, #tpu.memory_space<vmem>>) target_semaphore(%run_scoped3A : memref<!tpu.dma_semaphore, #tpu.memory_space<semaphore_mem>>)
        %dma_wait3A_148 = arith.constant 0 : i32
        %dma_wait3A_149 = tpu.memref_slice %arg5[%add3A_79, %dma_wait3A_148] : memref<2560x128xi32, #tpu.memory_space<hbm>> -> memref<32x128xi32, #tpu.memory_space<hbm>>
        %dma_wait3A_150 = arith.constant 0 : i32
        %dma_wait3A_151 = tpu.memref_slice %arg5[%add3A_79, %dma_wait3A_150] : memref<2560x128xi32, #tpu.memory_space<hbm>> -> memref<32x128xi32, #tpu.memory_space<hbm>>
        tpu.wait_dma2 semaphore(%run_scoped3A : memref<!tpu.dma_semaphore, #tpu.memory_space<semaphore_mem>>) src(%dma_wait3A_151 : memref<32x128xi32, #tpu.memory_space<hbm>>) dst(%arg11 : memref<32x128xi32, #tpu.memory_space<vmem>>)
        tpu.yield
      }) : () -> ()
      %dma_start3A_80 = arith.constant 0 : i32
      %dma_start3A_81 = arith.constant 0 : i32
      %dma_start3A_82 = tpu.memref_slice %arg10[%dma_start3A_80, %dma_start3A_81] : memref<32x128xi32, #tpu.memory_space<vmem>> -> memref<1x128xi32, #tpu.memory_space<vmem>>
      %dma_start3A_83 = tpu.memref_squeeze %dma_start3A_82 : memref<1x128xi32, #tpu.memory_space<vmem>> -> memref<128xi32, #tpu.memory_space<vmem>>
      %dma_start3A_84 = arith.constant 0 : i32
      %dma_start3A_85 = arith.constant 0 : i32
      %dma_start3A_86 = tpu.memref_slice %arg3[%dma_start3A_84, %dma_start3A_85] : memref<10000x128xf32, #tpu.memory_space<hbm>> -> memref<10000x128xf32, #tpu.memory_space<hbm>>
      tpu.enqueue_indirect_dma source(%dma_start3A_86 : memref<10000x128xf32, #tpu.memory_space<hbm>>) target(%arg12 : memref<128x128xf32, #tpu.memory_space<vmem>>) offsets(%dma_start3A_83 : memref<128xi32, #tpu.memory_space<vmem>>) semaphore(%arg14 : memref<!tpu.dma_semaphore, #tpu.memory_space<semaphore_mem>>)
      %scan3A_87 = arith.constant 0 : i32
      %scan3A_88 = arith.constant 0 : i32
      %scan3A_89 = arith.constant 16 : i32
      %scan3A_90 = arith.addi %scan3A_88, %scan3A_89 : i32
      %scan3A_91 = arith.constant 1 : i32
      scf.for %scan3A_144 = %scan3A_88 to %scan3A_90 step %scan3A_91  : i32 {
        %mul3A_145 = arith.constant 2 : i32
        %mul3A_146 = arith.muli %mul3A_145, %scan3A_144 : i32
        %add3A_147 = arith.constant 1 : i32
        %add3A_148 = arith.addi %mul3A_146, %add3A_147 : i32
        %dma_wait3A_149 = arith.constant 0 : i32
        %dma_wait3A_150 = tpu.memref_slice %arg10[%mul3A_146, %dma_wait3A_149] : memref<32x128xi32, #tpu.memory_space<vmem>> -> memref<1x128xi32, #tpu.memory_space<vmem>>
        %dma_wait3A_151 = tpu.memref_squeeze %dma_wait3A_150 : memref<1x128xi32, #tpu.memory_space<vmem>> -> memref<128xi32, #tpu.memory_space<vmem>>
        %dma_wait3A_152 = arith.constant 0 : i32
        %dma_wait3A_153 = arith.constant 0 : i32
        %dma_wait3A_154 = tpu.memref_slice %arg3[%dma_wait3A_152, %dma_wait3A_153] : memref<10000x128xf32, #tpu.memory_space<hbm>> -> memref<10000x128xf32, #tpu.memory_space<hbm>>
        tpu.wait_indirect_dma semaphore(%arg14 : memref<!tpu.dma_semaphore, #tpu.memory_space<semaphore_mem>>) src(%dma_wait3A_154 : memref<10000x128xf32, #tpu.memory_space<hbm>>) dst(%arg12 : memref<128x128xf32, #tpu.memory_space<vmem>>)
        %dma_start3A_155 = arith.constant 0 : i32
        %dma_start3A_156 = tpu.memref_slice %arg11[%mul3A_146, %dma_start3A_155] : memref<32x128xi32, #tpu.memory_space<vmem>> -> memref<1x128xi32, #tpu.memory_space<vmem>>
        %dma_start3A_157 = tpu.memref_squeeze %dma_start3A_156 : memref<1x128xi32, #tpu.memory_space<vmem>> -> memref<128xi32, #tpu.memory_space<vmem>>
        %dma_start3A_158 = arith.constant 0 : i32
        %dma_start3A_159 = arith.constant 0 : i32
        %dma_start3A_160 = tpu.memref_slice %arg9[%dma_start3A_158, %dma_start3A_159] : memref<10008x128xf32, #tpu.memory_space<vmem_shared>> -> memref<10008x128xf32, #tpu.memory_space<vmem_shared>>
        tpu.enqueue_indirect_dma source(%arg12 : memref<128x128xf32, #tpu.memory_space<vmem>>) target(%dma_start3A_160 : memref<10008x128xf32, #tpu.memory_space<vmem_shared>>) offsets(%dma_start3A_157 : memref<128xi32, #tpu.memory_space<vmem>>) semaphore(%arg16 : memref<!tpu.dma_semaphore, #tpu.memory_space<semaphore_mem>>) {add = true}
        %gt3A = arith.constant 0 : i32
        %gt3A_161 = arith.cmpi sgt, %scan3A_144, %gt3A : i32
        %convert_element_type3A_162 = arith.extui %gt3A_161 : i1 to i32
        %cond3A_163 = arith.constant 0 : i32
        %cond3A_164 = arith.cmpi ne, %convert_element_type3A_162, %cond3A_163 : i32
        scf.if %cond3A_164 {
          %sub3A = arith.constant 2 : i32
          %sub3A_194 = arith.subi %add3A_148, %sub3A : i32
          %dma_wait3A_195 = arith.constant 0 : i32
          %dma_wait3A_196 = tpu.memref_slice %arg11[%sub3A_194, %dma_wait3A_195] : memref<32x128xi32, #tpu.memory_space<vmem>> -> memref<1x128xi32, #tpu.memory_space<vmem>>
          %dma_wait3A_197 = tpu.memref_squeeze %dma_wait3A_196 : memref<1x128xi32, #tpu.memory_space<vmem>> -> memref<128xi32, #tpu.memory_space<vmem>>
          %dma_wait3A_198 = arith.constant 0 : i32
          %dma_wait3A_199 = arith.constant 0 : i32
          %dma_wait3A_200 = tpu.memref_slice %arg9[%dma_wait3A_198, %dma_wait3A_199] : memref<10008x128xf32, #tpu.memory_space<vmem_shared>> -> memref<10008x128xf32, #tpu.memory_space<vmem_shared>>
          tpu.wait_indirect_dma semaphore(%arg17 : memref<!tpu.dma_semaphore, #tpu.memory_space<semaphore_mem>>) src(%arg13 : memref<128x128xf32, #tpu.memory_space<vmem>>) dst(%dma_wait3A_200 : memref<10008x128xf32, #tpu.memory_space<vmem_shared>>)
        } else {
        }
        %dma_start3A_165 = arith.constant 0 : i32
        %dma_start3A_166 = tpu.memref_slice %arg10[%add3A_148, %dma_start3A_165] : memref<32x128xi32, #tpu.memory_space<vmem>> -> memref<1x128xi32, #tpu.memory_space<vmem>>
        %dma_start3A_167 = tpu.memref_squeeze %dma_start3A_166 : memref<1x128xi32, #tpu.memory_space<vmem>> -> memref<128xi32, #tpu.memory_space<vmem>>
        %dma_start3A_168 = arith.constant 0 : i32
        %dma_start3A_169 = arith.constant 0 : i32
        %dma_start3A_170 = tpu.memref_slice %arg3[%dma_start3A_168, %dma_start3A_169] : memref<10000x128xf32, #tpu.memory_space<hbm>> -> memref<10000x128xf32, #tpu.memory_space<hbm>>
        tpu.enqueue_indirect_dma source(%dma_start3A_170 : memref<10000x128xf32, #tpu.memory_space<hbm>>) target(%arg13 : memref<128x128xf32, #tpu.memory_space<vmem>>) offsets(%dma_start3A_167 : memref<128xi32, #tpu.memory_space<vmem>>) semaphore(%arg15 : memref<!tpu.dma_semaphore, #tpu.memory_space<semaphore_mem>>)
        %dma_wait3A_171 = arith.constant 0 : i32
        %dma_wait3A_172 = tpu.memref_slice %arg10[%add3A_148, %dma_wait3A_171] : memref<32x128xi32, #tpu.memory_space<vmem>> -> memref<1x128xi32, #tpu.memory_space<vmem>>
        %dma_wait3A_173 = tpu.memref_squeeze %dma_wait3A_172 : memref<1x128xi32, #tpu.memory_space<vmem>> -> memref<128xi32, #tpu.memory_space<vmem>>
        %dma_wait3A_174 = arith.constant 0 : i32
        %dma_wait3A_175 = arith.constant 0 : i32
        %dma_wait3A_176 = tpu.memref_slice %arg3[%dma_wait3A_174, %dma_wait3A_175] : memref<10000x128xf32, #tpu.memory_space<hbm>> -> memref<10000x128xf32, #tpu.memory_space<hbm>>
        tpu.wait_indirect_dma semaphore(%arg15 : memref<!tpu.dma_semaphore, #tpu.memory_space<semaphore_mem>>) src(%dma_wait3A_176 : memref<10000x128xf32, #tpu.memory_space<hbm>>) dst(%arg13 : memref<128x128xf32, #tpu.memory_space<vmem>>)
        %dma_start3A_177 = arith.constant 0 : i32
        %dma_start3A_178 = tpu.memref_slice %arg11[%add3A_148, %dma_start3A_177] : memref<32x128xi32, #tpu.memory_space<vmem>> -> memref<1x128xi32, #tpu.memory_space<vmem>>
        %dma_start3A_179 = tpu.memref_squeeze %dma_start3A_178 : memref<1x128xi32, #tpu.memory_space<vmem>> -> memref<128xi32, #tpu.memory_space<vmem>>
        %dma_start3A_180 = arith.constant 0 : i32
        %dma_start3A_181 = arith.constant 0 : i32
        %dma_start3A_182 = tpu.memref_slice %arg9[%dma_start3A_180, %dma_start3A_181] : memref<10008x128xf32, #tpu.memory_space<vmem_shared>> -> memref<10008x128xf32, #tpu.memory_space<vmem_shared>>
        tpu.enqueue_indirect_dma source(%arg13 : memref<128x128xf32, #tpu.memory_space<vmem>>) target(%dma_start3A_182 : memref<10008x128xf32, #tpu.memory_space<vmem_shared>>) offsets(%dma_start3A_179 : memref<128xi32, #tpu.memory_space<vmem>>) semaphore(%arg17 : memref<!tpu.dma_semaphore, #tpu.memory_space<semaphore_mem>>) {add = true}
        %dma_wait3A_183 = arith.constant 0 : i32
        %dma_wait3A_184 = tpu.memref_slice %arg11[%mul3A_146, %dma_wait3A_183] : memref<32x128xi32, #tpu.memory_space<vmem>> -> memref<1x128xi32, #tpu.memory_space<vmem>>
        %dma_wait3A_185 = tpu.memref_squeeze %dma_wait3A_184 : memref<1x128xi32, #tpu.memory_space<vmem>> -> memref<128xi32, #tpu.memory_space<vmem>>
        %dma_wait3A_186 = arith.constant 0 : i32
        %dma_wait3A_187 = arith.constant 0 : i32
        %dma_wait3A_188 = tpu.memref_slice %arg9[%dma_wait3A_186, %dma_wait3A_187] : memref<10008x128xf32, #tpu.memory_space<vmem_shared>> -> memref<10008x128xf32, #tpu.memory_space<vmem_shared>>
        tpu.wait_indirect_dma semaphore(%arg16 : memref<!tpu.dma_semaphore, #tpu.memory_space<semaphore_mem>>) src(%arg12 : memref<128x128xf32, #tpu.memory_space<vmem>>) dst(%dma_wait3A_188 : memref<10008x128xf32, #tpu.memory_space<vmem_shared>>)
        %lt3A_189 = arith.constant 15 : i32
        %lt3A_190 = arith.cmpi slt, %scan3A_144, %lt3A_189 : i32
        %convert_element_type3A_191 = arith.extui %lt3A_190 : i1 to i32
        %cond3A_192 = arith.constant 0 : i32
        %cond3A_193 = arith.cmpi ne, %convert_element_type3A_191, %cond3A_192 : i32
        scf.if %cond3A_193 {
          %add3A_194 = arith.constant 2 : i32
          %add3A_195 = arith.addi %mul3A_146, %add3A_194 : i32
          %dma_start3A_196 = arith.constant 0 : i32
          %dma_start3A_197 = tpu.memref_slice %arg10[%add3A_195, %dma_start3A_196] : memref<32x128xi32, #tpu.memory_space<vmem>> -> memref<1x128xi32, #tpu.memory_space<vmem>>
          %dma_start3A_198 = tpu.memref_squeeze %dma_start3A_197 : memref<1x128xi32, #tpu.memory_space<vmem>> -> memref<128xi32, #tpu.memory_space<vmem>>
          %dma_start3A_199 = arith.constant 0 : i32
          %dma_start3A_200 = arith.constant 0 : i32
          %dma_start3A_201 = tpu.memref_slice %arg3[%dma_start3A_199, %dma_start3A_200] : memref<10000x128xf32, #tpu.memory_space<hbm>> -> memref<10000x128xf32, #tpu.memory_space<hbm>>
          tpu.enqueue_indirect_dma source(%dma_start3A_201 : memref<10000x128xf32, #tpu.memory_space<hbm>>) target(%arg12 : memref<128x128xf32, #tpu.memory_space<vmem>>) offsets(%dma_start3A_198 : memref<128xi32, #tpu.memory_space<vmem>>) semaphore(%arg14 : memref<!tpu.dma_semaphore, #tpu.memory_space<semaphore_mem>>)
        } else {
        }
      }
      %scan3A_92 = arith.constant 16 : i32
      %dma_wait3A_93 = arith.constant 31 : i32
      %dma_wait3A_94 = arith.constant 0 : i32
      %dma_wait3A_95 = tpu.memref_slice %arg11[%dma_wait3A_93, %dma_wait3A_94] : memref<32x128xi32, #tpu.memory_space<vmem>> -> memref<1x128xi32, #tpu.memory_space<vmem>>
      %dma_wait3A_96 = tpu.memref_squeeze %dma_wait3A_95 : memref<1x128xi32, #tpu.memory_space<vmem>> -> memref<128xi32, #tpu.memory_space<vmem>>
      %dma_wait3A_97 = arith.constant 0 : i32
      %dma_wait3A_98 = arith.constant 0 : i32
      %dma_wait3A_99 = tpu.memref_slice %arg9[%dma_wait3A_97, %dma_wait3A_98] : memref<10008x128xf32, #tpu.memory_space<vmem_shared>> -> memref<10008x128xf32, #tpu.memory_space<vmem_shared>>
      tpu.wait_indirect_dma semaphore(%arg17 : memref<!tpu.dma_semaphore, #tpu.memory_space<semaphore_mem>>) src(%arg13 : memref<128x128xf32, #tpu.memory_space<vmem>>) dst(%dma_wait3A_99 : memref<10008x128xf32, #tpu.memory_space<vmem_shared>>)
      %add3A_100 = arith.constant 96 : i32
      %add3A_101 = arith.addi %mul3A_36, %add3A_100 : i32
      "tpu.region"() ({
        %run_scoped3A = tpu.sem_alloc : memref<!tpu.dma_semaphore, #tpu.memory_space<semaphore_mem>>
        %dma_start3A_144 = arith.constant 0 : i32
        %dma_start3A_145 = tpu.memref_slice %arg4[%add3A_101, %dma_start3A_144] : memref<2560x128xi32, #tpu.memory_space<hbm>> -> memref<32x128xi32, #tpu.memory_space<hbm>>
        %dma_start3A_146 = arith.constant 0 : i32
        %dma_start3A_147 = tpu.memref_slice %arg4[%add3A_101, %dma_start3A_146] : memref<2560x128xi32, #tpu.memory_space<hbm>> -> memref<32x128xi32, #tpu.memory_space<hbm>>
        tpu.enqueue_dma source(%dma_start3A_147 : memref<32x128xi32, #tpu.memory_space<hbm>>) target(%arg10 : memref<32x128xi32, #tpu.memory_space<vmem>>) target_semaphore(%run_scoped3A : memref<!tpu.dma_semaphore, #tpu.memory_space<semaphore_mem>>)
        %dma_wait3A_148 = arith.constant 0 : i32
        %dma_wait3A_149 = tpu.memref_slice %arg4[%add3A_101, %dma_wait3A_148] : memref<2560x128xi32, #tpu.memory_space<hbm>> -> memref<32x128xi32, #tpu.memory_space<hbm>>
        %dma_wait3A_150 = arith.constant 0 : i32
        %dma_wait3A_151 = tpu.memref_slice %arg4[%add3A_101, %dma_wait3A_150] : memref<2560x128xi32, #tpu.memory_space<hbm>> -> memref<32x128xi32, #tpu.memory_space<hbm>>
        tpu.wait_dma2 semaphore(%run_scoped3A : memref<!tpu.dma_semaphore, #tpu.memory_space<semaphore_mem>>) src(%dma_wait3A_151 : memref<32x128xi32, #tpu.memory_space<hbm>>) dst(%arg10 : memref<32x128xi32, #tpu.memory_space<vmem>>)
        tpu.yield
      }) : () -> ()
      "tpu.region"() ({
        %run_scoped3A = tpu.sem_alloc : memref<!tpu.dma_semaphore, #tpu.memory_space<semaphore_mem>>
        %dma_start3A_144 = arith.constant 0 : i32
        %dma_start3A_145 = tpu.memref_slice %arg5[%add3A_101, %dma_start3A_144] : memref<2560x128xi32, #tpu.memory_space<hbm>> -> memref<32x128xi32, #tpu.memory_space<hbm>>
        %dma_start3A_146 = arith.constant 0 : i32
        %dma_start3A_147 = tpu.memref_slice %arg5[%add3A_101, %dma_start3A_146] : memref<2560x128xi32, #tpu.memory_space<hbm>> -> memref<32x128xi32, #tpu.memory_space<hbm>>
        tpu.enqueue_dma source(%dma_start3A_147 : memref<32x128xi32, #tpu.memory_space<hbm>>) target(%arg11 : memref<32x128xi32, #tpu.memory_space<vmem>>) target_semaphore(%run_scoped3A : memref<!tpu.dma_semaphore, #tpu.memory_space<semaphore_mem>>)
        %dma_wait3A_148 = arith.constant 0 : i32
        %dma_wait3A_149 = tpu.memref_slice %arg5[%add3A_101, %dma_wait3A_148] : memref<2560x128xi32, #tpu.memory_space<hbm>> -> memref<32x128xi32, #tpu.memory_space<hbm>>
        %dma_wait3A_150 = arith.constant 0 : i32
        %dma_wait3A_151 = tpu.memref_slice %arg5[%add3A_101, %dma_wait3A_150] : memref<2560x128xi32, #tpu.memory_space<hbm>> -> memref<32x128xi32, #tpu.memory_space<hbm>>
        tpu.wait_dma2 semaphore(%run_scoped3A : memref<!tpu.dma_semaphore, #tpu.memory_space<semaphore_mem>>) src(%dma_wait3A_151 : memref<32x128xi32, #tpu.memory_space<hbm>>) dst(%arg11 : memref<32x128xi32, #tpu.memory_space<vmem>>)
        tpu.yield
      }) : () -> ()
      %dma_start3A_102 = arith.constant 0 : i32
      %dma_start3A_103 = arith.constant 0 : i32
      %dma_start3A_104 = tpu.memref_slice %arg10[%dma_start3A_102, %dma_start3A_103] : memref<32x128xi32, #tpu.memory_space<vmem>> -> memref<1x128xi32, #tpu.memory_space<vmem>>
      %dma_start3A_105 = tpu.memref_squeeze %dma_start3A_104 : memref<1x128xi32, #tpu.memory_space<vmem>> -> memref<128xi32, #tpu.memory_space<vmem>>
      %dma_start3A_106 = arith.constant 0 : i32
      %dma_start3A_107 = arith.constant 0 : i32
      %dma_start3A_108 = tpu.memref_slice %arg3[%dma_start3A_106, %dma_start3A_107] : memref<10000x128xf32, #tpu.memory_space<hbm>> -> memref<10000x128xf32, #tpu.memory_space<hbm>>
      tpu.enqueue_indirect_dma source(%dma_start3A_108 : memref<10000x128xf32, #tpu.memory_space<hbm>>) target(%arg12 : memref<128x128xf32, #tpu.memory_space<vmem>>) offsets(%dma_start3A_105 : memref<128xi32, #tpu.memory_space<vmem>>) semaphore(%arg14 : memref<!tpu.dma_semaphore, #tpu.memory_space<semaphore_mem>>)
      %scan3A_109 = arith.constant 0 : i32
      %scan3A_110 = arith.constant 0 : i32
      %scan3A_111 = arith.constant 16 : i32
      %scan3A_112 = arith.addi %scan3A_110, %scan3A_111 : i32
      %scan3A_113 = arith.constant 1 : i32
      scf.for %scan3A_144 = %scan3A_110 to %scan3A_112 step %scan3A_113  : i32 {
        %mul3A_145 = arith.constant 2 : i32
        %mul3A_146 = arith.muli %mul3A_145, %scan3A_144 : i32
        %add3A_147 = arith.constant 1 : i32
        %add3A_148 = arith.addi %mul3A_146, %add3A_147 : i32
        %dma_wait3A_149 = arith.constant 0 : i32
        %dma_wait3A_150 = tpu.memref_slice %arg10[%mul3A_146, %dma_wait3A_149] : memref<32x128xi32, #tpu.memory_space<vmem>> -> memref<1x128xi32, #tpu.memory_space<vmem>>
        %dma_wait3A_151 = tpu.memref_squeeze %dma_wait3A_150 : memref<1x128xi32, #tpu.memory_space<vmem>> -> memref<128xi32, #tpu.memory_space<vmem>>
        %dma_wait3A_152 = arith.constant 0 : i32
        %dma_wait3A_153 = arith.constant 0 : i32
        %dma_wait3A_154 = tpu.memref_slice %arg3[%dma_wait3A_152, %dma_wait3A_153] : memref<10000x128xf32, #tpu.memory_space<hbm>> -> memref<10000x128xf32, #tpu.memory_space<hbm>>
        tpu.wait_indirect_dma semaphore(%arg14 : memref<!tpu.dma_semaphore, #tpu.memory_space<semaphore_mem>>) src(%dma_wait3A_154 : memref<10000x128xf32, #tpu.memory_space<hbm>>) dst(%arg12 : memref<128x128xf32, #tpu.memory_space<vmem>>)
        %dma_start3A_155 = arith.constant 0 : i32
        %dma_start3A_156 = tpu.memref_slice %arg11[%mul3A_146, %dma_start3A_155] : memref<32x128xi32, #tpu.memory_space<vmem>> -> memref<1x128xi32, #tpu.memory_space<vmem>>
        %dma_start3A_157 = tpu.memref_squeeze %dma_start3A_156 : memref<1x128xi32, #tpu.memory_space<vmem>> -> memref<128xi32, #tpu.memory_space<vmem>>
        %dma_start3A_158 = arith.constant 0 : i32
        %dma_start3A_159 = arith.constant 0 : i32
        %dma_start3A_160 = tpu.memref_slice %arg9[%dma_start3A_158, %dma_start3A_159] : memref<10008x128xf32, #tpu.memory_space<vmem_shared>> -> memref<10008x128xf32, #tpu.memory_space<vmem_shared>>
        tpu.enqueue_indirect_dma source(%arg12 : memref<128x128xf32, #tpu.memory_space<vmem>>) target(%dma_start3A_160 : memref<10008x128xf32, #tpu.memory_space<vmem_shared>>) offsets(%dma_start3A_157 : memref<128xi32, #tpu.memory_space<vmem>>) semaphore(%arg16 : memref<!tpu.dma_semaphore, #tpu.memory_space<semaphore_mem>>) {add = true}
        %gt3A = arith.constant 0 : i32
        %gt3A_161 = arith.cmpi sgt, %scan3A_144, %gt3A : i32
        %convert_element_type3A_162 = arith.extui %gt3A_161 : i1 to i32
        %cond3A_163 = arith.constant 0 : i32
        %cond3A_164 = arith.cmpi ne, %convert_element_type3A_162, %cond3A_163 : i32
        scf.if %cond3A_164 {
          %sub3A = arith.constant 2 : i32
          %sub3A_194 = arith.subi %add3A_148, %sub3A : i32
          %dma_wait3A_195 = arith.constant 0 : i32
          %dma_wait3A_196 = tpu.memref_slice %arg11[%sub3A_194, %dma_wait3A_195] : memref<32x128xi32, #tpu.memory_space<vmem>> -> memref<1x128xi32, #tpu.memory_space<vmem>>
          %dma_wait3A_197 = tpu.memref_squeeze %dma_wait3A_196 : memref<1x128xi32, #tpu.memory_space<vmem>> -> memref<128xi32, #tpu.memory_space<vmem>>
          %dma_wait3A_198 = arith.constant 0 : i32
          %dma_wait3A_199 = arith.constant 0 : i32
          %dma_wait3A_200 = tpu.memref_slice %arg9[%dma_wait3A_198, %dma_wait3A_199] : memref<10008x128xf32, #tpu.memory_space<vmem_shared>> -> memref<10008x128xf32, #tpu.memory_space<vmem_shared>>
          tpu.wait_indirect_dma semaphore(%arg17 : memref<!tpu.dma_semaphore, #tpu.memory_space<semaphore_mem>>) src(%arg13 : memref<128x128xf32, #tpu.memory_space<vmem>>) dst(%dma_wait3A_200 : memref<10008x128xf32, #tpu.memory_space<vmem_shared>>)
        } else {
        }
        %dma_start3A_165 = arith.constant 0 : i32
        %dma_start3A_166 = tpu.memref_slice %arg10[%add3A_148, %dma_start3A_165] : memref<32x128xi32, #tpu.memory_space<vmem>> -> memref<1x128xi32, #tpu.memory_space<vmem>>
        %dma_start3A_167 = tpu.memref_squeeze %dma_start3A_166 : memref<1x128xi32, #tpu.memory_space<vmem>> -> memref<128xi32, #tpu.memory_space<vmem>>
        %dma_start3A_168 = arith.constant 0 : i32
        %dma_start3A_169 = arith.constant 0 : i32
        %dma_start3A_170 = tpu.memref_slice %arg3[%dma_start3A_168, %dma_start3A_169] : memref<10000x128xf32, #tpu.memory_space<hbm>> -> memref<10000x128xf32, #tpu.memory_space<hbm>>
        tpu.enqueue_indirect_dma source(%dma_start3A_170 : memref<10000x128xf32, #tpu.memory_space<hbm>>) target(%arg13 : memref<128x128xf32, #tpu.memory_space<vmem>>) offsets(%dma_start3A_167 : memref<128xi32, #tpu.memory_space<vmem>>) semaphore(%arg15 : memref<!tpu.dma_semaphore, #tpu.memory_space<semaphore_mem>>)
        %dma_wait3A_171 = arith.constant 0 : i32
        %dma_wait3A_172 = tpu.memref_slice %arg10[%add3A_148, %dma_wait3A_171] : memref<32x128xi32, #tpu.memory_space<vmem>> -> memref<1x128xi32, #tpu.memory_space<vmem>>
        %dma_wait3A_173 = tpu.memref_squeeze %dma_wait3A_172 : memref<1x128xi32, #tpu.memory_space<vmem>> -> memref<128xi32, #tpu.memory_space<vmem>>
        %dma_wait3A_174 = arith.constant 0 : i32
        %dma_wait3A_175 = arith.constant 0 : i32
        %dma_wait3A_176 = tpu.memref_slice %arg3[%dma_wait3A_174, %dma_wait3A_175] : memref<10000x128xf32, #tpu.memory_space<hbm>> -> memref<10000x128xf32, #tpu.memory_space<hbm>>
        tpu.wait_indirect_dma semaphore(%arg15 : memref<!tpu.dma_semaphore, #tpu.memory_space<semaphore_mem>>) src(%dma_wait3A_176 : memref<10000x128xf32, #tpu.memory_space<hbm>>) dst(%arg13 : memref<128x128xf32, #tpu.memory_space<vmem>>)
        %dma_start3A_177 = arith.constant 0 : i32
        %dma_start3A_178 = tpu.memref_slice %arg11[%add3A_148, %dma_start3A_177] : memref<32x128xi32, #tpu.memory_space<vmem>> -> memref<1x128xi32, #tpu.memory_space<vmem>>
        %dma_start3A_179 = tpu.memref_squeeze %dma_start3A_178 : memref<1x128xi32, #tpu.memory_space<vmem>> -> memref<128xi32, #tpu.memory_space<vmem>>
        %dma_start3A_180 = arith.constant 0 : i32
        %dma_start3A_181 = arith.constant 0 : i32
        %dma_start3A_182 = tpu.memref_slice %arg9[%dma_start3A_180, %dma_start3A_181] : memref<10008x128xf32, #tpu.memory_space<vmem_shared>> -> memref<10008x128xf32, #tpu.memory_space<vmem_shared>>
        tpu.enqueue_indirect_dma source(%arg13 : memref<128x128xf32, #tpu.memory_space<vmem>>) target(%dma_start3A_182 : memref<10008x128xf32, #tpu.memory_space<vmem_shared>>) offsets(%dma_start3A_179 : memref<128xi32, #tpu.memory_space<vmem>>) semaphore(%arg17 : memref<!tpu.dma_semaphore, #tpu.memory_space<semaphore_mem>>) {add = true}
        %dma_wait3A_183 = arith.constant 0 : i32
        %dma_wait3A_184 = tpu.memref_slice %arg11[%mul3A_146, %dma_wait3A_183] : memref<32x128xi32, #tpu.memory_space<vmem>> -> memref<1x128xi32, #tpu.memory_space<vmem>>
        %dma_wait3A_185 = tpu.memref_squeeze %dma_wait3A_184 : memref<1x128xi32, #tpu.memory_space<vmem>> -> memref<128xi32, #tpu.memory_space<vmem>>
        %dma_wait3A_186 = arith.constant 0 : i32
        %dma_wait3A_187 = arith.constant 0 : i32
        %dma_wait3A_188 = tpu.memref_slice %arg9[%dma_wait3A_186, %dma_wait3A_187] : memref<10008x128xf32, #tpu.memory_space<vmem_shared>> -> memref<10008x128xf32, #tpu.memory_space<vmem_shared>>
        tpu.wait_indirect_dma semaphore(%arg16 : memref<!tpu.dma_semaphore, #tpu.memory_space<semaphore_mem>>) src(%arg12 : memref<128x128xf32, #tpu.memory_space<vmem>>) dst(%dma_wait3A_188 : memref<10008x128xf32, #tpu.memory_space<vmem_shared>>)
        %lt3A_189 = arith.constant 15 : i32
        %lt3A_190 = arith.cmpi slt, %scan3A_144, %lt3A_189 : i32
        %convert_element_type3A_191 = arith.extui %lt3A_190 : i1 to i32
        %cond3A_192 = arith.constant 0 : i32
        %cond3A_193 = arith.cmpi ne, %convert_element_type3A_191, %cond3A_192 : i32
        scf.if %cond3A_193 {
          %add3A_194 = arith.constant 2 : i32
          %add3A_195 = arith.addi %mul3A_146, %add3A_194 : i32
          %dma_start3A_196 = arith.constant 0 : i32
          %dma_start3A_197 = tpu.memref_slice %arg10[%add3A_195, %dma_start3A_196] : memref<32x128xi32, #tpu.memory_space<vmem>> -> memref<1x128xi32, #tpu.memory_space<vmem>>
          %dma_start3A_198 = tpu.memref_squeeze %dma_start3A_197 : memref<1x128xi32, #tpu.memory_space<vmem>> -> memref<128xi32, #tpu.memory_space<vmem>>
          %dma_start3A_199 = arith.constant 0 : i32
          %dma_start3A_200 = arith.constant 0 : i32
          %dma_start3A_201 = tpu.memref_slice %arg3[%dma_start3A_199, %dma_start3A_200] : memref<10000x128xf32, #tpu.memory_space<hbm>> -> memref<10000x128xf32, #tpu.memory_space<hbm>>
          tpu.enqueue_indirect_dma source(%dma_start3A_201 : memref<10000x128xf32, #tpu.memory_space<hbm>>) target(%arg12 : memref<128x128xf32, #tpu.memory_space<vmem>>) offsets(%dma_start3A_198 : memref<128xi32, #tpu.memory_space<vmem>>) semaphore(%arg14 : memref<!tpu.dma_semaphore, #tpu.memory_space<semaphore_mem>>)
        } else {
        }
      }
      %scan3A_114 = arith.constant 16 : i32
      %dma_wait3A_115 = arith.constant 31 : i32
      %dma_wait3A_116 = arith.constant 0 : i32
      %dma_wait3A_117 = tpu.memref_slice %arg11[%dma_wait3A_115, %dma_wait3A_116] : memref<32x128xi32, #tpu.memory_space<vmem>> -> memref<1x128xi32, #tpu.memory_space<vmem>>
      %dma_wait3A_118 = tpu.memref_squeeze %dma_wait3A_117 : memref<1x128xi32, #tpu.memory_space<vmem>> -> memref<128xi32, #tpu.memory_space<vmem>>
      %dma_wait3A_119 = arith.constant 0 : i32
      %dma_wait3A_120 = arith.constant 0 : i32
      %dma_wait3A_121 = tpu.memref_slice %arg9[%dma_wait3A_119, %dma_wait3A_120] : memref<10008x128xf32, #tpu.memory_space<vmem_shared>> -> memref<10008x128xf32, #tpu.memory_space<vmem_shared>>
      tpu.wait_indirect_dma semaphore(%arg17 : memref<!tpu.dma_semaphore, #tpu.memory_space<semaphore_mem>>) src(%arg13 : memref<128x128xf32, #tpu.memory_space<vmem>>) dst(%dma_wait3A_121 : memref<10008x128xf32, #tpu.memory_space<vmem_shared>>)
      %add3A_122 = arith.constant 128 : i32
      %add3A_123 = arith.addi %mul3A_36, %add3A_122 : i32
      "tpu.region"() ({
        %run_scoped3A = tpu.sem_alloc : memref<!tpu.dma_semaphore, #tpu.memory_space<semaphore_mem>>
        %dma_start3A_144 = arith.constant 0 : i32
        %dma_start3A_145 = tpu.memref_slice %arg4[%add3A_123, %dma_start3A_144] : memref<2560x128xi32, #tpu.memory_space<hbm>> -> memref<32x128xi32, #tpu.memory_space<hbm>>
        %dma_start3A_146 = arith.constant 0 : i32
        %dma_start3A_147 = tpu.memref_slice %arg4[%add3A_123, %dma_start3A_146] : memref<2560x128xi32, #tpu.memory_space<hbm>> -> memref<32x128xi32, #tpu.memory_space<hbm>>
        tpu.enqueue_dma source(%dma_start3A_147 : memref<32x128xi32, #tpu.memory_space<hbm>>) target(%arg10 : memref<32x128xi32, #tpu.memory_space<vmem>>) target_semaphore(%run_scoped3A : memref<!tpu.dma_semaphore, #tpu.memory_space<semaphore_mem>>)
        %dma_wait3A_148 = arith.constant 0 : i32
        %dma_wait3A_149 = tpu.memref_slice %arg4[%add3A_123, %dma_wait3A_148] : memref<2560x128xi32, #tpu.memory_space<hbm>> -> memref<32x128xi32, #tpu.memory_space<hbm>>
        %dma_wait3A_150 = arith.constant 0 : i32
        %dma_wait3A_151 = tpu.memref_slice %arg4[%add3A_123, %dma_wait3A_150] : memref<2560x128xi32, #tpu.memory_space<hbm>> -> memref<32x128xi32, #tpu.memory_space<hbm>>
        tpu.wait_dma2 semaphore(%run_scoped3A : memref<!tpu.dma_semaphore, #tpu.memory_space<semaphore_mem>>) src(%dma_wait3A_151 : memref<32x128xi32, #tpu.memory_space<hbm>>) dst(%arg10 : memref<32x128xi32, #tpu.memory_space<vmem>>)
        tpu.yield
      }) : () -> ()
      "tpu.region"() ({
        %run_scoped3A = tpu.sem_alloc : memref<!tpu.dma_semaphore, #tpu.memory_space<semaphore_mem>>
        %dma_start3A_144 = arith.constant 0 : i32
        %dma_start3A_145 = tpu.memref_slice %arg5[%add3A_123, %dma_start3A_144] : memref<2560x128xi32, #tpu.memory_space<hbm>> -> memref<32x128xi32, #tpu.memory_space<hbm>>
        %dma_start3A_146 = arith.constant 0 : i32
        %dma_start3A_147 = tpu.memref_slice %arg5[%add3A_123, %dma_start3A_146] : memref<2560x128xi32, #tpu.memory_space<hbm>> -> memref<32x128xi32, #tpu.memory_space<hbm>>
        tpu.enqueue_dma source(%dma_start3A_147 : memref<32x128xi32, #tpu.memory_space<hbm>>) target(%arg11 : memref<32x128xi32, #tpu.memory_space<vmem>>) target_semaphore(%run_scoped3A : memref<!tpu.dma_semaphore, #tpu.memory_space<semaphore_mem>>)
        %dma_wait3A_148 = arith.constant 0 : i32
        %dma_wait3A_149 = tpu.memref_slice %arg5[%add3A_123, %dma_wait3A_148] : memref<2560x128xi32, #tpu.memory_space<hbm>> -> memref<32x128xi32, #tpu.memory_space<hbm>>
        %dma_wait3A_150 = arith.constant 0 : i32
        %dma_wait3A_151 = tpu.memref_slice %arg5[%add3A_123, %dma_wait3A_150] : memref<2560x128xi32, #tpu.memory_space<hbm>> -> memref<32x128xi32, #tpu.memory_space<hbm>>
        tpu.wait_dma2 semaphore(%run_scoped3A : memref<!tpu.dma_semaphore, #tpu.memory_space<semaphore_mem>>) src(%dma_wait3A_151 : memref<32x128xi32, #tpu.memory_space<hbm>>) dst(%arg11 : memref<32x128xi32, #tpu.memory_space<vmem>>)
        tpu.yield
      }) : () -> ()
      %dma_start3A_124 = arith.constant 0 : i32
      %dma_start3A_125 = arith.constant 0 : i32
      %dma_start3A_126 = tpu.memref_slice %arg10[%dma_start3A_124, %dma_start3A_125] : memref<32x128xi32, #tpu.memory_space<vmem>> -> memref<1x128xi32, #tpu.memory_space<vmem>>
      %dma_start3A_127 = tpu.memref_squeeze %dma_start3A_126 : memref<1x128xi32, #tpu.memory_space<vmem>> -> memref<128xi32, #tpu.memory_space<vmem>>
      %dma_start3A_128 = arith.constant 0 : i32
      %dma_start3A_129 = arith.constant 0 : i32
      %dma_start3A_130 = tpu.memref_slice %arg3[%dma_start3A_128, %dma_start3A_129] : memref<10000x128xf32, #tpu.memory_space<hbm>> -> memref<10000x128xf32, #tpu.memory_space<hbm>>
      tpu.enqueue_indirect_dma source(%dma_start3A_130 : memref<10000x128xf32, #tpu.memory_space<hbm>>) target(%arg12 : memref<128x128xf32, #tpu.memory_space<vmem>>) offsets(%dma_start3A_127 : memref<128xi32, #tpu.memory_space<vmem>>) semaphore(%arg14 : memref<!tpu.dma_semaphore, #tpu.memory_space<semaphore_mem>>)
      %scan3A_131 = arith.constant 0 : i32
      %scan3A_132 = arith.constant 0 : i32
      %scan3A_133 = arith.constant 16 : i32
      %scan3A_134 = arith.addi %scan3A_132, %scan3A_133 : i32
      %scan3A_135 = arith.constant 1 : i32
      scf.for %scan3A_144 = %scan3A_132 to %scan3A_134 step %scan3A_135  : i32 {
        %mul3A_145 = arith.constant 2 : i32
        %mul3A_146 = arith.muli %mul3A_145, %scan3A_144 : i32
        %add3A_147 = arith.constant 1 : i32
        %add3A_148 = arith.addi %mul3A_146, %add3A_147 : i32
        %dma_wait3A_149 = arith.constant 0 : i32
        %dma_wait3A_150 = tpu.memref_slice %arg10[%mul3A_146, %dma_wait3A_149] : memref<32x128xi32, #tpu.memory_space<vmem>> -> memref<1x128xi32, #tpu.memory_space<vmem>>
        %dma_wait3A_151 = tpu.memref_squeeze %dma_wait3A_150 : memref<1x128xi32, #tpu.memory_space<vmem>> -> memref<128xi32, #tpu.memory_space<vmem>>
        %dma_wait3A_152 = arith.constant 0 : i32
        %dma_wait3A_153 = arith.constant 0 : i32
        %dma_wait3A_154 = tpu.memref_slice %arg3[%dma_wait3A_152, %dma_wait3A_153] : memref<10000x128xf32, #tpu.memory_space<hbm>> -> memref<10000x128xf32, #tpu.memory_space<hbm>>
        tpu.wait_indirect_dma semaphore(%arg14 : memref<!tpu.dma_semaphore, #tpu.memory_space<semaphore_mem>>) src(%dma_wait3A_154 : memref<10000x128xf32, #tpu.memory_space<hbm>>) dst(%arg12 : memref<128x128xf32, #tpu.memory_space<vmem>>)
        %dma_start3A_155 = arith.constant 0 : i32
        %dma_start3A_156 = tpu.memref_slice %arg11[%mul3A_146, %dma_start3A_155] : memref<32x128xi32, #tpu.memory_space<vmem>> -> memref<1x128xi32, #tpu.memory_space<vmem>>
        %dma_start3A_157 = tpu.memref_squeeze %dma_start3A_156 : memref<1x128xi32, #tpu.memory_space<vmem>> -> memref<128xi32, #tpu.memory_space<vmem>>
        %dma_start3A_158 = arith.constant 0 : i32
        %dma_start3A_159 = arith.constant 0 : i32
        %dma_start3A_160 = tpu.memref_slice %arg9[%dma_start3A_158, %dma_start3A_159] : memref<10008x128xf32, #tpu.memory_space<vmem_shared>> -> memref<10008x128xf32, #tpu.memory_space<vmem_shared>>
        tpu.enqueue_indirect_dma source(%arg12 : memref<128x128xf32, #tpu.memory_space<vmem>>) target(%dma_start3A_160 : memref<10008x128xf32, #tpu.memory_space<vmem_shared>>) offsets(%dma_start3A_157 : memref<128xi32, #tpu.memory_space<vmem>>) semaphore(%arg16 : memref<!tpu.dma_semaphore, #tpu.memory_space<semaphore_mem>>) {add = true}
        %gt3A = arith.constant 0 : i32
        %gt3A_161 = arith.cmpi sgt, %scan3A_144, %gt3A : i32
        %convert_element_type3A_162 = arith.extui %gt3A_161 : i1 to i32
        %cond3A_163 = arith.constant 0 : i32
        %cond3A_164 = arith.cmpi ne, %convert_element_type3A_162, %cond3A_163 : i32
        scf.if %cond3A_164 {
          %sub3A = arith.constant 2 : i32
          %sub3A_194 = arith.subi %add3A_148, %sub3A : i32
          %dma_wait3A_195 = arith.constant 0 : i32
          %dma_wait3A_196 = tpu.memref_slice %arg11[%sub3A_194, %dma_wait3A_195] : memref<32x128xi32, #tpu.memory_space<vmem>> -> memref<1x128xi32, #tpu.memory_space<vmem>>
          %dma_wait3A_197 = tpu.memref_squeeze %dma_wait3A_196 : memref<1x128xi32, #tpu.memory_space<vmem>> -> memref<128xi32, #tpu.memory_space<vmem>>
          %dma_wait3A_198 = arith.constant 0 : i32
          %dma_wait3A_199 = arith.constant 0 : i32
          %dma_wait3A_200 = tpu.memref_slice %arg9[%dma_wait3A_198, %dma_wait3A_199] : memref<10008x128xf32, #tpu.memory_space<vmem_shared>> -> memref<10008x128xf32, #tpu.memory_space<vmem_shared>>
          tpu.wait_indirect_dma semaphore(%arg17 : memref<!tpu.dma_semaphore, #tpu.memory_space<semaphore_mem>>) src(%arg13 : memref<128x128xf32, #tpu.memory_space<vmem>>) dst(%dma_wait3A_200 : memref<10008x128xf32, #tpu.memory_space<vmem_shared>>)
        } else {
        }
        %dma_start3A_165 = arith.constant 0 : i32
        %dma_start3A_166 = tpu.memref_slice %arg10[%add3A_148, %dma_start3A_165] : memref<32x128xi32, #tpu.memory_space<vmem>> -> memref<1x128xi32, #tpu.memory_space<vmem>>
        %dma_start3A_167 = tpu.memref_squeeze %dma_start3A_166 : memref<1x128xi32, #tpu.memory_space<vmem>> -> memref<128xi32, #tpu.memory_space<vmem>>
        %dma_start3A_168 = arith.constant 0 : i32
        %dma_start3A_169 = arith.constant 0 : i32
        %dma_start3A_170 = tpu.memref_slice %arg3[%dma_start3A_168, %dma_start3A_169] : memref<10000x128xf32, #tpu.memory_space<hbm>> -> memref<10000x128xf32, #tpu.memory_space<hbm>>
        tpu.enqueue_indirect_dma source(%dma_start3A_170 : memref<10000x128xf32, #tpu.memory_space<hbm>>) target(%arg13 : memref<128x128xf32, #tpu.memory_space<vmem>>) offsets(%dma_start3A_167 : memref<128xi32, #tpu.memory_space<vmem>>) semaphore(%arg15 : memref<!tpu.dma_semaphore, #tpu.memory_space<semaphore_mem>>)
        %dma_wait3A_171 = arith.constant 0 : i32
        %dma_wait3A_172 = tpu.memref_slice %arg10[%add3A_148, %dma_wait3A_171] : memref<32x128xi32, #tpu.memory_space<vmem>> -> memref<1x128xi32, #tpu.memory_space<vmem>>
        %dma_wait3A_173 = tpu.memref_squeeze %dma_wait3A_172 : memref<1x128xi32, #tpu.memory_space<vmem>> -> memref<128xi32, #tpu.memory_space<vmem>>
        %dma_wait3A_174 = arith.constant 0 : i32
        %dma_wait3A_175 = arith.constant 0 : i32
        %dma_wait3A_176 = tpu.memref_slice %arg3[%dma_wait3A_174, %dma_wait3A_175] : memref<10000x128xf32, #tpu.memory_space<hbm>> -> memref<10000x128xf32, #tpu.memory_space<hbm>>
        tpu.wait_indirect_dma semaphore(%arg15 : memref<!tpu.dma_semaphore, #tpu.memory_space<semaphore_mem>>) src(%dma_wait3A_176 : memref<10000x128xf32, #tpu.memory_space<hbm>>) dst(%arg13 : memref<128x128xf32, #tpu.memory_space<vmem>>)
        %dma_start3A_177 = arith.constant 0 : i32
        %dma_start3A_178 = tpu.memref_slice %arg11[%add3A_148, %dma_start3A_177] : memref<32x128xi32, #tpu.memory_space<vmem>> -> memref<1x128xi32, #tpu.memory_space<vmem>>
        %dma_start3A_179 = tpu.memref_squeeze %dma_start3A_178 : memref<1x128xi32, #tpu.memory_space<vmem>> -> memref<128xi32, #tpu.memory_space<vmem>>
        %dma_start3A_180 = arith.constant 0 : i32
        %dma_start3A_181 = arith.constant 0 : i32
        %dma_start3A_182 = tpu.memref_slice %arg9[%dma_start3A_180, %dma_start3A_181] : memref<10008x128xf32, #tpu.memory_space<vmem_shared>> -> memref<10008x128xf32, #tpu.memory_space<vmem_shared>>
        tpu.enqueue_indirect_dma source(%arg13 : memref<128x128xf32, #tpu.memory_space<vmem>>) target(%dma_start3A_182 : memref<10008x128xf32, #tpu.memory_space<vmem_shared>>) offsets(%dma_start3A_179 : memref<128xi32, #tpu.memory_space<vmem>>) semaphore(%arg17 : memref<!tpu.dma_semaphore, #tpu.memory_space<semaphore_mem>>) {add = true}
        %dma_wait3A_183 = arith.constant 0 : i32
        %dma_wait3A_184 = tpu.memref_slice %arg11[%mul3A_146, %dma_wait3A_183] : memref<32x128xi32, #tpu.memory_space<vmem>> -> memref<1x128xi32, #tpu.memory_space<vmem>>
        %dma_wait3A_185 = tpu.memref_squeeze %dma_wait3A_184 : memref<1x128xi32, #tpu.memory_space<vmem>> -> memref<128xi32, #tpu.memory_space<vmem>>
        %dma_wait3A_186 = arith.constant 0 : i32
        %dma_wait3A_187 = arith.constant 0 : i32
        %dma_wait3A_188 = tpu.memref_slice %arg9[%dma_wait3A_186, %dma_wait3A_187] : memref<10008x128xf32, #tpu.memory_space<vmem_shared>> -> memref<10008x128xf32, #tpu.memory_space<vmem_shared>>
        tpu.wait_indirect_dma semaphore(%arg16 : memref<!tpu.dma_semaphore, #tpu.memory_space<semaphore_mem>>) src(%arg12 : memref<128x128xf32, #tpu.memory_space<vmem>>) dst(%dma_wait3A_188 : memref<10008x128xf32, #tpu.memory_space<vmem_shared>>)
        %lt3A_189 = arith.constant 15 : i32
        %lt3A_190 = arith.cmpi slt, %scan3A_144, %lt3A_189 : i32
        %convert_element_type3A_191 = arith.extui %lt3A_190 : i1 to i32
        %cond3A_192 = arith.constant 0 : i32
        %cond3A_193 = arith.cmpi ne, %convert_element_type3A_191, %cond3A_192 : i32
        scf.if %cond3A_193 {
          %add3A_194 = arith.constant 2 : i32
          %add3A_195 = arith.addi %mul3A_146, %add3A_194 : i32
          %dma_start3A_196 = arith.constant 0 : i32
          %dma_start3A_197 = tpu.memref_slice %arg10[%add3A_195, %dma_start3A_196] : memref<32x128xi32, #tpu.memory_space<vmem>> -> memref<1x128xi32, #tpu.memory_space<vmem>>
          %dma_start3A_198 = tpu.memref_squeeze %dma_start3A_197 : memref<1x128xi32, #tpu.memory_space<vmem>> -> memref<128xi32, #tpu.memory_space<vmem>>
          %dma_start3A_199 = arith.constant 0 : i32
          %dma_start3A_200 = arith.constant 0 : i32
          %dma_start3A_201 = tpu.memref_slice %arg3[%dma_start3A_199, %dma_start3A_200] : memref<10000x128xf32, #tpu.memory_space<hbm>> -> memref<10000x128xf32, #tpu.memory_space<hbm>>
          tpu.enqueue_indirect_dma source(%dma_start3A_201 : memref<10000x128xf32, #tpu.memory_space<hbm>>) target(%arg12 : memref<128x128xf32, #tpu.memory_space<vmem>>) offsets(%dma_start3A_198 : memref<128xi32, #tpu.memory_space<vmem>>) semaphore(%arg14 : memref<!tpu.dma_semaphore, #tpu.memory_space<semaphore_mem>>)
        } else {
        }
      }
      %scan3A_136 = arith.constant 16 : i32
      %dma_wait3A_137 = arith.constant 31 : i32
      %dma_wait3A_138 = arith.constant 0 : i32
      %dma_wait3A_139 = tpu.memref_slice %arg11[%dma_wait3A_137, %dma_wait3A_138] : memref<32x128xi32, #tpu.memory_space<vmem>> -> memref<1x128xi32, #tpu.memory_space<vmem>>
      %dma_wait3A_140 = tpu.memref_squeeze %dma_wait3A_139 : memref<1x128xi32, #tpu.memory_space<vmem>> -> memref<128xi32, #tpu.memory_space<vmem>>
      %dma_wait3A_141 = arith.constant 0 : i32
      %dma_wait3A_142 = arith.constant 0 : i32
      %dma_wait3A_143 = tpu.memref_slice %arg9[%dma_wait3A_141, %dma_wait3A_142] : memref<10008x128xf32, #tpu.memory_space<vmem_shared>> -> memref<10008x128xf32, #tpu.memory_space<vmem_shared>>
      tpu.wait_indirect_dma semaphore(%arg17 : memref<!tpu.dma_semaphore, #tpu.memory_space<semaphore_mem>>) src(%arg13 : memref<128x128xf32, #tpu.memory_space<vmem>>) dst(%dma_wait3A_143 : memref<10008x128xf32, #tpu.memory_space<vmem_shared>>)
    } else {
    }
    %barrier3A_24 = arith.constant 0 : index
    tpu.barrier barrier_id(%barrier3A_24)
    %eq3A_25 = arith.constant 0 : i32
    %eq3A_26 = arith.cmpi eq, %arg0, %eq3A_25 : i32
    %convert_element_type3A_27 = arith.extui %eq3A_26 : i1 to i32
    %cond3A_28 = arith.constant 0 : i32
    %cond3A_29 = arith.cmpi ne, %convert_element_type3A_27, %cond3A_28 : i32
    scf.if %cond3A_29 {
      %mul3A_35 = arith.constant 632 : i32
      %mul3A_36 = arith.muli %arg1, %mul3A_35 : i32
      %add3A_37 = arith.constant 0 : i32
      %add3A_38 = arith.addi %mul3A_36, %add3A_37 : i32
      "tpu.region"() ({
        %run_scoped3A = tpu.sem_alloc : memref<!tpu.dma_semaphore, #tpu.memory_space<semaphore_mem>>
        %dma_start3A = arith.constant 0 : i32
        %dma_start3A_55 = tpu.memref_slice %arg7[%add3A_38, %dma_start3A] : memref<10000x128xf32, #tpu.memory_space<hbm>> -> memref<128x128xf32, #tpu.memory_space<hbm>>
        %dma_start3A_56 = arith.constant 0 : i32
        %dma_start3A_57 = tpu.memref_slice %arg9[%add3A_38, %dma_start3A_56] : memref<10008x128xf32, #tpu.memory_space<vmem_shared>> -> memref<128x128xf32, #tpu.memory_space<vmem_shared>>
        tpu.enqueue_dma source(%dma_start3A_57 : memref<128x128xf32, #tpu.memory_space<vmem_shared>>) target(%dma_start3A_55 : memref<128x128xf32, #tpu.memory_space<hbm>>) target_semaphore(%run_scoped3A : memref<!tpu.dma_semaphore, #tpu.memory_space<semaphore_mem>>)
        %dma_wait3A = arith.constant 0 : i32
        %dma_wait3A_58 = tpu.memref_slice %arg7[%add3A_38, %dma_wait3A] : memref<10000x128xf32, #tpu.memory_space<hbm>> -> memref<128x128xf32, #tpu.memory_space<hbm>>
        %dma_wait3A_59 = arith.constant 0 : i32
        %dma_wait3A_60 = tpu.memref_slice %arg9[%add3A_38, %dma_wait3A_59] : memref<10008x128xf32, #tpu.memory_space<vmem_shared>> -> memref<128x128xf32, #tpu.memory_space<vmem_shared>>
        tpu.wait_dma2 semaphore(%run_scoped3A : memref<!tpu.dma_semaphore, #tpu.memory_space<semaphore_mem>>) src(%dma_wait3A_60 : memref<128x128xf32, #tpu.memory_space<vmem_shared>>) dst(%dma_wait3A_58 : memref<128x128xf32, #tpu.memory_space<hbm>>)
        tpu.yield
      }) : () -> ()
      %add3A_39 = arith.constant 128 : i32
      %add3A_40 = arith.addi %mul3A_36, %add3A_39 : i32
      "tpu.region"() ({
        %run_scoped3A = tpu.sem_alloc : memref<!tpu.dma_semaphore, #tpu.memory_space<semaphore_mem>>
        %dma_start3A = arith.constant 0 : i32
        %dma_start3A_55 = tpu.memref_slice %arg7[%add3A_40, %dma_start3A] : memref<10000x128xf32, #tpu.memory_space<hbm>> -> memref<128x128xf32, #tpu.memory_space<hbm>>
        %dma_start3A_56 = arith.constant 0 : i32
        %dma_start3A_57 = tpu.memref_slice %arg9[%add3A_40, %dma_start3A_56] : memref<10008x128xf32, #tpu.memory_space<vmem_shared>> -> memref<128x128xf32, #tpu.memory_space<vmem_shared>>
        tpu.enqueue_dma source(%dma_start3A_57 : memref<128x128xf32, #tpu.memory_space<vmem_shared>>) target(%dma_start3A_55 : memref<128x128xf32, #tpu.memory_space<hbm>>) target_semaphore(%run_scoped3A : memref<!tpu.dma_semaphore, #tpu.memory_space<semaphore_mem>>)
        %dma_wait3A = arith.constant 0 : i32
        %dma_wait3A_58 = tpu.memref_slice %arg7[%add3A_40, %dma_wait3A] : memref<10000x128xf32, #tpu.memory_space<hbm>> -> memref<128x128xf32, #tpu.memory_space<hbm>>
        %dma_wait3A_59 = arith.constant 0 : i32
        %dma_wait3A_60 = tpu.memref_slice %arg9[%add3A_40, %dma_wait3A_59] : memref<10008x128xf32, #tpu.memory_space<vmem_shared>> -> memref<128x128xf32, #tpu.memory_space<vmem_shared>>
        tpu.wait_dma2 semaphore(%run_scoped3A : memref<!tpu.dma_semaphore, #tpu.memory_space<semaphore_mem>>) src(%dma_wait3A_60 : memref<128x128xf32, #tpu.memory_space<vmem_shared>>) dst(%dma_wait3A_58 : memref<128x128xf32, #tpu.memory_space<hbm>>)
        tpu.yield
      }) : () -> ()
      %add3A_41 = arith.constant 256 : i32
      %add3A_42 = arith.addi %mul3A_36, %add3A_41 : i32
      "tpu.region"() ({
        %run_scoped3A = tpu.sem_alloc : memref<!tpu.dma_semaphore, #tpu.memory_space<semaphore_mem>>
        %dma_start3A = arith.constant 0 : i32
        %dma_start3A_55 = tpu.memref_slice %arg7[%add3A_42, %dma_start3A] : memref<10000x128xf32, #tpu.memory_space<hbm>> -> memref<128x128xf32, #tpu.memory_space<hbm>>
        %dma_start3A_56 = arith.constant 0 : i32
        %dma_start3A_57 = tpu.memref_slice %arg9[%add3A_42, %dma_start3A_56] : memref<10008x128xf32, #tpu.memory_space<vmem_shared>> -> memref<128x128xf32, #tpu.memory_space<vmem_shared>>
        tpu.enqueue_dma source(%dma_start3A_57 : memref<128x128xf32, #tpu.memory_space<vmem_shared>>) target(%dma_start3A_55 : memref<128x128xf32, #tpu.memory_space<hbm>>) target_semaphore(%run_scoped3A : memref<!tpu.dma_semaphore, #tpu.memory_space<semaphore_mem>>)
        %dma_wait3A = arith.constant 0 : i32
        %dma_wait3A_58 = tpu.memref_slice %arg7[%add3A_42, %dma_wait3A] : memref<10000x128xf32, #tpu.memory_space<hbm>> -> memref<128x128xf32, #tpu.memory_space<hbm>>
        %dma_wait3A_59 = arith.constant 0 : i32
        %dma_wait3A_60 = tpu.memref_slice %arg9[%add3A_42, %dma_wait3A_59] : memref<10008x128xf32, #tpu.memory_space<vmem_shared>> -> memref<128x128xf32, #tpu.memory_space<vmem_shared>>
        tpu.wait_dma2 semaphore(%run_scoped3A : memref<!tpu.dma_semaphore, #tpu.memory_space<semaphore_mem>>) src(%dma_wait3A_60 : memref<128x128xf32, #tpu.memory_space<vmem_shared>>) dst(%dma_wait3A_58 : memref<128x128xf32, #tpu.memory_space<hbm>>)
        tpu.yield
      }) : () -> ()
      %add3A_43 = arith.constant 384 : i32
      %add3A_44 = arith.addi %mul3A_36, %add3A_43 : i32
      "tpu.region"() ({
        %run_scoped3A = tpu.sem_alloc : memref<!tpu.dma_semaphore, #tpu.memory_space<semaphore_mem>>
        %dma_start3A = arith.constant 0 : i32
        %dma_start3A_55 = tpu.memref_slice %arg7[%add3A_44, %dma_start3A] : memref<10000x128xf32, #tpu.memory_space<hbm>> -> memref<128x128xf32, #tpu.memory_space<hbm>>
        %dma_start3A_56 = arith.constant 0 : i32
        %dma_start3A_57 = tpu.memref_slice %arg9[%add3A_44, %dma_start3A_56] : memref<10008x128xf32, #tpu.memory_space<vmem_shared>> -> memref<128x128xf32, #tpu.memory_space<vmem_shared>>
        tpu.enqueue_dma source(%dma_start3A_57 : memref<128x128xf32, #tpu.memory_space<vmem_shared>>) target(%dma_start3A_55 : memref<128x128xf32, #tpu.memory_space<hbm>>) target_semaphore(%run_scoped3A : memref<!tpu.dma_semaphore, #tpu.memory_space<semaphore_mem>>)
        %dma_wait3A = arith.constant 0 : i32
        %dma_wait3A_58 = tpu.memref_slice %arg7[%add3A_44, %dma_wait3A] : memref<10000x128xf32, #tpu.memory_space<hbm>> -> memref<128x128xf32, #tpu.memory_space<hbm>>
        %dma_wait3A_59 = arith.constant 0 : i32
        %dma_wait3A_60 = tpu.memref_slice %arg9[%add3A_44, %dma_wait3A_59] : memref<10008x128xf32, #tpu.memory_space<vmem_shared>> -> memref<128x128xf32, #tpu.memory_space<vmem_shared>>
        tpu.wait_dma2 semaphore(%run_scoped3A : memref<!tpu.dma_semaphore, #tpu.memory_space<semaphore_mem>>) src(%dma_wait3A_60 : memref<128x128xf32, #tpu.memory_space<vmem_shared>>) dst(%dma_wait3A_58 : memref<128x128xf32, #tpu.memory_space<hbm>>)
        tpu.yield
      }) : () -> ()
      %lt3A_45 = arith.constant 15 : i32
      %lt3A_46 = arith.cmpi slt, %arg1, %lt3A_45 : i32
      %convert_element_type3A_47 = arith.extui %lt3A_46 : i1 to i32
      %cond3A_48 = arith.constant 0 : i32
      %cond3A_49 = arith.cmpi ne, %convert_element_type3A_47, %cond3A_48 : i32
      scf.if %cond3A_49 {
        %add3A_55 = arith.constant 512 : i32
        %add3A_56 = arith.addi %mul3A_36, %add3A_55 : i32
        "tpu.region"() ({
          %run_scoped3A = tpu.sem_alloc : memref<!tpu.dma_semaphore, #tpu.memory_space<semaphore_mem>>
          %dma_start3A = arith.constant 0 : i32
          %dma_start3A_57 = tpu.memref_slice %arg7[%add3A_56, %dma_start3A] : memref<10000x128xf32, #tpu.memory_space<hbm>> -> memref<120x128xf32, #tpu.memory_space<hbm>>
          %dma_start3A_58 = arith.constant 0 : i32
          %dma_start3A_59 = tpu.memref_slice %arg9[%add3A_56, %dma_start3A_58] : memref<10008x128xf32, #tpu.memory_space<vmem_shared>> -> memref<120x128xf32, #tpu.memory_space<vmem_shared>>
          tpu.enqueue_dma source(%dma_start3A_59 : memref<120x128xf32, #tpu.memory_space<vmem_shared>>) target(%dma_start3A_57 : memref<120x128xf32, #tpu.memory_space<hbm>>) target_semaphore(%run_scoped3A : memref<!tpu.dma_semaphore, #tpu.memory_space<semaphore_mem>>)
          %dma_wait3A = arith.constant 0 : i32
          %dma_wait3A_60 = tpu.memref_slice %arg7[%add3A_56, %dma_wait3A] : memref<10000x128xf32, #tpu.memory_space<hbm>> -> memref<120x128xf32, #tpu.memory_space<hbm>>
          %dma_wait3A_61 = arith.constant 0 : i32
          %dma_wait3A_62 = tpu.memref_slice %arg9[%add3A_56, %dma_wait3A_61] : memref<10008x128xf32, #tpu.memory_space<vmem_shared>> -> memref<120x128xf32, #tpu.memory_space<vmem_shared>>
          tpu.wait_dma2 semaphore(%run_scoped3A : memref<!tpu.dma_semaphore, #tpu.memory_space<semaphore_mem>>) src(%dma_wait3A_62 : memref<120x128xf32, #tpu.memory_space<vmem_shared>>) dst(%dma_wait3A_60 : memref<120x128xf32, #tpu.memory_space<hbm>>)
          tpu.yield
        }) : () -> ()
      } else {
      }
      %eq3A_50 = arith.constant 15 : i32
      %eq3A_51 = arith.cmpi eq, %arg1, %eq3A_50 : i32
      %convert_element_type3A_52 = arith.extui %eq3A_51 : i1 to i32
      %cond3A_53 = arith.constant 0 : i32
      %cond3A_54 = arith.cmpi ne, %convert_element_type3A_52, %cond3A_53 : i32
      scf.if %cond3A_54 {
        %add3A_55 = arith.constant 512 : i32
        %add3A_56 = arith.addi %mul3A_36, %add3A_55 : i32
        "tpu.region"() ({
          %run_scoped3A = tpu.sem_alloc : memref<!tpu.dma_semaphore, #tpu.memory_space<semaphore_mem>>
          %dma_start3A = arith.constant 0 : i32
          %dma_start3A_57 = tpu.memref_slice %arg7[%add3A_56, %dma_start3A] : memref<10000x128xf32, #tpu.memory_space<hbm>> -> memref<8x128xf32, #tpu.memory_space<hbm>>
          %dma_start3A_58 = arith.constant 0 : i32
          %dma_start3A_59 = tpu.memref_slice %arg9[%add3A_56, %dma_start3A_58] : memref<10008x128xf32, #tpu.memory_space<vmem_shared>> -> memref<8x128xf32, #tpu.memory_space<vmem_shared>>
          tpu.enqueue_dma source(%dma_start3A_59 : memref<8x128xf32, #tpu.memory_space<vmem_shared>>) target(%dma_start3A_57 : memref<8x128xf32, #tpu.memory_space<hbm>>) target_semaphore(%run_scoped3A : memref<!tpu.dma_semaphore, #tpu.memory_space<semaphore_mem>>)
          %dma_wait3A = arith.constant 0 : i32
          %dma_wait3A_60 = tpu.memref_slice %arg7[%add3A_56, %dma_wait3A] : memref<10000x128xf32, #tpu.memory_space<hbm>> -> memref<8x128xf32, #tpu.memory_space<hbm>>
          %dma_wait3A_61 = arith.constant 0 : i32
          %dma_wait3A_62 = tpu.memref_slice %arg9[%add3A_56, %dma_wait3A_61] : memref<10008x128xf32, #tpu.memory_space<vmem_shared>> -> memref<8x128xf32, #tpu.memory_space<vmem_shared>>
          tpu.wait_dma2 semaphore(%run_scoped3A : memref<!tpu.dma_semaphore, #tpu.memory_space<semaphore_mem>>) src(%dma_wait3A_62 : memref<8x128xf32, #tpu.memory_space<vmem_shared>>) dst(%dma_wait3A_60 : memref<8x128xf32, #tpu.memory_space<hbm>>)
          tpu.yield
        }) : () -> ()
      } else {
      }
    } else {
    }
    %eq3A_30 = arith.constant 1 : i32
    %eq3A_31 = arith.cmpi eq, %arg0, %eq3A_30 : i32
    %convert_element_type3A_32 = arith.extui %eq3A_31 : i1 to i32
    %cond3A_33 = arith.constant 0 : i32
    %cond3A_34 = arith.cmpi ne, %convert_element_type3A_32, %cond3A_33 : i32
    scf.if %cond3A_34 {
      %mul3A_35 = arith.constant 632 : i32
      %mul3A_36 = arith.muli %arg1, %mul3A_35 : i32
      %add3A_37 = arith.constant 0 : i32
      %add3A_38 = arith.addi %mul3A_36, %add3A_37 : i32
      "tpu.region"() ({
        %run_scoped3A = tpu.sem_alloc : memref<!tpu.dma_semaphore, #tpu.memory_space<semaphore_mem>>
        %dma_start3A = arith.constant 0 : i32
        %dma_start3A_55 = tpu.memref_slice %arg8[%add3A_38, %dma_start3A] : memref<10000x128xf32, #tpu.memory_space<hbm>> -> memref<128x128xf32, #tpu.memory_space<hbm>>
        %dma_start3A_56 = arith.constant 0 : i32
        %dma_start3A_57 = tpu.memref_slice %arg9[%add3A_38, %dma_start3A_56] : memref<10008x128xf32, #tpu.memory_space<vmem_shared>> -> memref<128x128xf32, #tpu.memory_space<vmem_shared>>
        tpu.enqueue_dma source(%dma_start3A_57 : memref<128x128xf32, #tpu.memory_space<vmem_shared>>) target(%dma_start3A_55 : memref<128x128xf32, #tpu.memory_space<hbm>>) target_semaphore(%run_scoped3A : memref<!tpu.dma_semaphore, #tpu.memory_space<semaphore_mem>>)
        %dma_wait3A = arith.constant 0 : i32
        %dma_wait3A_58 = tpu.memref_slice %arg8[%add3A_38, %dma_wait3A] : memref<10000x128xf32, #tpu.memory_space<hbm>> -> memref<128x128xf32, #tpu.memory_space<hbm>>
        %dma_wait3A_59 = arith.constant 0 : i32
        %dma_wait3A_60 = tpu.memref_slice %arg9[%add3A_38, %dma_wait3A_59] : memref<10008x128xf32, #tpu.memory_space<vmem_shared>> -> memref<128x128xf32, #tpu.memory_space<vmem_shared>>
        tpu.wait_dma2 semaphore(%run_scoped3A : memref<!tpu.dma_semaphore, #tpu.memory_space<semaphore_mem>>) src(%dma_wait3A_60 : memref<128x128xf32, #tpu.memory_space<vmem_shared>>) dst(%dma_wait3A_58 : memref<128x128xf32, #tpu.memory_space<hbm>>)
        tpu.yield
      }) : () -> ()
      %add3A_39 = arith.constant 128 : i32
      %add3A_40 = arith.addi %mul3A_36, %add3A_39 : i32
      "tpu.region"() ({
        %run_scoped3A = tpu.sem_alloc : memref<!tpu.dma_semaphore, #tpu.memory_space<semaphore_mem>>
        %dma_start3A = arith.constant 0 : i32
        %dma_start3A_55 = tpu.memref_slice %arg8[%add3A_40, %dma_start3A] : memref<10000x128xf32, #tpu.memory_space<hbm>> -> memref<128x128xf32, #tpu.memory_space<hbm>>
        %dma_start3A_56 = arith.constant 0 : i32
        %dma_start3A_57 = tpu.memref_slice %arg9[%add3A_40, %dma_start3A_56] : memref<10008x128xf32, #tpu.memory_space<vmem_shared>> -> memref<128x128xf32, #tpu.memory_space<vmem_shared>>
        tpu.enqueue_dma source(%dma_start3A_57 : memref<128x128xf32, #tpu.memory_space<vmem_shared>>) target(%dma_start3A_55 : memref<128x128xf32, #tpu.memory_space<hbm>>) target_semaphore(%run_scoped3A : memref<!tpu.dma_semaphore, #tpu.memory_space<semaphore_mem>>)
        %dma_wait3A = arith.constant 0 : i32
        %dma_wait3A_58 = tpu.memref_slice %arg8[%add3A_40, %dma_wait3A] : memref<10000x128xf32, #tpu.memory_space<hbm>> -> memref<128x128xf32, #tpu.memory_space<hbm>>
        %dma_wait3A_59 = arith.constant 0 : i32
        %dma_wait3A_60 = tpu.memref_slice %arg9[%add3A_40, %dma_wait3A_59] : memref<10008x128xf32, #tpu.memory_space<vmem_shared>> -> memref<128x128xf32, #tpu.memory_space<vmem_shared>>
        tpu.wait_dma2 semaphore(%run_scoped3A : memref<!tpu.dma_semaphore, #tpu.memory_space<semaphore_mem>>) src(%dma_wait3A_60 : memref<128x128xf32, #tpu.memory_space<vmem_shared>>) dst(%dma_wait3A_58 : memref<128x128xf32, #tpu.memory_space<hbm>>)
        tpu.yield
      }) : () -> ()
      %add3A_41 = arith.constant 256 : i32
      %add3A_42 = arith.addi %mul3A_36, %add3A_41 : i32
      "tpu.region"() ({
        %run_scoped3A = tpu.sem_alloc : memref<!tpu.dma_semaphore, #tpu.memory_space<semaphore_mem>>
        %dma_start3A = arith.constant 0 : i32
        %dma_start3A_55 = tpu.memref_slice %arg8[%add3A_42, %dma_start3A] : memref<10000x128xf32, #tpu.memory_space<hbm>> -> memref<128x128xf32, #tpu.memory_space<hbm>>
        %dma_start3A_56 = arith.constant 0 : i32
        %dma_start3A_57 = tpu.memref_slice %arg9[%add3A_42, %dma_start3A_56] : memref<10008x128xf32, #tpu.memory_space<vmem_shared>> -> memref<128x128xf32, #tpu.memory_space<vmem_shared>>
        tpu.enqueue_dma source(%dma_start3A_57 : memref<128x128xf32, #tpu.memory_space<vmem_shared>>) target(%dma_start3A_55 : memref<128x128xf32, #tpu.memory_space<hbm>>) target_semaphore(%run_scoped3A : memref<!tpu.dma_semaphore, #tpu.memory_space<semaphore_mem>>)
        %dma_wait3A = arith.constant 0 : i32
        %dma_wait3A_58 = tpu.memref_slice %arg8[%add3A_42, %dma_wait3A] : memref<10000x128xf32, #tpu.memory_space<hbm>> -> memref<128x128xf32, #tpu.memory_space<hbm>>
        %dma_wait3A_59 = arith.constant 0 : i32
        %dma_wait3A_60 = tpu.memref_slice %arg9[%add3A_42, %dma_wait3A_59] : memref<10008x128xf32, #tpu.memory_space<vmem_shared>> -> memref<128x128xf32, #tpu.memory_space<vmem_shared>>
        tpu.wait_dma2 semaphore(%run_scoped3A : memref<!tpu.dma_semaphore, #tpu.memory_space<semaphore_mem>>) src(%dma_wait3A_60 : memref<128x128xf32, #tpu.memory_space<vmem_shared>>) dst(%dma_wait3A_58 : memref<128x128xf32, #tpu.memory_space<hbm>>)
        tpu.yield
      }) : () -> ()
      %add3A_43 = arith.constant 384 : i32
      %add3A_44 = arith.addi %mul3A_36, %add3A_43 : i32
      "tpu.region"() ({
        %run_scoped3A = tpu.sem_alloc : memref<!tpu.dma_semaphore, #tpu.memory_space<semaphore_mem>>
        %dma_start3A = arith.constant 0 : i32
        %dma_start3A_55 = tpu.memref_slice %arg8[%add3A_44, %dma_start3A] : memref<10000x128xf32, #tpu.memory_space<hbm>> -> memref<128x128xf32, #tpu.memory_space<hbm>>
        %dma_start3A_56 = arith.constant 0 : i32
        %dma_start3A_57 = tpu.memref_slice %arg9[%add3A_44, %dma_start3A_56] : memref<10008x128xf32, #tpu.memory_space<vmem_shared>> -> memref<128x128xf32, #tpu.memory_space<vmem_shared>>
        tpu.enqueue_dma source(%dma_start3A_57 : memref<128x128xf32, #tpu.memory_space<vmem_shared>>) target(%dma_start3A_55 : memref<128x128xf32, #tpu.memory_space<hbm>>) target_semaphore(%run_scoped3A : memref<!tpu.dma_semaphore, #tpu.memory_space<semaphore_mem>>)
        %dma_wait3A = arith.constant 0 : i32
        %dma_wait3A_58 = tpu.memref_slice %arg8[%add3A_44, %dma_wait3A] : memref<10000x128xf32, #tpu.memory_space<hbm>> -> memref<128x128xf32, #tpu.memory_space<hbm>>
        %dma_wait3A_59 = arith.constant 0 : i32
        %dma_wait3A_60 = tpu.memref_slice %arg9[%add3A_44, %dma_wait3A_59] : memref<10008x128xf32, #tpu.memory_space<vmem_shared>> -> memref<128x128xf32, #tpu.memory_space<vmem_shared>>
        tpu.wait_dma2 semaphore(%run_scoped3A : memref<!tpu.dma_semaphore, #tpu.memory_space<semaphore_mem>>) src(%dma_wait3A_60 : memref<128x128xf32, #tpu.memory_space<vmem_shared>>) dst(%dma_wait3A_58 : memref<128x128xf32, #tpu.memory_space<hbm>>)
        tpu.yield
      }) : () -> ()
      %lt3A_45 = arith.constant 15 : i32
      %lt3A_46 = arith.cmpi slt, %arg1, %lt3A_45 : i32
      %convert_element_type3A_47 = arith.extui %lt3A_46 : i1 to i32
      %cond3A_48 = arith.constant 0 : i32
      %cond3A_49 = arith.cmpi ne, %convert_element_type3A_47, %cond3A_48 : i32
      scf.if %cond3A_49 {
        %add3A_55 = arith.constant 512 : i32
        %add3A_56 = arith.addi %mul3A_36, %add3A_55 : i32
        "tpu.region"() ({
          %run_scoped3A = tpu.sem_alloc : memref<!tpu.dma_semaphore, #tpu.memory_space<semaphore_mem>>
          %dma_start3A = arith.constant 0 : i32
          %dma_start3A_57 = tpu.memref_slice %arg8[%add3A_56, %dma_start3A] : memref<10000x128xf32, #tpu.memory_space<hbm>> -> memref<120x128xf32, #tpu.memory_space<hbm>>
          %dma_start3A_58 = arith.constant 0 : i32
          %dma_start3A_59 = tpu.memref_slice %arg9[%add3A_56, %dma_start3A_58] : memref<10008x128xf32, #tpu.memory_space<vmem_shared>> -> memref<120x128xf32, #tpu.memory_space<vmem_shared>>
          tpu.enqueue_dma source(%dma_start3A_59 : memref<120x128xf32, #tpu.memory_space<vmem_shared>>) target(%dma_start3A_57 : memref<120x128xf32, #tpu.memory_space<hbm>>) target_semaphore(%run_scoped3A : memref<!tpu.dma_semaphore, #tpu.memory_space<semaphore_mem>>)
          %dma_wait3A = arith.constant 0 : i32
          %dma_wait3A_60 = tpu.memref_slice %arg8[%add3A_56, %dma_wait3A] : memref<10000x128xf32, #tpu.memory_space<hbm>> -> memref<120x128xf32, #tpu.memory_space<hbm>>
          %dma_wait3A_61 = arith.constant 0 : i32
          %dma_wait3A_62 = tpu.memref_slice %arg9[%add3A_56, %dma_wait3A_61] : memref<10008x128xf32, #tpu.memory_space<vmem_shared>> -> memref<120x128xf32, #tpu.memory_space<vmem_shared>>
          tpu.wait_dma2 semaphore(%run_scoped3A : memref<!tpu.dma_semaphore, #tpu.memory_space<semaphore_mem>>) src(%dma_wait3A_62 : memref<120x128xf32, #tpu.memory_space<vmem_shared>>) dst(%dma_wait3A_60 : memref<120x128xf32, #tpu.memory_space<hbm>>)
          tpu.yield
        }) : () -> ()
      } else {
      }
      %eq3A_50 = arith.constant 15 : i32
      %eq3A_51 = arith.cmpi eq, %arg1, %eq3A_50 : i32
      %convert_element_type3A_52 = arith.extui %eq3A_51 : i1 to i32
      %cond3A_53 = arith.constant 0 : i32
      %cond3A_54 = arith.cmpi ne, %convert_element_type3A_52, %cond3A_53 : i32
      scf.if %cond3A_54 {
        %add3A_55 = arith.constant 512 : i32
        %add3A_56 = arith.addi %mul3A_36, %add3A_55 : i32
        "tpu.region"() ({
          %run_scoped3A = tpu.sem_alloc : memref<!tpu.dma_semaphore, #tpu.memory_space<semaphore_mem>>
          %dma_start3A = arith.constant 0 : i32
          %dma_start3A_57 = tpu.memref_slice %arg8[%add3A_56, %dma_start3A] : memref<10000x128xf32, #tpu.memory_space<hbm>> -> memref<8x128xf32, #tpu.memory_space<hbm>>
          %dma_start3A_58 = arith.constant 0 : i32
          %dma_start3A_59 = tpu.memref_slice %arg9[%add3A_56, %dma_start3A_58] : memref<10008x128xf32, #tpu.memory_space<vmem_shared>> -> memref<8x128xf32, #tpu.memory_space<vmem_shared>>
          tpu.enqueue_dma source(%dma_start3A_59 : memref<8x128xf32, #tpu.memory_space<vmem_shared>>) target(%dma_start3A_57 : memref<8x128xf32, #tpu.memory_space<hbm>>) target_semaphore(%run_scoped3A : memref<!tpu.dma_semaphore, #tpu.memory_space<semaphore_mem>>)
          %dma_wait3A = arith.constant 0 : i32
          %dma_wait3A_60 = tpu.memref_slice %arg8[%add3A_56, %dma_wait3A] : memref<10000x128xf32, #tpu.memory_space<hbm>> -> memref<8x128xf32, #tpu.memory_space<hbm>>
          %dma_wait3A_61 = arith.constant 0 : i32
          %dma_wait3A_62 = tpu.memref_slice %arg9[%add3A_56, %dma_wait3A_61] : memref<10008x128xf32, #tpu.memory_space<vmem_shared>> -> memref<8x128xf32, #tpu.memory_space<vmem_shared>>
          tpu.wait_dma2 semaphore(%run_scoped3A : memref<!tpu.dma_semaphore, #tpu.memory_space<semaphore_mem>>) src(%dma_wait3A_62 : memref<8x128xf32, #tpu.memory_space<vmem_shared>>) dst(%dma_wait3A_60 : memref<8x128xf32, #tpu.memory_space<hbm>>)
          tpu.yield
        }) : () -> ()
      } else {
      }
    } else {
    }
    return
  }
}

module attributes {stable_mosaic.version = 14 : i64} {
  func.func @_prep_body(%arg0: memref<10000x128xf32, #tpu.memory_space<vmem>>, %arg1: memref<128x128xf32, #tpu.memory_space<vmem>>, %arg2: memref<1x128xf32, #tpu.memory_space<vmem>>, %arg3: memref<10000x1xf32, #tpu.memory_space<vmem>>, %arg4: memref<10000x1xf32, #tpu.memory_space<vmem>>, %arg5: memref<10000x128xf32, #tpu.memory_space<vmem>>, %arg6: memref<10000x128xf32, #tpu.memory_space<vmem>>, %arg7: memref<10000x1xf32, #tpu.memory_space<vmem>>) attributes {dimension_semantics = [], scalar_prefetch = 0 : i64, scratch_operands = 0 : i64, tpu.core_type = #tpu.core_type<tc>} {
    %get3A = arith.constant 0 : index
    %get3A_0 = arith.constant 0 : index
    %get3A_1 = vector.load %arg0[%get3A, %get3A_0] : memref<10000x128xf32, #tpu.memory_space<vmem>>, vector<10000x128xf32>
    %get3A_2 = arith.constant 0 : index
    %get3A_3 = arith.constant 0 : index
    %get3A_4 = vector.load %arg1[%get3A_2, %get3A_3] : memref<128x128xf32, #tpu.memory_space<vmem>>, vector<128x128xf32>
    %dot_general3A = arith.constant dense<0.000000e+00> : vector<10000x128xf32>
    %dot_general3A_5 = tpu.matmul %get3A_1, %get3A_4, %dot_general3A {dimension_numbers = #tpu.dot_dimension_numbers<[1], [0], [0], [1], [0, 0, 1, 1], [], []>, transpose_lhs_hint = false} : vector<10000x128xf32>, vector<128x128xf32>, vector<10000x128xf32> -> vector<10000x128xf32>
    %get3A_6 = arith.constant 0 : index
    %get3A_7 = arith.constant 0 : index
    %get3A_8 = vector.load %arg2[%get3A_6, %get3A_7] : memref<1x128xf32, #tpu.memory_space<vmem>>, vector<1x128xf32>
    %add3A = vector.broadcast %get3A_8 : vector<1x128xf32> to vector<10000x128xf32>
    %add3A_9 = arith.addf %dot_general3A_5, %add3A : vector<10000x128xf32>
    %get3A_10 = arith.constant 0 : index
    %get3A_11 = arith.constant 0 : index
    %get3A_12 = vector.load %arg3[%get3A_10, %get3A_11] : memref<10000x1xf32, #tpu.memory_space<vmem>>, vector<10000x1xf32>
    %get3A_13 = arith.constant 0 : index
    %get3A_14 = arith.constant 0 : index
    %get3A_15 = vector.load %arg4[%get3A_13, %get3A_14] : memref<10000x1xf32, #tpu.memory_space<vmem>>, vector<10000x1xf32>
    %add3A_16 = arith.addf %get3A_12, %get3A_15 : vector<10000x1xf32>
    %max3A = arith.constant 1.000000e+00 : f32
    %max3A_17 = vector.broadcast %max3A : f32 to vector<10000x1xf32>
    %max3A_18 = arith.maximumf %add3A_16, %max3A_17 : vector<10000x1xf32>
    %rsqrt3A = math.rsqrt %max3A_18 : vector<10000x1xf32>
    %mul3A = arith.mulf %add3A_9, %add3A_9 : vector<10000x128xf32>
    %reduce_sum3A = arith.constant dense<0.000000e+00> : vector<10000xf32>
    %reduce_sum3A_19 = vector.multi_reduction <add>, %mul3A, %reduce_sum3A [1] : vector<10000x128xf32> to vector<10000xf32>
    %broadcast_in_dim3A = vector.shape_cast %reduce_sum3A_19 : vector<10000xf32> to vector<10000x1xf32>
    %max3A_20 = arith.constant 1.000000e-24 : f32
    %max3A_21 = vector.broadcast %max3A_20 : f32 to vector<10000x1xf32>
    %max3A_22 = arith.maximumf %broadcast_in_dim3A, %max3A_21 : vector<10000x1xf32>
    %rsqrt3A_23 = math.rsqrt %max3A_22 : vector<10000x1xf32>
    %mul3A_24 = vector.broadcast %rsqrt3A : vector<10000x1xf32> to vector<10000x128xf32>
    %mul3A_25 = arith.mulf %add3A_9, %mul3A_24 : vector<10000x128xf32>
    %swap3A = arith.constant 0 : index
    %swap3A_26 = arith.constant 0 : index
    %swap3A_27 = vector.load %arg5[%swap3A, %swap3A_26] : memref<10000x128xf32, #tpu.memory_space<vmem>>, vector<10000x128xf32>
    tpu.vector_store %arg5[%swap3A, %swap3A_26], %mul3A_25 {strides = array<i32>} : memref<10000x128xf32, #tpu.memory_space<vmem>>, vector<10000x128xf32>,
    %mul3A_28 = vector.broadcast %rsqrt3A_23 : vector<10000x1xf32> to vector<10000x128xf32>
    %mul3A_29 = arith.mulf %add3A_9, %mul3A_28 : vector<10000x128xf32>
    %swap3A_30 = arith.constant 0 : index
    %swap3A_31 = arith.constant 0 : index
    %swap3A_32 = vector.load %arg6[%swap3A_30, %swap3A_31] : memref<10000x128xf32, #tpu.memory_space<vmem>>, vector<10000x128xf32>
    tpu.vector_store %arg6[%swap3A_30, %swap3A_31], %mul3A_29 {strides = array<i32>} : memref<10000x128xf32, #tpu.memory_space<vmem>>, vector<10000x128xf32>,
    %swap3A_33 = arith.constant 0 : index
    %swap3A_34 = arith.constant 0 : index
    %swap3A_35 = vector.load %arg7[%swap3A_33, %swap3A_34] : memref<10000x1xf32, #tpu.memory_space<vmem>>, vector<10000x1xf32>
    tpu.vector_store %arg7[%swap3A_33, %swap3A_34], %rsqrt3A {strides = array<i32>} : memref<10000x1xf32, #tpu.memory_space<vmem>>, vector<10000x1xf32>,
    return
  }
}

module attributes {stable_mosaic.version = 14 : i64} {
  func.func @_finish_body(%arg0: memref<10000x128xf32, #tpu.memory_space<vmem>>, %arg1: memref<10000x128xf32, #tpu.memory_space<vmem>>, %arg2: memref<10000x128xf32, #tpu.memory_space<vmem>>, %arg3: memref<10000x1xf32, #tpu.memory_space<vmem>>, %arg4: memref<10000x128xf32, #tpu.memory_space<vmem>>, %arg5: memref<1x128xf32, #tpu.memory_space<vmem>>, %arg6: memref<1x128xf32, #tpu.memory_space<vmem>>, %arg7: memref<10000x128xf32, #tpu.memory_space<vmem>>, %arg8: memref<1x1xf32, #tpu.memory_space<vmem>>) attributes {dimension_semantics = [], scalar_prefetch = 0 : i64, scratch_operands = 0 : i64, tpu.core_type = #tpu.core_type<tc>} {
    %get3A = arith.constant 0 : index
    %get3A_0 = arith.constant 0 : index
    %get3A_1 = vector.load %arg3[%get3A, %get3A_0] : memref<10000x1xf32, #tpu.memory_space<vmem>>, vector<10000x1xf32>
    %get3A_2 = arith.constant 0 : index
    %get3A_3 = arith.constant 0 : index
    %get3A_4 = vector.load %arg0[%get3A_2, %get3A_3] : memref<10000x128xf32, #tpu.memory_space<vmem>>, vector<10000x128xf32>
    %mul3A = vector.broadcast %get3A_1 : vector<10000x1xf32> to vector<10000x128xf32>
    %mul3A_5 = arith.mulf %mul3A, %get3A_4 : vector<10000x128xf32>
    %reduce_sum3A = arith.constant dense<0.000000e+00> : vector<128xf32>
    %reduce_sum3A_6 = vector.multi_reduction <add>, %mul3A_5, %reduce_sum3A [0] : vector<10000x128xf32> to vector<128xf32>
    %broadcast_in_dim3A = vector.shape_cast %reduce_sum3A_6 : vector<128xf32> to vector<1x128xf32>
    %div3A = arith.constant 1.000000e+04 : f32
    %div3A_7 = vector.broadcast %div3A : f32 to vector<1x128xf32>
    %div3A_8 = arith.divf %broadcast_in_dim3A, %div3A_7 : vector<1x128xf32>
    %sub3A = vector.broadcast %div3A_8 : vector<1x128xf32> to vector<10000x128xf32>
    %sub3A_9 = arith.subf %mul3A_5, %sub3A : vector<10000x128xf32>
    %mul3A_10 = arith.mulf %sub3A_9, %sub3A_9 : vector<10000x128xf32>
    %reduce_sum3A_11 = arith.constant dense<0.000000e+00> : vector<128xf32>
    %reduce_sum3A_12 = vector.multi_reduction <add>, %mul3A_10, %reduce_sum3A_11 [0] : vector<10000x128xf32> to vector<128xf32>
    %broadcast_in_dim3A_13 = vector.shape_cast %reduce_sum3A_12 : vector<128xf32> to vector<1x128xf32>
    %div3A_14 = arith.constant 1.000000e+04 : f32
    %div3A_15 = vector.broadcast %div3A_14 : f32 to vector<1x128xf32>
    %div3A_16 = arith.divf %broadcast_in_dim3A_13, %div3A_15 : vector<1x128xf32>
    %add3A = arith.constant 9.99999974E-6 : f32
    %add3A_17 = vector.broadcast %add3A : f32 to vector<1x128xf32>
    %add3A_18 = arith.addf %div3A_16, %add3A_17 : vector<1x128xf32>
    %rsqrt3A = math.rsqrt %add3A_18 : vector<1x128xf32>
    %mul3A_19 = vector.broadcast %rsqrt3A : vector<1x128xf32> to vector<10000x128xf32>
    %mul3A_20 = arith.mulf %sub3A_9, %mul3A_19 : vector<10000x128xf32>
    %get3A_21 = arith.constant 0 : index
    %get3A_22 = arith.constant 0 : index
    %get3A_23 = vector.load %arg5[%get3A_21, %get3A_22] : memref<1x128xf32, #tpu.memory_space<vmem>>, vector<1x128xf32>
    %mul3A_24 = vector.broadcast %get3A_23 : vector<1x128xf32> to vector<10000x128xf32>
    %mul3A_25 = arith.mulf %mul3A_20, %mul3A_24 : vector<10000x128xf32>
    %get3A_26 = arith.constant 0 : index
    %get3A_27 = arith.constant 0 : index
    %get3A_28 = vector.load %arg6[%get3A_26, %get3A_27] : memref<1x128xf32, #tpu.memory_space<vmem>>, vector<1x128xf32>
    %add3A_29 = vector.broadcast %get3A_28 : vector<1x128xf32> to vector<10000x128xf32>
    %add3A_30 = arith.addf %mul3A_25, %add3A_29 : vector<10000x128xf32>
    %max3A = arith.constant 0.000000e+00 : f32
    %max3A_31 = vector.broadcast %max3A : f32 to vector<10000x128xf32>
    %max3A_32 = arith.maximumf %add3A_30, %max3A_31 : vector<10000x128xf32>
    %get3A_33 = arith.constant 0 : index
    %get3A_34 = arith.constant 0 : index
    %get3A_35 = vector.load %arg4[%get3A_33, %get3A_34] : memref<10000x128xf32, #tpu.memory_space<vmem>>, vector<10000x128xf32>
    %add3A_36 = arith.addf %max3A_32, %get3A_35 : vector<10000x128xf32>
    %swap3A = arith.constant 0 : index
    %swap3A_37 = arith.constant 0 : index
    %swap3A_38 = vector.load %arg7[%swap3A, %swap3A_37] : memref<10000x128xf32, #tpu.memory_space<vmem>>, vector<10000x128xf32>
    tpu.vector_store %arg7[%swap3A, %swap3A_37], %add3A_36 {strides = array<i32>} : memref<10000x128xf32, #tpu.memory_space<vmem>>, vector<10000x128xf32>,
    %get3A_39 = arith.constant 0 : index
    %get3A_40 = arith.constant 0 : index
    %get3A_41 = vector.load %arg2[%get3A_39, %get3A_40] : memref<10000x128xf32, #tpu.memory_space<vmem>>, vector<10000x128xf32>
    %get3A_42 = arith.constant 0 : index
    %get3A_43 = arith.constant 0 : index
    %get3A_44 = vector.load %arg1[%get3A_42, %get3A_43] : memref<10000x128xf32, #tpu.memory_space<vmem>>, vector<10000x128xf32>
    %mul3A_45 = arith.mulf %get3A_41, %get3A_44 : vector<10000x128xf32>
    %reduce_sum3A_46 = vector.shape_cast %mul3A_45 : vector<10000x128xf32> to vector<1x10000x128xf32>
    %reduce_sum3A_47 = arith.constant dense<0.000000e+00> : vector<1xf32>
    %reduce_sum3A_48 = vector.multi_reduction <add>, %reduce_sum3A_46, %reduce_sum3A_47 [1, 2] : vector<1x10000x128xf32> to vector<1xf32>
    %reduce_sum3A_49 = vector.shape_cast %reduce_sum3A_48 : vector<1xf32> to vector<1x1x1xf32>
    %reduce_sum3A_50 = vector.extract %reduce_sum3A_49[0, 0, 0] : f32 from vector<1x1x1xf32>
    %mul3A_51 = arith.constant 3.125000e-06 : f32
    %mul3A_52 = arith.mulf %reduce_sum3A_50, %mul3A_51 : f32
    %sub3A_53 = arith.constant 1.000000e+00 : f32
    %sub3A_54 = arith.subf %sub3A_53, %mul3A_52 : f32
    %reshape3A = vector.broadcast %sub3A_54 : f32 to vector<1x1xf32>
    %swap3A_55 = arith.constant 0 : index
    %swap3A_56 = arith.constant 0 : index
    %swap3A_57 = vector.load %arg8[%swap3A_55, %swap3A_56] : memref<1x1xf32, #tpu.memory_space<vmem>>, vector<1x1xf32>
    tpu.vector_store %arg8[%swap3A_55, %swap3A_56], %reshape3A {strides = array<i32>} : memref<1x1xf32, #tpu.memory_space<vmem>>, vector<1x1xf32>,
    return
  }
}

</mosaic_0001>

<sc_bundles>
// kernel: kernel.6.cloned.1.call-start
scs
__scs_entry_jumppad:
0x0: {  	(pc) =	sbr.rel $0x88, $3  }
0x1: {  	(tag) =	ssettag $0x0;
	lr =	simm.s32 $0x1  }
0x2: {  	[smem:$0x3F9B] =	sst lr;
	_ =	strace $0xD0000000  }
0x3: {  	_ = 	snop  }
0x4: {  	_ = 	snop  }
0x5: {  	_ = 	snop  }
0x6: {  	_ = 	snop  }
0x7: {  	_ = 	snop  }
__scs_overlays_trampoline_lowered:
0x8: {  	[smem:$0x3FAA] =	sst s0  }
0x9: {  	[smem:$0x3FAB] =	sst s1  }
0xa: {  	[smem:$0x3FAC] =	sst s2  }
0xb: {  	[smem:$0x3FAD] =	sst s3  }
0xc: {  	[smem:$0x3FAE] =	sst s4  }
0xd: {  	[smem:$0x3FAF] =	sst s5  }
0xe: {  	[smem:$0x3FB0] =	sst s6  }
0xf: {  	[smem:$0x3FB1] =	sst s7  }
0x10: {  	[smem:$0x3FB2] =	sst s8  }
0x11: {  	[smem:$0x3FB3] =	sst s9;
	s0 =	simm.s32 @!p0 $0x0  }
0x12: {  	s1 =	sld [smem:$0x3F99];
	s0 =	simm.s32 @p0 $0x1  }
0x13: {  	[smem:$0x3FB4] =	sst s0;
	s0 =	simm.s32 @!p1 $0x0  }
0x14: {  	s2 =	sld [smem:$0x3F98];
	s0 =	simm.s32 @p1 $0x1  }
0x15: {  	[smem:$0x3FB5] =	sst s0;
	s0 =	simm.s32 @!p2 $0x0  }
0x16: {  	s3 =	sld [smem:$0x3FDB];
	s0 =	simm.s32 @p2 $0x1  }
0x17: {  	s4 =	simm.s32 $0x1BF5;
	[smem:$0x3FB7] =	sst s0  }
0x18: {  	s0 =	sld [smem:$0x3F9A];
	_ =	swait.ge [sflag:s4], $0x0  }
0x19: {  	s7 =	sld [smem:$0x3F9B]  }
0x1a: {  	s8 =	sadd.s32 $0xFFFFE003, lr  }
0x1b: {  	s9 =	sadd.s32 $0xFFFFFEF7, lr;
	s5 =	simm.s32 $0xFFFFFFFF;
	p2 =	slt.u32 s8, $0xFFFFF086  }
0x1c: {  	p1 =	slt.u32 s9, $0xF7A;
	s5 =	simm.s32 @!p2 $0x0  }
0x1d: {  	s5 =	simm.s32 @p1 $0x1;
	p0 =	seq.s32 s7, s2  }
0x1e: {  	s7 =	smul.u32 @!p0 $0xF7A, s2;
	p2 =	seq.s32 @!p0 s5, $0x0  }
0x1f: {  	s9 =	smul.u32 $0xF7A, s1;
	s8 =	simm.s32 @!p0 $0x1BF5;
	p2 =	por !p2, p0  }
0x20: {  	[sflag:s8] =	ssyncset.s32 @!p0 $0xFFFFF086;
	s6 =	sadd.s32 @!p0 s3, s7;
	s7 =	simm.s32 @!p0 $0x108  }
0x21: {  	s3 =	sadd.s32 s3, s9;
	s6 =	sadd.s32 @!p0 $0x88, s6;
	s7 =	simm.s32 @p2 $0x1082  }
0x22: {  	[simem:s7], [sflag:s8] =	dma.local @!p0 [hbm:s6], $0xF7A  }
0x23: {  	s9 =	sor.u32 $0xD0000000, s2;
	s6 =	simm.s32 $0x108;
	_ =	swait.ge @!p0 [sflag:s8], $0x0  }
0x24: {  	s3 =	sadd.s32 $0x88, s3;
	s6 =	simm.s32 @!p1 $0x1082;
	[sflag:s4] =	ssyncset.s32 $0xFFFFF086  }
0x25: {  	[simem:s6], [sflag:s4] =	dma.local [hbm:s3], $0xF7A  }
0x26: {  	[smem:$0x3F9B] =	sst s1;
	(tag) =	ssettag s2;
	_ =	strace s9  }
0x27: {  	s1 =	sld [smem:$0x3FAB]  }
0x28: {  	s2 =	sld [smem:$0x3FAC]  }
0x29: {  	s4 =	sld [smem:$0x3FAE]  }
0x2a: {  	p0 =	seq.s32 s5, $0x0;
	s5 =	sld [smem:$0x3FAF]  }
0x2b: {  	s6 =	sld [smem:$0x3FB0]  }
0x2c: {  	s7 =	sld [smem:$0x3FB1]  }
0x2d: {  	s3 =	simm.s32 $0x108;
	s8 =	sld [smem:$0x3FB2]  }
0x2e: {  	s3 =	simm.s32 @!p0 $0x1082;
	s9 =	sld [smem:$0x3FB3]  }
0x2f: {  	lr =	sadd.s32 s0, s3;
	s0 =	sld [smem:$0x3FAA]  }
0x30: {  	s3 =	sld [smem:$0x3FAD]  }
0x31: {  	[smem:$0x3FB6] =	sst s10  }
0x32: {  	s10 =	sld [smem:$0x3FB4];
	_ =	sdelay $0x3  }
0x33: {  	p0 =	seq.s32 s10, $0x1;
	s10 =	sld [smem:$0x3FB6];
	_ =	sdelay $0x3  }
0x34: {  	[smem:$0x3FB6] =	sst s10  }
0x35: {  	s10 =	sld [smem:$0x3FB5];
	_ =	sdelay $0x3  }
0x36: {  	p1 =	seq.s32 s10, $0x1;
	s10 =	sld [smem:$0x3FB6];
	_ =	sdelay $0x3  }
0x37: {  	[smem:$0x3FB6] =	sst s10  }
0x38: {  	s10 =	sld [smem:$0x3FB7]  }
0x39: {  	_ = 	snop;
	(pc) =	sbr.ind lr, $3  }
0x3a: {  	_ = 	snop  }
0x3b: {  	_ = 	snop  }
0x3c: {  	p2 =	seq.s32 s10, $0x1;
	s10 =	sld [smem:$0x3FB6]  }
0x3d: {  	_ =	shalt  }
0x3e: {  	_ =	shalt  }
0x3f: {  	_ =	shalt  }
0x40: {  	_ =	shalt  }
0x41: {  	_ =	shalt  }
0x42: {  	_ =	shalt  }
0x43: {  	_ =	shalt  }
0x44: {  	_ =	shalt  }
0x45: {  	_ =	shalt  }
0x46: {  	_ =	shalt  }
0x47: {  	_ =	shalt  }
0x48: {  	_ =	shalt  }
0x49: {  	_ =	shalt  }
0x4a: {  	_ =	shalt  }
0x4b: {  	_ =	shalt  }
0x4c: {  	_ =	shalt  }
0x4d: {  	_ =	shalt  }
0x4e: {  	_ =	shalt  }
0x4f: {  	_ =	shalt  }
0x50: {  	_ =	shalt  }
0x51: {  	_ =	shalt  }
0x52: {  	_ =	shalt  }
0x53: {  	_ =	shalt  }
0x54: {  	_ =	shalt  }
0x55: {  	_ =	shalt  }
0x56: {  	_ =	shalt  }
0x57: {  	_ =	shalt  }
0x58: {  	_ =	shalt  }
0x59: {  	_ =	shalt  }
0x5a: {  	_ =	shalt  }
0x5b: {  	_ =	shalt  }
0x5c: {  	_ =	shalt  }
0x5d: {  	_ =	shalt  }
0x5e: {  	_ =	shalt  }
0x5f: {  	_ =	shalt  }
0x60: {  	_ =	shalt  }
0x61: {  	_ =	shalt  }
0x62: {  	_ =	shalt  }
0x63: {  	_ =	shalt  }
0x64: {  	_ =	shalt  }
0x65: {  	_ =	shalt  }
0x66: {  	_ =	shalt  }
0x67: {  	_ =	shalt  }
0x68: {  	_ =	shalt  }
0x69: {  	_ =	shalt  }
0x6a: {  	_ =	shalt  }
0x6b: {  	_ =	shalt  }
0x6c: {  	_ =	shalt  }
0x6d: {  	_ =	shalt  }
0x6e: {  	_ =	shalt  }
0x6f: {  	_ =	shalt  }
0x70: {  	_ =	shalt  }
0x71: {  	_ =	shalt  }
0x72: {  	_ =	shalt  }
0x73: {  	_ =	shalt  }
0x74: {  	_ =	shalt  }
0x75: {  	_ =	shalt  }
0x76: {  	_ =	shalt  }
0x77: {  	_ =	shalt  }
0x78: {  	_ =	shalt  }
0x79: {  	_ =	shalt  }
0x7a: {  	_ =	shalt  }
0x7b: {  	_ =	shalt  }
0x7c: {  	_ =	shalt  }
0x7d: {  	_ =	shalt  }
0x7e: {  	_ =	shalt  }
0x7f: {  	_ =	shalt  }
0x80: {  	_ =	shalt  }
0x81: {  	_ =	shalt  }
0x82: {  	_ =	shalt  }
0x83: {  	_ =	shalt  }
0x84: {  	_ =	shalt  }
0x85: {  	_ =	shalt  }
0x86: {  	_ =	shalt  }
0x87: {  	_ =	shalt  }
.Lfunc_end0:
.L_simem_size_0:
called_computation_lowered:
.L_overlay_start_0:
0x88: {  	s2 =	sld [smem:$0x3FD9]  }
0x89: {  	s3 =	sld [smem:$0x3FFE];
	_ =	sdelay $0x1  }
0x8a: {  	s1 =	srdreg.scid  }
0x8b: {  	s0 =	sand.u32 $0x1, s1  }
0x8c: {  	s14 =	sshll.u32 s0, $0xA;
	s2 =	sadd.s32 s3, s2  }
0x8d: {  	s2 =	sadd.s32 s2, s14  }
0x8e: {  	[smem:$0x3FC2] =	sst s2  }
0x8f: {  	_ = 	snop  }
0x90: {  	s2 =	sld [smem:$0x3FD0];
	_ =	sdelay $0x2  }
0x91: {  	s15 =	simm.s32 $0xA;
	s4 =	simm.s32 $0x10  }
0x92: {  	[smem:s4], [sflag:s15] =	dma.local [hbm:s2], $0x1  }
0x93: {  	_ =	swait.eq [sflag:s15], $0x1  }
0x94: {  	[sflag:s15] =	ssyncset.done $0x0  }
0x95: {  	s16 =	sld [smem:$0x10];
	[sflag:s15] =	ssyncadd.s32 $0xFFFFFFFF  }
0x96: {  	s17 =	sld [smem:$0x11];
	(tm) =	ssettm $0x1  }
0x97: {  	s18 =	sld [smem:$0x3FFB];
	_ =	sdelay $0x3  }
0x98: {  	_ =	strace s18  }
0x99: {  	s4 =	sld [smem:$0x3FFC];
	_ =	sdelay $0x3  }
0x9a: {  	_ =	strace s4  }
0x9b: {  	s4 =	sld [smem:$0x3FFD];
	_ =	sdelay $0x3  }
0x9c: {  	_ =	strace s4  }
0x9d: {  	_ =	strace $0x8FFFFFFF  }
0x9e: {  	s19 =	sld [smem:$0x3FDB];
	_ =	sdelay $0x1  }
0x9f: {  	s5 =	simm.s32 $_scs_section_size  }
0xa0: {  	s6 =	simm.s32 $_size__tile_overlayer_lowered;
	s7 =	simm.s32 $_tile_overlayer_lowered  }
0xa1: {  	s22 =	simm.s32 $0x1BFF;
	s21 =	sshll.u32 s7, $0x1;
	s4 =	sadd.s32 s5, s19  }
0xa2: {  	s8 =	simm.s32 $0x0;
	s20 =	sshll.u32 s6, $0x1;
	s6 =	sadd.s32 s21, s4  }
0xa3: {  	[timem:s8], [sflag:s22] =	dma.local [hbm:s6], s20  }
0xa4: {  	_ =	swait.ge [sflag:s22], s20  }
0xa5: {  	s5 =	ssub.s32 $0x0, s20;
	[sflag:s22] =	ssyncset.done $0x0  }
0xa6: {  	[sflag:s22] =	ssyncadd.s32 s5;
	_ =	sdelay $0x1  }
0xa7: {  	s23 =	simm.s32 $0x1B8B  }
0xa8: {  	_ =	swait.ge [sflag:s23], $0x1  }
0xa9: {  	[sflag:s23] =	ssyncset.done $0x0  }
0xaa: {  	s25 =	simm.s32 $0x1B8E;
	s24 =	sld [smem:$0x3FFE];
	[sflag:s23] =	ssyncadd.s32 $0xFFFFFFFF  }
0xab: {  	s26 =	simm.s32 $execute0_lowered;
	[smem:$0x3FD2] =	sst s25  }
0xac: {  	s6 =	sshll.u32 s26, $0x1;
	_ =	strace $0x80000046;
	[dreg:$0x1] =	wrdreg $0xFFFFFFFF  }
0xad: {  	s28 =	simm.s32 $_size_execute0_lowered;
	s4 =	sadd.s32 s4, s6;
	[dreg:$0x0] =	wrdreg $0x0  }
0xae: {  	s6 =	sshll.u32 s28, $0x1;
	[dreg:$0x2] =	wrdreg s4  }
0xaf: {  	[dreg:$0x3] =	wrdreg s6  }
0xb0: {  	[dreg:$0x4] =	wrdreg $0xC0  }
0xb1: {  	_ =	task [dreg:s8], $0x5FFFF  }
0xb2: {  	[dreg:$0x1] =	wrdreg $0xFFFFFFFF  }
0xb3: {  	[dreg:$0x0] =	wrdreg $0x60  }
0xb4: {  	[dreg:$0x2] =	wrdreg s24  }
0xb5: {  	[dreg:$0x3] =	wrdreg s16  }
0xb6: {  	[dreg:$0x4] =	wrdreg s17  }
0xb7: {  	[dreg:$0x5] =	wrdreg $0x0  }
0xb8: {  	[dreg:$0x6] =	wrdreg $0x9  }
0xb9: {  	_ =	task.clear_ibuf [dreg:s8], $0x7FFFF;
	_ =	strace $0x90000046  }
0xba: {  	s29 =	simm.s32 $0x9;
	_ =	strace $0x80000048  }
0xbb: {  	_ =	swait.ge [sflag:s29], $0x1  }
0xbc: {  	[sflag:s29] =	ssyncadd.s32 $0xFFFFFFFF  }
0xbd: {  	_ =	strace $0x90000048  }
0xbe: {  	_ =	sfence  }
0xbf: {  	s30 =	sld [smem:$0x0];
	_ =	sdelay $0x2  }
0xc0: {  	s31 =	sshll.u32 s1, $0xD;
	s1 =	sshrl.u32 s1, $0x2  }
0xc1: {  	s3 =	sand.u32 $0x4000, s31;
	s1 =	sadd.s32 s1, s30  }
0xc2: {  	s0 =	sor.u32 s3, s0;
	s1 =	sshll.u32 s1, $0x11  }
0xc3: {  	s0 =	sor.u32 s1, s0  }
0xc4: {  	s0 =	sadd.s32 $0x8F2B, s0  }
0xc5: {  	[sflag:s0] =	ssyncadd.remote.s32 $0x1  }
0xc6: {  	_ =	sfence.sel $0xFFFF  }
0xc7: {  	[dreg:$0x0] =	wrdreg $0xFFFFFFFF;
	(pc) =	sbr.abs _section_cstart, $3  }
0xc8: {  	[dreg:$0x1] =	wrdreg $0xFFFFFFFF  }
0xc9: {  	_ =	task.clear_ibuf [dreg:s8], $0x2FFFF;
	_ =	strace $0x9FFFFFFF  }
0xca: {  	(tm) =	ssettm $0x7FFFFFFF  }
0xcb: {  	_ =	shalt  }
tec
execute0_lowered:
.L_overlay_start_1:
0x0: {  	(tag) =	ssettag $0x1  }
0x1: {  	s7 =	rddreg [dreg:$0x0]  }
0x2: {  	s0 =	rddreg [dreg:$0x1];
	s2 =	srdreg.scid  }
0x3: {  	s1 =	rddreg [dreg:$0x2];
	s6 =	stileid.u32  }
0x4: {  	s3 =	rddreg [dreg:$0x3];
	s4 =	simm.s32 $0x0;
	s11 =	simm.s32 $0x278  }
0x5: {  	s12 =	simm.s32 $0x80;
	s13 =	simm.s32 $0x1;
	s14 =	simm.s32 $0x0  }
0x6: {  	s5 =	sand.u32 $0x1, s2;
	s9 =	smul.u32 $0x500, s6;
	s2 =	rddreg [dreg:$0x4]  }
0x7: {  	[smem:$0x7FF] =	sst s4;
	s8 =	smul.u32 $0x5000, s5;
	s31 =	ssub.s32 $0x2, s5  }
0x8: {  	_ =	strace $0x80000047;
	p0 =	seq.s32 s5, $0x1;
	s10 =	sshrl.u32 s31, $0x1  }
0x9: {  	s8 =	sadd.s32 s9, s8;
	s9 =	ssub.s32 s31, s10;
	s10 =	simm.s32 $0x17000  }
0xa: {  	s8 =	sadd.s32 s8, s7;
	s10 =	simm.s32 @!p0 $0x17600;
	p0 =	sne.s32 s6, $0x0  }
0xb: {  	s6 =	smax.u32 s9, $0x1;
	s9 =	simm.s32 $0x2A78;
	s5 =	sadd.s32 $0x3000, s8  }
0xc: {  	s7 =	sadd.s32 s10, s7;
	s8 =	sshrl.u32 @!p0 s3, $0x3;
	s10 =	simm.s32 $0x2  }
.LBB2_1:
0xd: {  	s15 =	simm.s32 @!p0 $0x1C02  }
0xe: {  	[spmem:s8], [sflag:s15] =	dma.local @!p0 [hbm:s0], $0x4F0  }
0xf: {  	s15 =	simm.s32 @!p0 $0x2  }
0x10: {  	_ =	swait.ge @!p0 [sflag:s15], $0x4F0  }
0x11: {  	[sflag:s15] =	ssyncset.done @!p0 $0x0  }
0x12: {  	[sflag:s15] =	ssyncadd.s32 @!p0 $0xFFFFFB10  }
0x13: {  	[tilespmem:s9], [sflag:$0x2] =	stream.linear.gather [hbm4b:s1+s4], $0x80, $0x38;
	[tilespmem:$0x2AF8] =	vst v63  }
0x14: {  	_ =	swait.ge [sflag:s10], $0x80  }
0x15: {  	[sflag:s10] =	ssyncset.done $0x0  }
0x16: {  	[sflag:s10] =	ssyncadd.s32 $0xFFFFFF80  }
0x17: {  	[tilespmem:s11], [sflag:$0x2] =	stream.linear.gather [hbm4b:s5+s4], $0x2800, $0x38;
	[tilespmem:$0x2AF8] =	vst v63  }
0x18: {  	_ =	swait.ge [sflag:s10], $0x2800  }
0x19: {  	[sflag:s10] =	ssyncset.done $0x0  }
0x1a: {  	[sflag:s10] =	ssyncadd.s32 $0xFFFFD800  }
0x1b: {  	s15 =	simm.s32 $0x0;
	[bflag:$0x0] =	sbarrier.arrive $0xFFFF  }
.LBB2_2:
0x1c: {  	p1 =	sne.s32 s15, $0x9E00  }
.Ltmp0:
0x1d: {  	_ = 	snop;
	(pc) =	sbr.rel @p1 .LBB2_2-.Ltmp0, $4  }
0x1e: {  	_ = 	snop  }
0x1f: {  	s16 =	sshra.s32 s15, $0x2  }
0x20: {  	s15 =	sadd.s32 $0x200, s15;
	s16 =	sadd.s32 $0x278, s16  }
0x21: {  	[spmem:s3] =	stream.indirect.scatter.add.f32 [tilespmem:s9], [sflag:$0x1], $0x1, s16, s12, $0xb8;
	[tilespmem:$0x2AF8] =	vst v63  }
0x22: {  	_ =	swait.ge [sflag:s13], $0x80  }
0x23: {  	s15 =	simm.s32 $0x4F;
	[sflag:s13] =	ssyncset.done $0x0  }
.LBB2_4:
0x24: {  	p1 =	sne.s32 s15, $0x1;
	s15 =	sadd.s32 $0xFFFFFFFF, s15;
	[sflag:s13] =	ssyncadd.s32 $0xFFFFFF80  }
.Ltmp1:
0x25: {  	(pc) =	sbr.rel @p1 .LBB2_4-.Ltmp1, $3  }
0x26: {  	_ =	sdelay $0x1  }
0x27: {  	_ =	swait.ge [sflag:s13], $0x80  }
0x28: {  	[sflag:s13] =	ssyncset.done $0x0  }
0x29: {  	[sflag:s13] =	ssyncadd.s32 $0xFFFFFF80;
	s14 =	sadd.s32 $0x1, s14  }
0x2a: {  	s15 =	simm.s32 @!p0 $0x1C02;
	[bflag:$0x0] =	sbarrier.arrive $0xFFFF;
	p1 =	sne.s32 s14, s6  }
0x2b: {  	[hbm:s7], [sflag:s15] =	dma.local @!p0 [spmem:s8], $0x4F0  }
.Ltmp2:
0x2c: {  	_ = 	snop;
	(pc) =	sbr.rel @p1 .LBB2_1-.Ltmp2, $4  }
0x2d: {  	s15 =	simm.s32 @!p0 $0x2  }
0x2e: {  	_ =	swait.ge @!p0 [sflag:s15], $0x4F0  }
0x2f: {  	[sflag:s15] =	ssyncset.done @!p0 $0x0  }
0x30: {  	[sflag:s15] =	ssyncadd.s32 @!p0 $0xFFFFFB10  }
0x31: {  	_ =	sfence.sel $0x180000  }
0x32: {  	[bflag:$0x0] =	sbarrier.arrive $0xFFFF  }
0x33: {  	_ =	strace $0x90000047  }
0x34: {  	s0 =	sadd.s32 @!p0 $0x100000, s2;
	[bflag:$0x2] =	sbarrier.arrive $0xFFFF  }
0x35: {  	[sflag:s0] =	ssyncadd.tile.s32 @!p0 $0x1;
	_ =	shalt  }
.Lfunc_end2:
_tile_overlayer_lowered:
.L_overlay_start_2:
0x36: {  	(tag) =	ssettag $0x2  }
0x37: {  	s0 =	rddreg [dreg:$0x0];
	s2 =	stileid.u32  }
0x38: {  	s1 =	rddreg [dreg:$0x1];
	p0 =	sne.s32 s2, $0x0  }
0x39: {  	s3 =	rddreg [dreg:$0x2];
	[bflag:$0x3] =	sbarrier.arrive $0xFFFF;
	s2 =	simm.s32 @!p0 $0x1C02  }
0x3a: {  	[timem:s3], [sflag:s2] =	dma.local @!p0 [hbm:s0], s1  }
0x3b: {  	s0 =	simm.s32 @!p0 $0x2  }
0x3c: {  	_ =	swait.ge @!p0 [sflag:s0], s1  }
0x3d: {  	s1 =	ssub.s32 @!p0 $0x0, s1;
	[sflag:s0] =	ssyncset.done @!p0 $0x0  }
0x3e: {  	[sflag:s0] =	ssyncadd.s32 @!p0 s1  }
0x3f: {  	[bflag:$0x3] =	sbarrier.arrive $0xFFFF  }
0x40: {  	_ =	shalt  }

// kernel: kernel.9.cloned.1.call-start
scs
__scs_entry_jumppad:
0x0: {  	(pc) =	sbr.rel $0x88, $3  }
0x1: {  	(tag) =	ssettag $0x0;
	lr =	simm.s32 $0x1  }
0x2: {  	[smem:$0x3F9B] =	sst lr;
	_ =	strace $0xD0000000  }
0x3: {  	_ = 	snop  }
0x4: {  	_ = 	snop  }
0x5: {  	_ = 	snop  }
0x6: {  	_ = 	snop  }
0x7: {  	_ = 	snop  }
__scs_overlays_trampoline_lowered:
0x8: {  	[smem:$0x3FAA] =	sst s0  }
0x9: {  	[smem:$0x3FAB] =	sst s1  }
0xa: {  	[smem:$0x3FAC] =	sst s2  }
0xb: {  	[smem:$0x3FAD] =	sst s3  }
0xc: {  	[smem:$0x3FAE] =	sst s4  }
0xd: {  	[smem:$0x3FAF] =	sst s5  }
0xe: {  	[smem:$0x3FB0] =	sst s6  }
0xf: {  	[smem:$0x3FB1] =	sst s7  }
0x10: {  	[smem:$0x3FB2] =	sst s8  }
0x11: {  	[smem:$0x3FB3] =	sst s9;
	s0 =	simm.s32 @!p0 $0x0  }
0x12: {  	s1 =	sld [smem:$0x3F99];
	s0 =	simm.s32 @p0 $0x1  }
0x13: {  	[smem:$0x3FB4] =	sst s0;
	s0 =	simm.s32 @!p1 $0x0  }
0x14: {  	s2 =	sld [smem:$0x3F98];
	s0 =	simm.s32 @p1 $0x1  }
0x15: {  	[smem:$0x3FB5] =	sst s0;
	s0 =	simm.s32 @!p2 $0x0  }
0x16: {  	s3 =	sld [smem:$0x3FDB];
	s0 =	simm.s32 @p2 $0x1  }
0x17: {  	s4 =	simm.s32 $0x1BF5;
	[smem:$0x3FB7] =	sst s0  }
0x18: {  	s0 =	sld [smem:$0x3F9A];
	_ =	swait.ge [sflag:s4], $0x0  }
0x19: {  	s7 =	sld [smem:$0x3F9B]  }
0x1a: {  	s8 =	sadd.s32 $0xFFFFE003, lr  }
0x1b: {  	s9 =	sadd.s32 $0xFFFFFEF7, lr;
	s5 =	simm.s32 $0xFFFFFFFF;
	p2 =	slt.u32 s8, $0xFFFFF086  }
0x1c: {  	p1 =	slt.u32 s9, $0xF7A;
	s5 =	simm.s32 @!p2 $0x0  }
0x1d: {  	s5 =	simm.s32 @p1 $0x1;
	p0 =	seq.s32 s7, s2  }
0x1e: {  	s7 =	smul.u32 @!p0 $0xF7A, s2;
	p2 =	seq.s32 @!p0 s5, $0x0  }
0x1f: {  	s9 =	smul.u32 $0xF7A, s1;
	s8 =	simm.s32 @!p0 $0x1BF5;
	p2 =	por !p2, p0  }
0x20: {  	[sflag:s8] =	ssyncset.s32 @!p0 $0xFFFFF086;
	s6 =	sadd.s32 @!p0 s3, s7;
	s7 =	simm.s32 @!p0 $0x108  }
0x21: {  	s3 =	sadd.s32 s3, s9;
	s6 =	sadd.s32 @!p0 $0x88, s6;
	s7 =	simm.s32 @p2 $0x1082  }
0x22: {  	[simem:s7], [sflag:s8] =	dma.local @!p0 [hbm:s6], $0xF7A  }
0x23: {  	s9 =	sor.u32 $0xD0000000, s2;
	s6 =	simm.s32 $0x108;
	_ =	swait.ge @!p0 [sflag:s8], $0x0  }
0x24: {  	s3 =	sadd.s32 $0x88, s3;
	s6 =	simm.s32 @!p1 $0x1082;
	[sflag:s4] =	ssyncset.s32 $0xFFFFF086  }
0x25: {  	[simem:s6], [sflag:s4] =	dma.local [hbm:s3], $0xF7A  }
0x26: {  	[smem:$0x3F9B] =	sst s1;
	(tag) =	ssettag s2;
	_ =	strace s9  }
0x27: {  	s1 =	sld [smem:$0x3FAB]  }
0x28: {  	s2 =	sld [smem:$0x3FAC]  }
0x29: {  	s4 =	sld [smem:$0x3FAE]  }
0x2a: {  	p0 =	seq.s32 s5, $0x0;
	s5 =	sld [smem:$0x3FAF]  }
0x2b: {  	s6 =	sld [smem:$0x3FB0]  }
0x2c: {  	s7 =	sld [smem:$0x3FB1]  }
0x2d: {  	s3 =	simm.s32 $0x108;
	s8 =	sld [smem:$0x3FB2]  }
0x2e: {  	s3 =	simm.s32 @!p0 $0x1082;
	s9 =	sld [smem:$0x3FB3]  }
0x2f: {  	lr =	sadd.s32 s0, s3;
	s0 =	sld [smem:$0x3FAA]  }
0x30: {  	s3 =	sld [smem:$0x3FAD]  }
0x31: {  	[smem:$0x3FB6] =	sst s10  }
0x32: {  	s10 =	sld [smem:$0x3FB4];
	_ =	sdelay $0x3  }
0x33: {  	p0 =	seq.s32 s10, $0x1;
	s10 =	sld [smem:$0x3FB6];
	_ =	sdelay $0x3  }
0x34: {  	[smem:$0x3FB6] =	sst s10  }
0x35: {  	s10 =	sld [smem:$0x3FB5];
	_ =	sdelay $0x3  }
0x36: {  	p1 =	seq.s32 s10, $0x1;
	s10 =	sld [smem:$0x3FB6];
	_ =	sdelay $0x3  }
0x37: {  	[smem:$0x3FB6] =	sst s10  }
0x38: {  	s10 =	sld [smem:$0x3FB7]  }
0x39: {  	_ = 	snop;
	(pc) =	sbr.ind lr, $3  }
0x3a: {  	_ = 	snop  }
0x3b: {  	_ = 	snop  }
0x3c: {  	p2 =	seq.s32 s10, $0x1;
	s10 =	sld [smem:$0x3FB6]  }
0x3d: {  	_ =	shalt  }
0x3e: {  	_ =	shalt  }
0x3f: {  	_ =	shalt  }
0x40: {  	_ =	shalt  }
0x41: {  	_ =	shalt  }
0x42: {  	_ =	shalt  }
0x43: {  	_ =	shalt  }
0x44: {  	_ =	shalt  }
0x45: {  	_ =	shalt  }
0x46: {  	_ =	shalt  }
0x47: {  	_ =	shalt  }
0x48: {  	_ =	shalt  }
0x49: {  	_ =	shalt  }
0x4a: {  	_ =	shalt  }
0x4b: {  	_ =	shalt  }
0x4c: {  	_ =	shalt  }
0x4d: {  	_ =	shalt  }
0x4e: {  	_ =	shalt  }
0x4f: {  	_ =	shalt  }
0x50: {  	_ =	shalt  }
0x51: {  	_ =	shalt  }
0x52: {  	_ =	shalt  }
0x53: {  	_ =	shalt  }
0x54: {  	_ =	shalt  }
0x55: {  	_ =	shalt  }
0x56: {  	_ =	shalt  }
0x57: {  	_ =	shalt  }
0x58: {  	_ =	shalt  }
0x59: {  	_ =	shalt  }
0x5a: {  	_ =	shalt  }
0x5b: {  	_ =	shalt  }
0x5c: {  	_ =	shalt  }
0x5d: {  	_ =	shalt  }
0x5e: {  	_ =	shalt  }
0x5f: {  	_ =	shalt  }
0x60: {  	_ =	shalt  }
0x61: {  	_ =	shalt  }
0x62: {  	_ =	shalt  }
0x63: {  	_ =	shalt  }
0x64: {  	_ =	shalt  }
0x65: {  	_ =	shalt  }
0x66: {  	_ =	shalt  }
0x67: {  	_ =	shalt  }
0x68: {  	_ =	shalt  }
0x69: {  	_ =	shalt  }
0x6a: {  	_ =	shalt  }
0x6b: {  	_ =	shalt  }
0x6c: {  	_ =	shalt  }
0x6d: {  	_ =	shalt  }
0x6e: {  	_ =	shalt  }
0x6f: {  	_ =	shalt  }
0x70: {  	_ =	shalt  }
0x71: {  	_ =	shalt  }
0x72: {  	_ =	shalt  }
0x73: {  	_ =	shalt  }
0x74: {  	_ =	shalt  }
0x75: {  	_ =	shalt  }
0x76: {  	_ =	shalt  }
0x77: {  	_ =	shalt  }
0x78: {  	_ =	shalt  }
0x79: {  	_ =	shalt  }
0x7a: {  	_ =	shalt  }
0x7b: {  	_ =	shalt  }
0x7c: {  	_ =	shalt  }
0x7d: {  	_ =	shalt  }
0x7e: {  	_ =	shalt  }
0x7f: {  	_ =	shalt  }
0x80: {  	_ =	shalt  }
0x81: {  	_ =	shalt  }
0x82: {  	_ =	shalt  }
0x83: {  	_ =	shalt  }
0x84: {  	_ =	shalt  }
0x85: {  	_ =	shalt  }
0x86: {  	_ =	shalt  }
0x87: {  	_ =	shalt  }
.Lfunc_end0:
.L_simem_size_0:
called_computation.1_lowered:
.L_overlay_start_0:
0x88: {  	s2 =	sld [smem:$0x3FD9]  }
0x89: {  	s3 =	sld [smem:$0x3FFE];
	_ =	sdelay $0x1  }
0x8a: {  	s1 =	srdreg.scid  }
0x8b: {  	s0 =	sand.u32 $0x1, s1  }
0x8c: {  	s14 =	sshll.u32 s0, $0xA;
	s2 =	sadd.s32 s3, s2  }
0x8d: {  	s2 =	sadd.s32 s2, s14  }
0x8e: {  	[smem:$0x3FC2] =	sst s2  }
0x8f: {  	_ = 	snop  }
0x90: {  	s2 =	sld [smem:$0x3FD0];
	_ =	sdelay $0x2  }
0x91: {  	s15 =	simm.s32 $0xA;
	s4 =	simm.s32 $0x10  }
0x92: {  	[smem:s4], [sflag:s15] =	dma.local [hbm:s2], $0x1  }
0x93: {  	_ =	swait.eq [sflag:s15], $0x1  }
0x94: {  	[sflag:s15] =	ssyncset.done $0x0  }
0x95: {  	[sflag:s15] =	ssyncadd.s32 $0xFFFFFFFF  }
0x96: {  	s16 =	sld [smem:$0x10];
	(tm) =	ssettm $0x1  }
0x97: {  	s17 =	sld [smem:$0x3FFB];
	_ =	sdelay $0x3  }
0x98: {  	_ =	strace s17  }
0x99: {  	s3 =	sld [smem:$0x3FFC];
	_ =	sdelay $0x3  }
0x9a: {  	_ =	strace s3  }
0x9b: {  	s3 =	sld [smem:$0x3FFD];
	_ =	sdelay $0x3  }
0x9c: {  	_ =	strace s3  }
0x9d: {  	_ =	strace $0x8FFFFFFF  }
0x9e: {  	s18 =	sld [smem:$0x3FDB];
	_ =	sdelay $0x1  }
0x9f: {  	s19 =	simm.s32 $_scs_section_size  }
0xa0: {  	s5 =	simm.s32 $_size__tile_overlayer_lowered;
	s6 =	simm.s32 $_tile_overlayer_lowered  }
0xa1: {  	s22 =	simm.s32 $0x1BFF;
	s21 =	sshll.u32 s6, $0x1;
	s3 =	sadd.s32 s19, s18  }
0xa2: {  	s7 =	simm.s32 $0x0;
	s20 =	sshll.u32 s5, $0x1;
	s5 =	sadd.s32 s21, s3  }
0xa3: {  	[timem:s7], [sflag:s22] =	dma.local [hbm:s5], s20  }
0xa4: {  	_ =	swait.ge [sflag:s22], s20  }
0xa5: {  	s4 =	ssub.s32 $0x0, s20;
	[sflag:s22] =	ssyncset.done $0x0  }
0xa6: {  	[sflag:s22] =	ssyncadd.s32 s4;
	_ =	sdelay $0x1  }
0xa7: {  	s23 =	simm.s32 $0x1B8B  }
0xa8: {  	_ =	swait.ge [sflag:s23], $0x1  }
0xa9: {  	[sflag:s23] =	ssyncset.done $0x0  }
0xaa: {  	s25 =	simm.s32 $0x1B8E;
	s24 =	sld [smem:$0x3FFE];
	[sflag:s23] =	ssyncadd.s32 $0xFFFFFFFF  }
0xab: {  	s26 =	simm.s32 $execute0_lowered;
	[smem:$0x3FD2] =	sst s25  }
0xac: {  	s5 =	sshll.u32 s26, $0x1;
	_ =	strace $0x80000049;
	[dreg:$0x1] =	wrdreg $0xFFFFFFFF  }
0xad: {  	s28 =	simm.s32 $_size_execute0_lowered;
	s3 =	sadd.s32 s3, s5;
	[dreg:$0x0] =	wrdreg $0x0  }
0xae: {  	s5 =	sshll.u32 s28, $0x1;
	[dreg:$0x2] =	wrdreg s3  }
0xaf: {  	[dreg:$0x3] =	wrdreg s5  }
0xb0: {  	[dreg:$0x4] =	wrdreg $0xC0  }
0xb1: {  	_ =	task [dreg:s7], $0x5FFFF  }
0xb2: {  	[dreg:$0x1] =	wrdreg $0xFFFFFFFF  }
0xb3: {  	[dreg:$0x0] =	wrdreg $0x60  }
0xb4: {  	[dreg:$0x2] =	wrdreg s16  }
0xb5: {  	[dreg:$0x3] =	wrdreg s24  }
0xb6: {  	[dreg:$0x4] =	wrdreg $0x0  }
0xb7: {  	[dreg:$0x5] =	wrdreg $0x9  }
0xb8: {  	_ =	task.clear_ibuf [dreg:s7], $0x6FFFF;
	_ =	strace $0x90000049  }
0xb9: {  	s29 =	simm.s32 $0x9;
	_ =	strace $0x8000004B  }
0xba: {  	_ =	swait.ge [sflag:s29], $0x1  }
0xbb: {  	[sflag:s29] =	ssyncadd.s32 $0xFFFFFFFF  }
0xbc: {  	_ =	strace $0x9000004B  }
0xbd: {  	_ =	sfence  }
0xbe: {  	s30 =	sld [smem:$0x0];
	_ =	sdelay $0x2  }
0xbf: {  	s31 =	sshll.u32 s1, $0xD;
	s1 =	sshrl.u32 s1, $0x2  }
0xc0: {  	s3 =	sand.u32 $0x4000, s31;
	s1 =	sadd.s32 s1, s30  }
0xc1: {  	s0 =	sor.u32 s3, s0;
	s1 =	sshll.u32 s1, $0x11  }
0xc2: {  	s0 =	sor.u32 s1, s0  }
0xc3: {  	s0 =	sadd.s32 $0x8F2B, s0  }
0xc4: {  	[sflag:s0] =	ssyncadd.remote.s32 $0x1  }
0xc5: {  	_ =	sfence.sel $0xFFFF  }
0xc6: {  	[dreg:$0x0] =	wrdreg $0xFFFFFFFF;
	(pc) =	sbr.abs _section_cstart, $3  }
0xc7: {  	[dreg:$0x1] =	wrdreg $0xFFFFFFFF  }
0xc8: {  	_ =	task.clear_ibuf [dreg:s7], $0x2FFFF;
	_ =	strace $0x9FFFFFFF  }
0xc9: {  	(tm) =	ssettm $0x7FFFFFFF  }
tec
execute0_lowered:
.L_overlay_start_1:
0x0: {  	(tag) =	ssettag $0x1  }
0x1: {  	s2 =	rddreg [dreg:$0x1];
	s15 =	stileid.u32  }
0x2: {  	s1 =	simm.s32 $0x0;
	s0 =	srdreg.scid;
	s6 =	smul.u32 $0x278, s15  }
0x3: {  	[smem:$0x7FF] =	sst s1;
	s3 =	sadd.s32 $0xD000, s2;
	s9 =	smul.u32 $0x5000, s15  }
0x4: {  	s0 =	sand.u32 $0x1, s0;
	s4 =	sadd.s32 $0x3000, s2;
	s30 =	smul.u32 $0xA00, s15  }
0x5: {  	s7 =	sadd.s32 $0x40A00, s2;
	s10 =	sadd.s32 $0x67C00, s2;
	s20 =	smul.u32 $0x2780, s15  }
0x6: {  	p1 =	seq.s32 s15, $0xF;
	s5 =	ssub.s32 $0x2, s0;
	p0 =	sne.s32 s0, $0x0  }
0x7: {  	s8 =	sshrl.u32 s5, $0x1;
	s11 =	sadd.s32 $0x80, s6;
	s12 =	sadd.s32 $0x100, s6  }
0x8: {  	s9 =	sshrl.u32 s9, $0x3;
	s13 =	sadd.s32 $0x180, s6;
	s14 =	sadd.s32 s3, s30  }
0x9: {  	s22 =	sadd.s32 s10, s20;
	s5 =	ssub.s32 s5, s8;
	[dreg:$0x4] =	wrdreg s14  }
0xa: {  	s31 =	sadd.s32 $0x200, s9;
	s8 =	sadd.s32 s4, s30;
	[dreg:$0xe] =	wrdreg s22  }
0xb: {  	s6 =	sadd.s32 $0x200, s6;
	[dreg:$0x5] =	wrdreg s8;
	s16 =	sadd.s32 s3, s31  }
0xc: {  	s17 =	sadd.s32 $0x400, s9;
	s14 =	sadd.s32 s4, s31;
	[dreg:$0x6] =	wrdreg s16  }
0xd: {  	s19 =	sadd.s32 $0x600, s9;
	s18 =	sadd.s32 s3, s17;
	[dreg:$0x7] =	wrdreg s14  }
0xe: {  	s9 =	sadd.s32 $0x800, s9;
	s8 =	sadd.s32 s4, s17;
	[dreg:$0x8] =	wrdreg s18  }
0xf: {  	s23 =	sshll.u32 s11, $0x4;
	s21 =	sadd.s32 s4, s9;
	[dreg:$0x9] =	wrdreg s8  }
0x10: {  	s25 =	sshll.u32 s12, $0x4;
	s24 =	sadd.s32 s10, s23;
	[dreg:$0xd] =	wrdreg s21  }
0x11: {  	s28 =	sshll.u32 s13, $0x4;
	s26 =	sadd.s32 s10, s25;
	[dreg:$0xf] =	wrdreg s24  }
0x12: {  	s29 =	sshll.u32 s6, $0x4;
	s30 =	sadd.s32 s10, s28;
	[dreg:$0x10] =	wrdreg s26  }
0x13: {  	s22 =	sshll.u32 s12, $0x7;
	s10 =	sadd.s32 s10, s29;
	[dreg:$0x11] =	wrdreg s30  }
0x14: {  	s12 =	simm.s32 $0x1;
	s31 =	sadd.s32 s7, s20;
	[dreg:$0x12] =	wrdreg s10  }
0x15: {  	s17 =	sadd.s32 s7, s29;
	s20 =	sshll.u32 s11, $0x7;
	[dreg:$0x13] =	wrdreg s31  }
0x16: {  	s29 =	sshll.u32 s6, $0x7;
	s6 =	simm.s32 $0x139C0;
	s21 =	rddreg [dreg:$0x0]  }
0x17: {  	s16 =	sadd.s32 s3, s19;
	s8 =	sadd.s32 s4, s19;
	[dreg:$0x17] =	wrdreg s17  }
0x18: {  	s3 =	sadd.s32 s3, s9;
	s10 =	sadd.s32 s7, s25;
	[dreg:$0xa] =	wrdreg s16  }
0x19: {  	s14 =	sadd.s32 s7, s28;
	s19 =	sshll.u32 s15, $0x6;
	[dreg:$0xb] =	wrdreg s8  }
0x1a: {  	s24 =	sshll.u32 s13, $0x7;
	s30 =	sadd.s32 $0x8EC80, s2;
	[dreg:$0xc] =	wrdreg s3  }
0x1b: {  	s31 =	smax.u32 s5, $0x1;
	s17 =	simm.s32 $0x5;
	[dreg:$0x15] =	wrdreg s10  }
0x1c: {  	s13 =	simm.s32 $0x13940;
	s4 =	simm.s32 $0x14940;
	[dreg:$0x16] =	wrdreg s14  }
0x1d: {  	s5 =	simm.s32 $0x3;
	s3 =	sadd.s32 s7, s23;
	s23 =	rddreg [dreg:$0x2]  }
0x1e: {  	s16 =	smul.u32 $0x4F000, s15;
	s26 =	sor.u32 $0x1C05, s19;
	s19 =	simm.s32 $0x148C0  }
0x1f: {  	s7 =	simm.s32 $0x4;
	[dreg:$0x14] =	wrdreg s3;
	s0 =	sadd.s32 s20, s23  }
0x20: {  	s28 =	sadd.s32 s24, s23;
	_ =	strace $0x8000004A;
	[dreg:$0x18] =	wrdreg s0  }
0x21: {  	s8 =	simm.s32 $0x0;
	s20 =	sadd.s32 $0x17000, s2;
	[dreg:$0x1a] =	wrdreg s28  }
0x22: {  	s24 =	simm.s32 $0x158C0;
	s18 =	sshrl.u32 s16, $0x2;
	[dreg:$0x1c] =	wrdreg s30  }
0x23: {  	s0 =	sadd.s32 s22, s23;
	[dreg:$0x1e] =	wrdreg s31;
	s16 =	sadd.s32 $0x138400, s23  }
.Ltmp0:
0x24: {  	[dreg:$0x19] =	wrdreg s0;
	s0 =	sadd.s32 s29, s23;
	(pc) =	sbr.rel .LBB2_1-.Ltmp0, $4  }
0x25: {  	s22 =	simm.s32 $0x80;
	s25 =	sadd.s32 s18, s23;
	[dreg:$0x1b] =	wrdreg s0  }
0x26: {  	s0 =	sadd.s32 $0x3E200, s2;
	s3 =	sadd.s32 $0x10000, s25;
	s2 =	sadd.s32 $0x67A80, s2  }
0x27: {  	s18 =	simm.s32 $0x138C0;
	[dreg:$0x1d] =	wrdreg s2;
	s2 =	sshrl.u32 @!p1 s3, $0x3  }
0x28: {  	s3 =	simm.s32 $0x2;
	[dreg:$0x1f] =	wrdreg s2;
	s2 =	simm.s32 $0x198C0  }
.LBB2_33:
0x29: {  	_ =	swait.ge [sflag:s7], $0x4000  }
0x2a: {  	[sflag:s7] =	ssyncset.done $0x0  }
0x2b: {  	[sflag:s7] =	ssyncadd.s32 $0xFFFFC000  }
0x2c: {  	[bflag:$0x0] =	sbarrier.arrive $0xFFFF  }
0x2d: {  	s14 =	rddreg [dreg:$0xe]  }
0x2e: {  	[hbm:s14], [sflag:s26] =	dma.local [spmem:s30], $0x800  }
0x2f: {  	_ =	swait.ge [sflag:s17], $0x800  }
0x30: {  	[sflag:s17] =	ssyncset.done $0x0  }
0x31: {  	s15 =	rddreg [dreg:$0xf];
	[sflag:s17] =	ssyncadd.s32 $0xFFFFF800  }
0x32: {  	[hbm:s15], [sflag:s26] =	dma.local [spmem:s28], $0x800  }
0x33: {  	_ =	swait.ge [sflag:s17], $0x800  }
0x34: {  	[sflag:s17] =	ssyncset.done $0x0  }
0x35: {  	s30 =	rddreg [dreg:$0x10];
	[sflag:s17] =	ssyncadd.s32 $0xFFFFF800  }
0x36: {  	[hbm:s30], [sflag:s26] =	dma.local [spmem:s11], $0x800  }
0x37: {  	_ =	swait.ge [sflag:s17], $0x800  }
0x38: {  	[sflag:s17] =	ssyncset.done $0x0  }
0x39: {  	s31 =	rddreg [dreg:$0x11];
	[sflag:s17] =	ssyncadd.s32 $0xFFFFF800  }
0x3a: {  	[hbm:s31], [sflag:s26] =	dma.local [spmem:s10], $0x800  }
0x3b: {  	_ =	swait.ge [sflag:s17], $0x800  }
0x3c: {  	[sflag:s17] =	ssyncset.done $0x0  }
0x3d: {  	s10 =	rddreg [dreg:$0x1c];
	[sflag:s17] =	ssyncadd.s32 $0xFFFFF800  }
0x3e: {  	[hbm:s10], [sflag:s26] =	dma.local @p1 [spmem:s9], $0x80  }
0x3f: {  	s9 =	simm.s32 @p1 $0x5  }
0x40: {  	_ =	swait.ge @p1 [sflag:s9], $0x80  }
0x41: {  	[sflag:s9] =	ssyncset.done @p1 $0x0  }
0x42: {  	[sflag:s9] =	ssyncadd.s32 @p1 $0xFFFFFF80;
	s9 =	rddreg [dreg:$0x12]  }
0x43: {  	[hbm:s9], [sflag:s26] =	dma.local @!p1 [spmem:s29], $0x780  }
0x44: {  	s9 =	simm.s32 @!p1 $0x5  }
0x45: {  	_ =	swait.ge @!p1 [sflag:s9], $0x780  }
0x46: {  	[sflag:s9] =	ssyncset.done @!p1 $0x0  }
0x47: {  	[sflag:s9] =	ssyncadd.s32 @!p1 $0xFFFFF880  }
.LBB2_34:
0x48: {  	s8 =	sadd.s32 $0x1, s8;
	s9 =	rddreg [dreg:$0x1e]  }
0x49: {  	p2 =	sne.s32 s8, s9  }
.Ltmp1:
0x4a: {  	_ = 	snop;
	(pc) =	sbr.rel @!p2 .LBB2_35-.Ltmp1, $1  }
0x4b: {  	_ =	sdelay $0x3  }
.LBB2_1:
0x4c: {  	s30 =	sshrl.u32 s25, $0x3  }
0x4d: {  	[spmem:s30], [sflag:s26] =	dma.local [hbm:s0], $0x800  }
0x4e: {  	_ =	swait.ge [sflag:s17], $0x800  }
0x4f: {  	[sflag:s17] =	ssyncset.done $0x0;
	s9 =	rddreg [dreg:$0x18]  }
0x50: {  	[sflag:s17] =	ssyncadd.s32 $0xFFFFF800;
	s28 =	sshrl.u32 s9, $0x3  }
0x51: {  	[spmem:s28], [sflag:s26] =	dma.local [hbm:s0], $0x800  }
0x52: {  	_ =	swait.ge [sflag:s17], $0x800  }
0x53: {  	[sflag:s17] =	ssyncset.done $0x0;
	s11 =	rddreg [dreg:$0x19]  }
0x54: {  	[sflag:s17] =	ssyncadd.s32 $0xFFFFF800;
	s11 =	sshrl.u32 s11, $0x3  }
0x55: {  	[spmem:s11], [sflag:s26] =	dma.local [hbm:s0], $0x800  }
0x56: {  	_ =	swait.ge [sflag:s17], $0x800  }
0x57: {  	[sflag:s17] =	ssyncset.done $0x0;
	s14 =	rddreg [dreg:$0x1a]  }
0x58: {  	[sflag:s17] =	ssyncadd.s32 $0xFFFFF800;
	s10 =	sshrl.u32 s14, $0x3  }
0x59: {  	[spmem:s10], [sflag:s26] =	dma.local [hbm:s0], $0x800  }
0x5a: {  	_ =	swait.ge [sflag:s17], $0x800  }
0x5b: {  	[sflag:s17] =	ssyncset.done $0x0  }
0x5c: {  	s9 =	sshrl.u32 @p1 s16, $0x3;
	s14 =	simm.s32 @p1 $0x5;
	[sflag:s17] =	ssyncadd.s32 $0xFFFFF800  }
0x5d: {  	[spmem:s9], [sflag:s26] =	dma.local @p1 [hbm:s0], $0x80  }
0x5e: {  	_ =	swait.ge @p1 [sflag:s14], $0x80  }
0x5f: {  	[sflag:s14] =	ssyncset.done @p1 $0x0  }
0x60: {  	[sflag:s14] =	ssyncadd.s32 @p1 $0xFFFFFF80;
	s14 =	rddreg [dreg:$0x1f]  }
0x61: {  	[spmem:s14], [sflag:s26] =	dma.local @!p1 [hbm:s0], $0x780  }
0x62: {  	s14 =	simm.s32 @!p1 $0x5  }
0x63: {  	_ =	swait.ge @!p1 [sflag:s14], $0x780  }
0x64: {  	[sflag:s14] =	ssyncset.done @!p1 $0x0  }
0x65: {  	[sflag:s14] =	ssyncadd.s32 @!p1 $0xFFFFF880  }
0x66: {  	[bflag:$0x0] =	sbarrier.arrive $0xFFFF  }
0x67: {  	s15 =	rddreg [dreg:$0x4]  }
0x68: {  	[tilespmem:s18], [sflag:$0x5] =	stream.linear.gather [hbm4b:s15+s1], $0x1000, $0x38;
	[tilespmem:$0x1D8C0] =	vst v63  }
0x69: {  	_ =	swait.ge [sflag:s17], $0x1000  }
0x6a: {  	[sflag:s17] =	ssyncset.done $0x0  }
.Ltmp2:
0x6b: {  	s31 =	rddreg [dreg:$0x5];
	[sflag:s17] =	ssyncadd.s32 $0xFFFFF000;
	(pc) =	sbr.rel @p0 .LBB2_18-.Ltmp2, $4  }
0x6c: {  	[tilespmem:s19], [sflag:$0x5] =	stream.linear.gather [hbm4b:s31+s1], $0x1000, $0x38;
	[tilespmem:$0x1D8C0] =	vst v63  }
0x6d: {  	_ =	swait.ge [sflag:s17], $0x1000  }
0x6e: {  	[sflag:s17] =	ssyncset.done $0x0;
	s14 =	rddreg [dreg:$0x1b]  }
0x6f: {  	[sflag:s17] =	ssyncadd.s32 $0xFFFFF000;
	s29 =	sshrl.u32 @!p1 s14, $0x3  }
0x70: {  	[tilespmem:s24], [sflag:$0x1] =	stream.indirect.gather [hbm4b:s21+s22], $0x80, s18, s22, $0xb8;
	[tilespmem:$0x1D8C0] =	vst v63  }
0x71: {  	_ =	swait.ge [sflag:s12], $0x4000  }
0x72: {  	[sflag:s12] =	ssyncset.done $0x0  }
0x73: {  	[sflag:s12] =	ssyncadd.s32 $0xFFFFC000  }
0x74: {  	[spmem:s23] =	stream.indirect.scatter.add.f32 [tilespmem:s24], [sflag:$0x3], $0x80, s19, s22, $0xb8;
	[tilespmem:$0x1D8C0] =	vst v63  }
0x75: {  	_ = 	snop  }
0x76: {  	[tilespmem:s2], [sflag:$0x2] =	stream.indirect.gather [hbm4b:s21+s22], $0x80, s13, s22, $0xb8;
	[tilespmem:$0x1D8C0] =	vst v63  }
0x77: {  	_ =	swait.ge [sflag:s3], $0x4000  }
0x78: {  	[sflag:s3] =	ssyncset.done $0x0  }
0x79: {  	[sflag:s3] =	ssyncadd.s32 $0xFFFFC000  }
0x7a: {  	[spmem:s23] =	stream.indirect.scatter.add.f32 [tilespmem:s2], [sflag:$0x4], $0x80, s4, s22, $0xb8;
	[tilespmem:$0x1D8C0] =	vst v63  }
0x7b: {  	_ =	swait.ge [sflag:s5], $0x4000  }
0x7c: {  	[sflag:s5] =	ssyncset.done $0x0  }
0x7d: {  	s31 =	simm.s32 $0xFFFFC800;
	[sflag:s5] =	ssyncadd.s32 $0xFFFFC000  }
0x7e: {  	[tilespmem:s24], [sflag:$0x1] =	stream.indirect.gather [hbm4b:s21+s22], $0x80, s6, s22, $0xb8;
	[tilespmem:$0x1D8C0] =	vst v63  }
.LBB2_3:
0x7f: {  	_ =	swait.ge [sflag:s12], $0x4000  }
0x80: {  	s14 =	sshra.s32 s31, $0x2;
	[sflag:s12] =	ssyncset.done $0x0  }
0x81: {  	s15 =	sadd.s32 $0x157C0, s14;
	[sflag:s12] =	ssyncadd.s32 $0xFFFFC000  }
0x82: {  	[spmem:s23] =	stream.indirect.scatter.add.f32 [tilespmem:s24], [sflag:$0x3], $0x80, s15, s22, $0xb8;
	[tilespmem:$0x1D8C0] =	vst v63  }
0x83: {  	_ =	swait.ge [sflag:s7], $0x4000  }
0x84: {  	[sflag:s7] =	ssyncset.done $0x0  }
0x85: {  	s15 =	sadd.s32 $0x14840, s14;
	[sflag:s7] =	ssyncadd.s32 $0xFFFFC000  }
0x86: {  	[tilespmem:s2], [sflag:$0x2] =	stream.indirect.gather [hbm4b:s21+s22], $0x80, s15, s22, $0xb8;
	[tilespmem:$0x1D8C0] =	vst v63  }
0x87: {  	_ =	swait.ge [sflag:s3], $0x4000  }
0x88: {  	p2 =	seq.s32 s31, $0x0;
	[sflag:s3] =	ssyncset.done $0x0  }
.Ltmp3:
0x89: {  	s15 =	sadd.s32 $0x15840, s14;
	[sflag:s3] =	ssyncadd.s32 $0xFFFFC000;
	(pc) =	sbr.rel @p2 .LBB2_5-.Ltmp3, $4  }
0x8a: {  	[spmem:s23] =	stream.indirect.scatter.add.f32 [tilespmem:s2], [sflag:$0x4], $0x80, s15, s22, $0xb8;
	[tilespmem:$0x1D8C0] =	vst v63  }
0x8b: {  	_ =	swait.ge [sflag:s5], $0x4000  }
0x8c: {  	[sflag:s5] =	ssyncset.done $0x0  }
0x8d: {  	[sflag:s5] =	ssyncadd.s32 $0xFFFFC000  }
.Ltmp4:
0x8e: {  	(pc) =	sbr.rel .LBB2_3-.Ltmp4, $3  }
0x8f: {  	_ =	sdelay $0x1  }
0x90: {  	s14 =	sadd.s32 $0x148C0, s14;
	s31 =	sadd.s32 $0x400, s31  }
0x91: {  	[tilespmem:s24], [sflag:$0x1] =	stream.indirect.gather [hbm4b:s21+s22], $0x80, s14, s22, $0xb8;
	[tilespmem:$0x1D8C0] =	vst v63  }
.LBB2_18:
0x92: {  	[tilespmem:s24], [sflag:$0x1] =	stream.indirect.gather [hbm4b:s20+s22], $0x80, s18, s22, $0xb8;
	[tilespmem:$0x1D8C0] =	vst v63  }
0x93: {  	_ =	swait.ge [sflag:s12], $0x4000  }
0x94: {  	[sflag:s12] =	ssyncset.done $0x0  }
0x95: {  	[sflag:s12] =	ssyncadd.s32 $0xFFFFC000  }
0x96: {  	[spmem:s23] =	stream.indirect.scatter.add.f32 [tilespmem:s24], [sflag:$0x3], $0x80, s19, s22, $0xb8;
	[tilespmem:$0x1D8C0] =	vst v63  }
0x97: {  	_ = 	snop  }
0x98: {  	[tilespmem:s2], [sflag:$0x2] =	stream.indirect.gather [hbm4b:s20+s22], $0x80, s13, s22, $0xb8;
	[tilespmem:$0x1D8C0] =	vst v63  }
0x99: {  	_ =	swait.ge [sflag:s3], $0x4000  }
0x9a: {  	[sflag:s3] =	ssyncset.done $0x0  }
0x9b: {  	[sflag:s3] =	ssyncadd.s32 $0xFFFFC000  }
0x9c: {  	[spmem:s23] =	stream.indirect.scatter.add.f32 [tilespmem:s2], [sflag:$0x4], $0x80, s4, s22, $0xb8;
	[tilespmem:$0x1D8C0] =	vst v63  }
0x9d: {  	_ =	swait.ge [sflag:s5], $0x4000  }
0x9e: {  	[sflag:s5] =	ssyncset.done $0x0  }
0x9f: {  	s31 =	simm.s32 $0xFFFFC800;
	[sflag:s5] =	ssyncadd.s32 $0xFFFFC000  }
0xa0: {  	[tilespmem:s24], [sflag:$0x1] =	stream.indirect.gather [hbm4b:s20+s22], $0x80, s6, s22, $0xb8;
	[tilespmem:$0x1D8C0] =	vst v63  }
.LBB2_19:
0xa1: {  	_ =	swait.ge [sflag:s12], $0x4000  }
0xa2: {  	s14 =	sshra.s32 s31, $0x2;
	[sflag:s12] =	ssyncset.done $0x0  }
0xa3: {  	s15 =	sadd.s32 $0x157C0, s14;
	[sflag:s12] =	ssyncadd.s32 $0xFFFFC000  }
0xa4: {  	[spmem:s23] =	stream.indirect.scatter.add.f32 [tilespmem:s24], [sflag:$0x3], $0x80, s15, s22, $0xb8;
	[tilespmem:$0x1D8C0] =	vst v63  }
0xa5: {  	_ =	swait.ge [sflag:s7], $0x4000  }
0xa6: {  	[sflag:s7] =	ssyncset.done $0x0  }
0xa7: {  	s15 =	sadd.s32 $0x14840, s14;
	[sflag:s7] =	ssyncadd.s32 $0xFFFFC000  }
0xa8: {  	[tilespmem:s2], [sflag:$0x2] =	stream.indirect.gather [hbm4b:s20+s22], $0x80, s15, s22, $0xb8;
	[tilespmem:$0x1D8C0] =	vst v63  }
0xa9: {  	_ =	swait.ge [sflag:s3], $0x4000  }
0xaa: {  	p2 =	seq.s32 s31, $0x0;
	[sflag:s3] =	ssyncset.done $0x0  }
.Ltmp5:
0xab: {  	s15 =	sadd.s32 $0x15840, s14;
	[sflag:s3] =	ssyncadd.s32 $0xFFFFC000;
	(pc) =	sbr.rel @p2 .LBB2_21-.Ltmp5, $4  }
0xac: {  	[spmem:s23] =	stream.indirect.scatter.add.f32 [tilespmem:s2], [sflag:$0x4], $0x80, s15, s22, $0xb8;
	[tilespmem:$0x1D8C0] =	vst v63  }
0xad: {  	_ =	swait.ge [sflag:s5], $0x4000  }
0xae: {  	[sflag:s5] =	ssyncset.done $0x0  }
0xaf: {  	[sflag:s5] =	ssyncadd.s32 $0xFFFFC000  }
.Ltmp6:
0xb0: {  	(pc) =	sbr.rel .LBB2_19-.Ltmp6, $3  }
0xb1: {  	_ =	sdelay $0x1  }
0xb2: {  	s14 =	sadd.s32 $0x148C0, s14;
	s31 =	sadd.s32 $0x400, s31  }
0xb3: {  	[tilespmem:s24], [sflag:$0x1] =	stream.indirect.gather [hbm4b:s20+s22], $0x80, s14, s22, $0xb8;
	[tilespmem:$0x1D8C0] =	vst v63  }
.LBB2_5:
0xb4: {  	_ =	swait.ge [sflag:s7], $0x4000  }
0xb5: {  	[sflag:s7] =	ssyncset.done $0x0  }
0xb6: {  	s14 =	rddreg [dreg:$0x6];
	[sflag:s7] =	ssyncadd.s32 $0xFFFFC000  }
0xb7: {  	[tilespmem:s18], [sflag:$0x5] =	stream.linear.gather [hbm4b:s14+s1], $0x1000, $0x38;
	[tilespmem:$0x1D8C0] =	vst v63  }
0xb8: {  	_ =	swait.ge [sflag:s17], $0x1000  }
0xb9: {  	[sflag:s17] =	ssyncset.done $0x0  }
0xba: {  	s15 =	rddreg [dreg:$0x7];
	[sflag:s17] =	ssyncadd.s32 $0xFFFFF000  }
0xbb: {  	[tilespmem:s19], [sflag:$0x5] =	stream.linear.gather [hbm4b:s15+s1], $0x1000, $0x38;
	[tilespmem:$0x1D8C0] =	vst v63  }
0xbc: {  	_ =	swait.ge [sflag:s17], $0x1000  }
0xbd: {  	[sflag:s17] =	ssyncset.done $0x0  }
0xbe: {  	[sflag:s17] =	ssyncadd.s32 $0xFFFFF000  }
0xbf: {  	[tilespmem:s24], [sflag:$0x1] =	stream.indirect.gather [hbm4b:s21+s22], $0x80, s18, s22, $0xb8;
	[tilespmem:$0x1D8C0] =	vst v63  }
0xc0: {  	_ =	swait.ge [sflag:s12], $0x4000  }
0xc1: {  	[sflag:s12] =	ssyncset.done $0x0  }
0xc2: {  	[sflag:s12] =	ssyncadd.s32 $0xFFFFC000  }
0xc3: {  	[spmem:s23] =	stream.indirect.scatter.add.f32 [tilespmem:s24], [sflag:$0x3], $0x80, s19, s22, $0xb8;
	[tilespmem:$0x1D8C0] =	vst v63  }
0xc4: {  	_ = 	snop  }
0xc5: {  	[tilespmem:s2], [sflag:$0x2] =	stream.indirect.gather [hbm4b:s21+s22], $0x80, s13, s22, $0xb8;
	[tilespmem:$0x1D8C0] =	vst v63  }
0xc6: {  	_ =	swait.ge [sflag:s3], $0x4000  }
0xc7: {  	[sflag:s3] =	ssyncset.done $0x0  }
0xc8: {  	[sflag:s3] =	ssyncadd.s32 $0xFFFFC000  }
0xc9: {  	[spmem:s23] =	stream.indirect.scatter.add.f32 [tilespmem:s2], [sflag:$0x4], $0x80, s4, s22, $0xb8;
	[tilespmem:$0x1D8C0] =	vst v63  }
0xca: {  	_ =	swait.ge [sflag:s5], $0x4000  }
0xcb: {  	[sflag:s5] =	ssyncset.done $0x0  }
0xcc: {  	s31 =	simm.s32 $0xFFFFC800;
	[sflag:s5] =	ssyncadd.s32 $0xFFFFC000  }
0xcd: {  	[tilespmem:s24], [sflag:$0x1] =	stream.indirect.gather [hbm4b:s21+s22], $0x80, s6, s22, $0xb8;
	[tilespmem:$0x1D8C0] =	vst v63  }
.LBB2_6:
0xce: {  	_ =	swait.ge [sflag:s12], $0x4000  }
0xcf: {  	s14 =	sshra.s32 s31, $0x2;
	[sflag:s12] =	ssyncset.done $0x0  }
0xd0: {  	s15 =	sadd.s32 $0x157C0, s14;
	[sflag:s12] =	ssyncadd.s32 $0xFFFFC000  }
0xd1: {  	[spmem:s23] =	stream.indirect.scatter.add.f32 [tilespmem:s24], [sflag:$0x3], $0x80, s15, s22, $0xb8;
	[tilespmem:$0x1D8C0] =	vst v63  }
0xd2: {  	_ =	swait.ge [sflag:s7], $0x4000  }
0xd3: {  	[sflag:s7] =	ssyncset.done $0x0  }
0xd4: {  	s15 =	sadd.s32 $0x14840, s14;
	[sflag:s7] =	ssyncadd.s32 $0xFFFFC000  }
0xd5: {  	[tilespmem:s2], [sflag:$0x2] =	stream.indirect.gather [hbm4b:s21+s22], $0x80, s15, s22, $0xb8;
	[tilespmem:$0x1D8C0] =	vst v63  }
0xd6: {  	_ =	swait.ge [sflag:s3], $0x4000  }
0xd7: {  	p2 =	seq.s32 s31, $0x0;
	[sflag:s3] =	ssyncset.done $0x0  }
.Ltmp7:
0xd8: {  	s15 =	sadd.s32 $0x15840, s14;
	[sflag:s3] =	ssyncadd.s32 $0xFFFFC000;
	(pc) =	sbr.rel @p2 .LBB2_8-.Ltmp7, $4  }
0xd9: {  	[spmem:s23] =	stream.indirect.scatter.add.f32 [tilespmem:s2], [sflag:$0x4], $0x80, s15, s22, $0xb8;
	[tilespmem:$0x1D8C0] =	vst v63  }
0xda: {  	_ =	swait.ge [sflag:s5], $0x4000  }
0xdb: {  	[sflag:s5] =	ssyncset.done $0x0  }
0xdc: {  	[sflag:s5] =	ssyncadd.s32 $0xFFFFC000  }
.Ltmp8:
0xdd: {  	(pc) =	sbr.rel .LBB2_6-.Ltmp8, $3  }
0xde: {  	_ =	sdelay $0x1  }
0xdf: {  	s14 =	sadd.s32 $0x148C0, s14;
	s31 =	sadd.s32 $0x400, s31  }
0xe0: {  	[tilespmem:s24], [sflag:$0x1] =	stream.indirect.gather [hbm4b:s21+s22], $0x80, s14, s22, $0xb8;
	[tilespmem:$0x1D8C0] =	vst v63  }
.LBB2_21:
0xe1: {  	_ =	swait.ge [sflag:s7], $0x4000  }
0xe2: {  	[sflag:s7] =	ssyncset.done $0x0  }
0xe3: {  	s14 =	rddreg [dreg:$0x6];
	[sflag:s7] =	ssyncadd.s32 $0xFFFFC000  }
0xe4: {  	[tilespmem:s18], [sflag:$0x5] =	stream.linear.gather [hbm4b:s14+s1], $0x1000, $0x38;
	[tilespmem:$0x1D8C0] =	vst v63  }
0xe5: {  	_ =	swait.ge [sflag:s17], $0x1000  }
0xe6: {  	[sflag:s17] =	ssyncset.done $0x0  }
0xe7: {  	s15 =	rddreg [dreg:$0x7];
	[sflag:s17] =	ssyncadd.s32 $0xFFFFF000  }
0xe8: {  	[tilespmem:s19], [sflag:$0x5] =	stream.linear.gather [hbm4b:s15+s1], $0x1000, $0x38;
	[tilespmem:$0x1D8C0] =	vst v63  }
0xe9: {  	_ =	swait.ge [sflag:s17], $0x1000  }
0xea: {  	[sflag:s17] =	ssyncset.done $0x0  }
0xeb: {  	[sflag:s17] =	ssyncadd.s32 $0xFFFFF000  }
0xec: {  	[tilespmem:s24], [sflag:$0x1] =	stream.indirect.gather [hbm4b:s20+s22], $0x80, s18, s22, $0xb8;
	[tilespmem:$0x1D8C0] =	vst v63  }
0xed: {  	_ =	swait.ge [sflag:s12], $0x4000  }
0xee: {  	[sflag:s12] =	ssyncset.done $0x0  }
0xef: {  	[sflag:s12] =	ssyncadd.s32 $0xFFFFC000  }
0xf0: {  	[spmem:s23] =	stream.indirect.scatter.add.f32 [tilespmem:s24], [sflag:$0x3], $0x80, s19, s22, $0xb8;
	[tilespmem:$0x1D8C0] =	vst v63  }
0xf1: {  	_ = 	snop  }
0xf2: {  	[tilespmem:s2], [sflag:$0x2] =	stream.indirect.gather [hbm4b:s20+s22], $0x80, s13, s22, $0xb8;
	[tilespmem:$0x1D8C0] =	vst v63  }
0xf3: {  	_ =	swait.ge [sflag:s3], $0x4000  }
0xf4: {  	[sflag:s3] =	ssyncset.done $0x0  }
0xf5: {  	[sflag:s3] =	ssyncadd.s32 $0xFFFFC000  }
0xf6: {  	[spmem:s23] =	stream.indirect.scatter.add.f32 [tilespmem:s2], [sflag:$0x4], $0x80, s4, s22, $0xb8;
	[tilespmem:$0x1D8C0] =	vst v63  }
0xf7: {  	_ =	swait.ge [sflag:s5], $0x4000  }
0xf8: {  	[sflag:s5] =	ssyncset.done $0x0  }
0xf9: {  	s31 =	simm.s32 $0xFFFFC800;
	[sflag:s5] =	ssyncadd.s32 $0xFFFFC000  }
0xfa: {  	[tilespmem:s24], [sflag:$0x1] =	stream.indirect.gather [hbm4b:s20+s22], $0x80, s6, s22, $0xb8;
	[tilespmem:$0x1D8C0] =	vst v63  }
.LBB2_22:
0xfb: {  	_ =	swait.ge [sflag:s12], $0x4000  }
0xfc: {  	s14 =	sshra.s32 s31, $0x2;
	[sflag:s12] =	ssyncset.done $0x0  }
0xfd: {  	s15 =	sadd.s32 $0x157C0, s14;
	[sflag:s12] =	ssyncadd.s32 $0xFFFFC000  }
0xfe: {  	[spmem:s23] =	stream.indirect.scatter.add.f32 [tilespmem:s24], [sflag:$0x3], $0x80, s15, s22, $0xb8;
	[tilespmem:$0x1D8C0] =	vst v63  }
0xff: {  	_ =	swait.ge [sflag:s7], $0x4000  }
0x100: {  	[sflag:s7] =	ssyncset.done $0x0  }
0x101: {  	s15 =	sadd.s32 $0x14840, s14;
	[sflag:s7] =	ssyncadd.s32 $0xFFFFC000  }
0x102: {  	[tilespmem:s2], [sflag:$0x2] =	stream.indirect.gather [hbm4b:s20+s22], $0x80, s15, s22, $0xb8;
	[tilespmem:$0x1D8C0] =	vst v63  }
0x103: {  	_ =	swait.ge [sflag:s3], $0x4000  }
0x104: {  	p2 =	seq.s32 s31, $0x0;
	[sflag:s3] =	ssyncset.done $0x0  }
.Ltmp9:
0x105: {  	s15 =	sadd.s32 $0x15840, s14;
	[sflag:s3] =	ssyncadd.s32 $0xFFFFC000;
	(pc) =	sbr.rel @p2 .LBB2_24-.Ltmp9, $4  }
0x106: {  	[spmem:s23] =	stream.indirect.scatter.add.f32 [tilespmem:s2], [sflag:$0x4], $0x80, s15, s22, $0xb8;
	[tilespmem:$0x1D8C0] =	vst v63  }
0x107: {  	_ =	swait.ge [sflag:s5], $0x4000  }
0x108: {  	[sflag:s5] =	ssyncset.done $0x0  }
0x109: {  	[sflag:s5] =	ssyncadd.s32 $0xFFFFC000  }
.Ltmp10:
0x10a: {  	(pc) =	sbr.rel .LBB2_22-.Ltmp10, $3  }
0x10b: {  	_ =	sdelay $0x1  }
0x10c: {  	s14 =	sadd.s32 $0x148C0, s14;
	s31 =	sadd.s32 $0x400, s31  }
0x10d: {  	[tilespmem:s24], [sflag:$0x1] =	stream.indirect.gather [hbm4b:s20+s22], $0x80, s14, s22, $0xb8;
	[tilespmem:$0x1D8C0] =	vst v63  }
.LBB2_8:
0x10e: {  	_ =	swait.ge [sflag:s7], $0x4000  }
0x10f: {  	[sflag:s7] =	ssyncset.done $0x0  }
0x110: {  	s14 =	rddreg [dreg:$0x8];
	[sflag:s7] =	ssyncadd.s32 $0xFFFFC000  }
0x111: {  	[tilespmem:s18], [sflag:$0x5] =	stream.linear.gather [hbm4b:s14+s1], $0x1000, $0x38;
	[tilespmem:$0x1D8C0] =	vst v63  }
0x112: {  	_ =	swait.ge [sflag:s17], $0x1000  }
0x113: {  	[sflag:s17] =	ssyncset.done $0x0  }
0x114: {  	s15 =	rddreg [dreg:$0x9];
	[sflag:s17] =	ssyncadd.s32 $0xFFFFF000  }
0x115: {  	[tilespmem:s19], [sflag:$0x5] =	stream.linear.gather [hbm4b:s15+s1], $0x1000, $0x38;
	[tilespmem:$0x1D8C0] =	vst v63  }
0x116: {  	_ =	swait.ge [sflag:s17], $0x1000  }
0x117: {  	[sflag:s17] =	ssyncset.done $0x0  }
0x118: {  	[sflag:s17] =	ssyncadd.s32 $0xFFFFF000  }
0x119: {  	[tilespmem:s24], [sflag:$0x1] =	stream.indirect.gather [hbm4b:s21+s22], $0x80, s18, s22, $0xb8;
	[tilespmem:$0x1D8C0] =	vst v63  }
0x11a: {  	_ =	swait.ge [sflag:s12], $0x4000  }
0x11b: {  	[sflag:s12] =	ssyncset.done $0x0  }
0x11c: {  	[sflag:s12] =	ssyncadd.s32 $0xFFFFC000  }
0x11d: {  	[spmem:s23] =	stream.indirect.scatter.add.f32 [tilespmem:s24], [sflag:$0x3], $0x80, s19, s22, $0xb8;
	[tilespmem:$0x1D8C0] =	vst v63  }
0x11e: {  	_ = 	snop  }
0x11f: {  	[tilespmem:s2], [sflag:$0x2] =	stream.indirect.gather [hbm4b:s21+s22], $0x80, s13, s22, $0xb8;
	[tilespmem:$0x1D8C0] =	vst v63  }
0x120: {  	_ =	swait.ge [sflag:s3], $0x4000  }
0x121: {  	[sflag:s3] =	ssyncset.done $0x0  }
0x122: {  	[sflag:s3] =	ssyncadd.s32 $0xFFFFC000  }
0x123: {  	[spmem:s23] =	stream.indirect.scatter.add.f32 [tilespmem:s2], [sflag:$0x4], $0x80, s4, s22, $0xb8;
	[tilespmem:$0x1D8C0] =	vst v63  }
0x124: {  	_ =	swait.ge [sflag:s5], $0x4000  }
0x125: {  	[sflag:s5] =	ssyncset.done $0x0  }
0x126: {  	s31 =	simm.s32 $0xFFFFC800;
	[sflag:s5] =	ssyncadd.s32 $0xFFFFC000  }
0x127: {  	[tilespmem:s24], [sflag:$0x1] =	stream.indirect.gather [hbm4b:s21+s22], $0x80, s6, s22, $0xb8;
	[tilespmem:$0x1D8C0] =	vst v63  }
.LBB2_9:
0x128: {  	_ =	swait.ge [sflag:s12], $0x4000  }
0x129: {  	s14 =	sshra.s32 s31, $0x2;
	[sflag:s12] =	ssyncset.done $0x0  }
0x12a: {  	s15 =	sadd.s32 $0x157C0, s14;
	[sflag:s12] =	ssyncadd.s32 $0xFFFFC000  }
0x12b: {  	[spmem:s23] =	stream.indirect.scatter.add.f32 [tilespmem:s24], [sflag:$0x3], $0x80, s15, s22, $0xb8;
	[tilespmem:$0x1D8C0] =	vst v63  }
0x12c: {  	_ =	swait.ge [sflag:s7], $0x4000  }
0x12d: {  	[sflag:s7] =	ssyncset.done $0x0  }
0x12e: {  	s15 =	sadd.s32 $0x14840, s14;
	[sflag:s7] =	ssyncadd.s32 $0xFFFFC000  }
0x12f: {  	[tilespmem:s2], [sflag:$0x2] =	stream.indirect.gather [hbm4b:s21+s22], $0x80, s15, s22, $0xb8;
	[tilespmem:$0x1D8C0] =	vst v63  }
0x130: {  	_ =	swait.ge [sflag:s3], $0x4000  }
0x131: {  	p2 =	seq.s32 s31, $0x0;
	[sflag:s3] =	ssyncset.done $0x0  }
.Ltmp11:
0x132: {  	s15 =	sadd.s32 $0x15840, s14;
	[sflag:s3] =	ssyncadd.s32 $0xFFFFC000;
	(pc) =	sbr.rel @p2 .LBB2_11-.Ltmp11, $4  }
0x133: {  	[spmem:s23] =	stream.indirect.scatter.add.f32 [tilespmem:s2], [sflag:$0x4], $0x80, s15, s22, $0xb8;
	[tilespmem:$0x1D8C0] =	vst v63  }
0x134: {  	_ =	swait.ge [sflag:s5], $0x4000  }
0x135: {  	[sflag:s5] =	ssyncset.done $0x0  }
0x136: {  	[sflag:s5] =	ssyncadd.s32 $0xFFFFC000  }
.Ltmp12:
0x137: {  	(pc) =	sbr.rel .LBB2_9-.Ltmp12, $3  }
0x138: {  	_ =	sdelay $0x1  }
0x139: {  	s14 =	sadd.s32 $0x148C0, s14;
	s31 =	sadd.s32 $0x400, s31  }
0x13a: {  	[tilespmem:s24], [sflag:$0x1] =	stream.indirect.gather [hbm4b:s21+s22], $0x80, s14, s22, $0xb8;
	[tilespmem:$0x1D8C0] =	vst v63  }
.LBB2_24:
0x13b: {  	_ =	swait.ge [sflag:s7], $0x4000  }
0x13c: {  	[sflag:s7] =	ssyncset.done $0x0  }
0x13d: {  	s14 =	rddreg [dreg:$0x8];
	[sflag:s7] =	ssyncadd.s32 $0xFFFFC000  }
0x13e: {  	[tilespmem:s18], [sflag:$0x5] =	stream.linear.gather [hbm4b:s14+s1], $0x1000, $0x38;
	[tilespmem:$0x1D8C0] =	vst v63  }
0x13f: {  	_ =	swait.ge [sflag:s17], $0x1000  }
0x140: {  	[sflag:s17] =	ssyncset.done $0x0  }
0x141: {  	s15 =	rddreg [dreg:$0x9];
	[sflag:s17] =	ssyncadd.s32 $0xFFFFF000  }
0x142: {  	[tilespmem:s19], [sflag:$0x5] =	stream.linear.gather [hbm4b:s15+s1], $0x1000, $0x38;
	[tilespmem:$0x1D8C0] =	vst v63  }
0x143: {  	_ =	swait.ge [sflag:s17], $0x1000  }
0x144: {  	[sflag:s17] =	ssyncset.done $0x0  }
0x145: {  	[sflag:s17] =	ssyncadd.s32 $0xFFFFF000  }
0x146: {  	[tilespmem:s24], [sflag:$0x1] =	stream.indirect.gather [hbm4b:s20+s22], $0x80, s18, s22, $0xb8;
	[tilespmem:$0x1D8C0] =	vst v63  }
0x147: {  	_ =	swait.ge [sflag:s12], $0x4000  }
0x148: {  	[sflag:s12] =	ssyncset.done $0x0  }
0x149: {  	[sflag:s12] =	ssyncadd.s32 $0xFFFFC000  }
0x14a: {  	[spmem:s23] =	stream.indirect.scatter.add.f32 [tilespmem:s24], [sflag:$0x3], $0x80, s19, s22, $0xb8;
	[tilespmem:$0x1D8C0] =	vst v63  }
0x14b: {  	_ = 	snop  }
0x14c: {  	[tilespmem:s2], [sflag:$0x2] =	stream.indirect.gather [hbm4b:s20+s22], $0x80, s13, s22, $0xb8;
	[tilespmem:$0x1D8C0] =	vst v63  }
0x14d: {  	_ =	swait.ge [sflag:s3], $0x4000  }
0x14e: {  	[sflag:s3] =	ssyncset.done $0x0  }
0x14f: {  	[sflag:s3] =	ssyncadd.s32 $0xFFFFC000  }
0x150: {  	[spmem:s23] =	stream.indirect.scatter.add.f32 [tilespmem:s2], [sflag:$0x4], $0x80, s4, s22, $0xb8;
	[tilespmem:$0x1D8C0] =	vst v63  }
0x151: {  	_ =	swait.ge [sflag:s5], $0x4000  }
0x152: {  	[sflag:s5] =	ssyncset.done $0x0  }
0x153: {  	s31 =	simm.s32 $0xFFFFC800;
	[sflag:s5] =	ssyncadd.s32 $0xFFFFC000  }
0x154: {  	[tilespmem:s24], [sflag:$0x1] =	stream.indirect.gather [hbm4b:s20+s22], $0x80, s6, s22, $0xb8;
	[tilespmem:$0x1D8C0] =	vst v63  }
.LBB2_25:
0x155: {  	_ =	swait.ge [sflag:s12], $0x4000  }
0x156: {  	s14 =	sshra.s32 s31, $0x2;
	[sflag:s12] =	ssyncset.done $0x0  }
0x157: {  	s15 =	sadd.s32 $0x157C0, s14;
	[sflag:s12] =	ssyncadd.s32 $0xFFFFC000  }
0x158: {  	[spmem:s23] =	stream.indirect.scatter.add.f32 [tilespmem:s24], [sflag:$0x3], $0x80, s15, s22, $0xb8;
	[tilespmem:$0x1D8C0] =	vst v63  }
0x159: {  	_ =	swait.ge [sflag:s7], $0x4000  }
0x15a: {  	[sflag:s7] =	ssyncset.done $0x0  }
0x15b: {  	s15 =	sadd.s32 $0x14840, s14;
	[sflag:s7] =	ssyncadd.s32 $0xFFFFC000  }
0x15c: {  	[tilespmem:s2], [sflag:$0x2] =	stream.indirect.gather [hbm4b:s20+s22], $0x80, s15, s22, $0xb8;
	[tilespmem:$0x1D8C0] =	vst v63  }
0x15d: {  	_ =	swait.ge [sflag:s3], $0x4000  }
0x15e: {  	p2 =	seq.s32 s31, $0x0;
	[sflag:s3] =	ssyncset.done $0x0  }
.Ltmp13:
0x15f: {  	s15 =	sadd.s32 $0x15840, s14;
	[sflag:s3] =	ssyncadd.s32 $0xFFFFC000;
	(pc) =	sbr.rel @p2 .LBB2_27-.Ltmp13, $4  }
0x160: {  	[spmem:s23] =	stream.indirect.scatter.add.f32 [tilespmem:s2], [sflag:$0x4], $0x80, s15, s22, $0xb8;
	[tilespmem:$0x1D8C0] =	vst v63  }
0x161: {  	_ =	swait.ge [sflag:s5], $0x4000  }
0x162: {  	[sflag:s5] =	ssyncset.done $0x0  }
0x163: {  	[sflag:s5] =	ssyncadd.s32 $0xFFFFC000  }
.Ltmp14:
0x164: {  	(pc) =	sbr.rel .LBB2_25-.Ltmp14, $3  }
0x165: {  	_ =	sdelay $0x1  }
0x166: {  	s14 =	sadd.s32 $0x148C0, s14;
	s31 =	sadd.s32 $0x400, s31  }
0x167: {  	[tilespmem:s24], [sflag:$0x1] =	stream.indirect.gather [hbm4b:s20+s22], $0x80, s14, s22, $0xb8;
	[tilespmem:$0x1D8C0] =	vst v63  }
.LBB2_11:
0x168: {  	_ =	swait.ge [sflag:s7], $0x4000  }
0x169: {  	[sflag:s7] =	ssyncset.done $0x0  }
0x16a: {  	s14 =	rddreg [dreg:$0xa];
	[sflag:s7] =	ssyncadd.s32 $0xFFFFC000  }
0x16b: {  	[tilespmem:s18], [sflag:$0x5] =	stream.linear.gather [hbm4b:s14+s1], $0x1000, $0x38;
	[tilespmem:$0x1D8C0] =	vst v63  }
0x16c: {  	_ =	swait.ge [sflag:s17], $0x1000  }
0x16d: {  	[sflag:s17] =	ssyncset.done $0x0  }
0x16e: {  	s15 =	rddreg [dreg:$0xb];
	[sflag:s17] =	ssyncadd.s32 $0xFFFFF000  }
0x16f: {  	[tilespmem:s19], [sflag:$0x5] =	stream.linear.gather [hbm4b:s15+s1], $0x1000, $0x38;
	[tilespmem:$0x1D8C0] =	vst v63  }
0x170: {  	_ =	swait.ge [sflag:s17], $0x1000  }
0x171: {  	[sflag:s17] =	ssyncset.done $0x0  }
0x172: {  	[sflag:s17] =	ssyncadd.s32 $0xFFFFF000  }
0x173: {  	[tilespmem:s24], [sflag:$0x1] =	stream.indirect.gather [hbm4b:s21+s22], $0x80, s18, s22, $0xb8;
	[tilespmem:$0x1D8C0] =	vst v63  }
0x174: {  	_ =	swait.ge [sflag:s12], $0x4000  }
0x175: {  	[sflag:s12] =	ssyncset.done $0x0  }
0x176: {  	[sflag:s12] =	ssyncadd.s32 $0xFFFFC000  }
0x177: {  	[spmem:s23] =	stream.indirect.scatter.add.f32 [tilespmem:s24], [sflag:$0x3], $0x80, s19, s22, $0xb8;
	[tilespmem:$0x1D8C0] =	vst v63  }
0x178: {  	_ = 	snop  }
0x179: {  	[tilespmem:s2], [sflag:$0x2] =	stream.indirect.gather [hbm4b:s21+s22], $0x80, s13, s22, $0xb8;
	[tilespmem:$0x1D8C0] =	vst v63  }
0x17a: {  	_ =	swait.ge [sflag:s3], $0x4000  }
0x17b: {  	[sflag:s3] =	ssyncset.done $0x0  }
0x17c: {  	[sflag:s3] =	ssyncadd.s32 $0xFFFFC000  }
0x17d: {  	[spmem:s23] =	stream.indirect.scatter.add.f32 [tilespmem:s2], [sflag:$0x4], $0x80, s4, s22, $0xb8;
	[tilespmem:$0x1D8C0] =	vst v63  }
0x17e: {  	_ =	swait.ge [sflag:s5], $0x4000  }
0x17f: {  	[sflag:s5] =	ssyncset.done $0x0  }
0x180: {  	s31 =	simm.s32 $0xFFFFC800;
	[sflag:s5] =	ssyncadd.s32 $0xFFFFC000  }
0x181: {  	[tilespmem:s24], [sflag:$0x1] =	stream.indirect.gather [hbm4b:s21+s22], $0x80, s6, s22, $0xb8;
	[tilespmem:$0x1D8C0] =	vst v63  }
.LBB2_12:
0x182: {  	_ =	swait.ge [sflag:s12], $0x4000  }
0x183: {  	s14 =	sshra.s32 s31, $0x2;
	[sflag:s12] =	ssyncset.done $0x0  }
0x184: {  	s15 =	sadd.s32 $0x157C0, s14;
	[sflag:s12] =	ssyncadd.s32 $0xFFFFC000  }
0x185: {  	[spmem:s23] =	stream.indirect.scatter.add.f32 [tilespmem:s24], [sflag:$0x3], $0x80, s15, s22, $0xb8;
	[tilespmem:$0x1D8C0] =	vst v63  }
0x186: {  	_ =	swait.ge [sflag:s7], $0x4000  }
0x187: {  	[sflag:s7] =	ssyncset.done $0x0  }
0x188: {  	s15 =	sadd.s32 $0x14840, s14;
	[sflag:s7] =	ssyncadd.s32 $0xFFFFC000  }
0x189: {  	[tilespmem:s2], [sflag:$0x2] =	stream.indirect.gather [hbm4b:s21+s22], $0x80, s15, s22, $0xb8;
	[tilespmem:$0x1D8C0] =	vst v63  }
0x18a: {  	_ =	swait.ge [sflag:s3], $0x4000  }
0x18b: {  	p2 =	seq.s32 s31, $0x0;
	[sflag:s3] =	ssyncset.done $0x0  }
.Ltmp15:
0x18c: {  	s15 =	sadd.s32 $0x15840, s14;
	[sflag:s3] =	ssyncadd.s32 $0xFFFFC000;
	(pc) =	sbr.rel @p2 .LBB2_14-.Ltmp15, $4  }
0x18d: {  	[spmem:s23] =	stream.indirect.scatter.add.f32 [tilespmem:s2], [sflag:$0x4], $0x80, s15, s22, $0xb8;
	[tilespmem:$0x1D8C0] =	vst v63  }
0x18e: {  	_ =	swait.ge [sflag:s5], $0x4000  }
0x18f: {  	[sflag:s5] =	ssyncset.done $0x0  }
0x190: {  	[sflag:s5] =	ssyncadd.s32 $0xFFFFC000  }
.Ltmp16:
0x191: {  	(pc) =	sbr.rel .LBB2_12-.Ltmp16, $3  }
0x192: {  	_ =	sdelay $0x1  }
0x193: {  	s14 =	sadd.s32 $0x148C0, s14;
	s31 =	sadd.s32 $0x400, s31  }
0x194: {  	[tilespmem:s24], [sflag:$0x1] =	stream.indirect.gather [hbm4b:s21+s22], $0x80, s14, s22, $0xb8;
	[tilespmem:$0x1D8C0] =	vst v63  }
.LBB2_27:
0x195: {  	_ =	swait.ge [sflag:s7], $0x4000  }
0x196: {  	[sflag:s7] =	ssyncset.done $0x0  }
0x197: {  	s14 =	rddreg [dreg:$0xa];
	[sflag:s7] =	ssyncadd.s32 $0xFFFFC000  }
0x198: {  	[tilespmem:s18], [sflag:$0x5] =	stream.linear.gather [hbm4b:s14+s1], $0x1000, $0x38;
	[tilespmem:$0x1D8C0] =	vst v63  }
0x199: {  	_ =	swait.ge [sflag:s17], $0x1000  }
0x19a: {  	[sflag:s17] =	ssyncset.done $0x0  }
0x19b: {  	s15 =	rddreg [dreg:$0xb];
	[sflag:s17] =	ssyncadd.s32 $0xFFFFF000  }
0x19c: {  	[tilespmem:s19], [sflag:$0x5] =	stream.linear.gather [hbm4b:s15+s1], $0x1000, $0x38;
	[tilespmem:$0x1D8C0] =	vst v63  }
0x19d: {  	_ =	swait.ge [sflag:s17], $0x1000  }
0x19e: {  	[sflag:s17] =	ssyncset.done $0x0  }
0x19f: {  	[sflag:s17] =	ssyncadd.s32 $0xFFFFF000  }
0x1a0: {  	[tilespmem:s24], [sflag:$0x1] =	stream.indirect.gather [hbm4b:s20+s22], $0x80, s18, s22, $0xb8;
	[tilespmem:$0x1D8C0] =	vst v63  }
0x1a1: {  	_ =	swait.ge [sflag:s12], $0x4000  }
0x1a2: {  	[sflag:s12] =	ssyncset.done $0x0  }
0x1a3: {  	[sflag:s12] =	ssyncadd.s32 $0xFFFFC000  }
0x1a4: {  	[spmem:s23] =	stream.indirect.scatter.add.f32 [tilespmem:s24], [sflag:$0x3], $0x80, s19, s22, $0xb8;
	[tilespmem:$0x1D8C0] =	vst v63  }
0x1a5: {  	_ = 	snop  }
0x1a6: {  	[tilespmem:s2], [sflag:$0x2] =	stream.indirect.gather [hbm4b:s20+s22], $0x80, s13, s22, $0xb8;
	[tilespmem:$0x1D8C0] =	vst v63  }
0x1a7: {  	_ =	swait.ge [sflag:s3], $0x4000  }
0x1a8: {  	[sflag:s3] =	ssyncset.done $0x0  }
0x1a9: {  	[sflag:s3] =	ssyncadd.s32 $0xFFFFC000  }
0x1aa: {  	[spmem:s23] =	stream.indirect.scatter.add.f32 [tilespmem:s2], [sflag:$0x4], $0x80, s4, s22, $0xb8;
	[tilespmem:$0x1D8C0] =	vst v63  }
0x1ab: {  	_ =	swait.ge [sflag:s5], $0x4000  }
0x1ac: {  	[sflag:s5] =	ssyncset.done $0x0  }
0x1ad: {  	s31 =	simm.s32 $0xFFFFC800;
	[sflag:s5] =	ssyncadd.s32 $0xFFFFC000  }
0x1ae: {  	[tilespmem:s24], [sflag:$0x1] =	stream.indirect.gather [hbm4b:s20+s22], $0x80, s6, s22, $0xb8;
	[tilespmem:$0x1D8C0] =	vst v63  }
.LBB2_28:
0x1af: {  	_ =	swait.ge [sflag:s12], $0x4000  }
0x1b0: {  	s14 =	sshra.s32 s31, $0x2;
	[sflag:s12] =	ssyncset.done $0x0  }
0x1b1: {  	s15 =	sadd.s32 $0x157C0, s14;
	[sflag:s12] =	ssyncadd.s32 $0xFFFFC000  }
0x1b2: {  	[spmem:s23] =	stream.indirect.scatter.add.f32 [tilespmem:s24], [sflag:$0x3], $0x80, s15, s22, $0xb8;
	[tilespmem:$0x1D8C0] =	vst v63  }
0x1b3: {  	_ =	swait.ge [sflag:s7], $0x4000  }
0x1b4: {  	[sflag:s7] =	ssyncset.done $0x0  }
0x1b5: {  	s15 =	sadd.s32 $0x14840, s14;
	[sflag:s7] =	ssyncadd.s32 $0xFFFFC000  }
0x1b6: {  	[tilespmem:s2], [sflag:$0x2] =	stream.indirect.gather [hbm4b:s20+s22], $0x80, s15, s22, $0xb8;
	[tilespmem:$0x1D8C0] =	vst v63  }
0x1b7: {  	_ =	swait.ge [sflag:s3], $0x4000  }
0x1b8: {  	p2 =	seq.s32 s31, $0x0;
	[sflag:s3] =	ssyncset.done $0x0  }
.Ltmp17:
0x1b9: {  	s15 =	sadd.s32 $0x15840, s14;
	[sflag:s3] =	ssyncadd.s32 $0xFFFFC000;
	(pc) =	sbr.rel @p2 .LBB2_30-.Ltmp17, $4  }
0x1ba: {  	[spmem:s23] =	stream.indirect.scatter.add.f32 [tilespmem:s2], [sflag:$0x4], $0x80, s15, s22, $0xb8;
	[tilespmem:$0x1D8C0] =	vst v63  }
0x1bb: {  	_ =	swait.ge [sflag:s5], $0x4000  }
0x1bc: {  	[sflag:s5] =	ssyncset.done $0x0  }
0x1bd: {  	[sflag:s5] =	ssyncadd.s32 $0xFFFFC000  }
.Ltmp18:
0x1be: {  	(pc) =	sbr.rel .LBB2_28-.Ltmp18, $3  }
0x1bf: {  	_ =	sdelay $0x1  }
0x1c0: {  	s14 =	sadd.s32 $0x148C0, s14;
	s31 =	sadd.s32 $0x400, s31  }
0x1c1: {  	[tilespmem:s24], [sflag:$0x1] =	stream.indirect.gather [hbm4b:s20+s22], $0x80, s14, s22, $0xb8;
	[tilespmem:$0x1D8C0] =	vst v63  }
.LBB2_14:
0x1c2: {  	_ =	swait.ge [sflag:s7], $0x4000  }
0x1c3: {  	[sflag:s7] =	ssyncset.done $0x0  }
0x1c4: {  	s14 =	rddreg [dreg:$0xc];
	[sflag:s7] =	ssyncadd.s32 $0xFFFFC000  }
0x1c5: {  	[tilespmem:s18], [sflag:$0x5] =	stream.linear.gather [hbm4b:s14+s1], $0x1000, $0x38;
	[tilespmem:$0x1D8C0] =	vst v63  }
0x1c6: {  	_ =	swait.ge [sflag:s17], $0x1000  }
0x1c7: {  	[sflag:s17] =	ssyncset.done $0x0  }
0x1c8: {  	s15 =	rddreg [dreg:$0xd];
	[sflag:s17] =	ssyncadd.s32 $0xFFFFF000  }
0x1c9: {  	[tilespmem:s19], [sflag:$0x5] =	stream.linear.gather [hbm4b:s15+s1], $0x1000, $0x38;
	[tilespmem:$0x1D8C0] =	vst v63  }
0x1ca: {  	_ =	swait.ge [sflag:s17], $0x1000  }
0x1cb: {  	[sflag:s17] =	ssyncset.done $0x0  }
0x1cc: {  	[sflag:s17] =	ssyncadd.s32 $0xFFFFF000  }
0x1cd: {  	[tilespmem:s24], [sflag:$0x1] =	stream.indirect.gather [hbm4b:s21+s22], $0x80, s18, s22, $0xb8;
	[tilespmem:$0x1D8C0] =	vst v63  }
0x1ce: {  	_ =	swait.ge [sflag:s12], $0x4000  }
0x1cf: {  	[sflag:s12] =	ssyncset.done $0x0  }
0x1d0: {  	[sflag:s12] =	ssyncadd.s32 $0xFFFFC000  }
0x1d1: {  	[spmem:s23] =	stream.indirect.scatter.add.f32 [tilespmem:s24], [sflag:$0x3], $0x80, s19, s22, $0xb8;
	[tilespmem:$0x1D8C0] =	vst v63  }
0x1d2: {  	_ = 	snop  }
0x1d3: {  	[tilespmem:s2], [sflag:$0x2] =	stream.indirect.gather [hbm4b:s21+s22], $0x80, s13, s22, $0xb8;
	[tilespmem:$0x1D8C0] =	vst v63  }
0x1d4: {  	_ =	swait.ge [sflag:s3], $0x4000  }
0x1d5: {  	[sflag:s3] =	ssyncset.done $0x0  }
0x1d6: {  	[sflag:s3] =	ssyncadd.s32 $0xFFFFC000  }
0x1d7: {  	[spmem:s23] =	stream.indirect.scatter.add.f32 [tilespmem:s2], [sflag:$0x4], $0x80, s4, s22, $0xb8;
	[tilespmem:$0x1D8C0] =	vst v63  }
0x1d8: {  	_ =	swait.ge [sflag:s5], $0x4000  }
0x1d9: {  	[sflag:s5] =	ssyncset.done $0x0  }
0x1da: {  	s31 =	simm.s32 $0xFFFFC800;
	[sflag:s5] =	ssyncadd.s32 $0xFFFFC000  }
0x1db: {  	[tilespmem:s24], [sflag:$0x1] =	stream.indirect.gather [hbm4b:s21+s22], $0x80, s6, s22, $0xb8;
	[tilespmem:$0x1D8C0] =	vst v63  }
.LBB2_15:
0x1dc: {  	_ =	swait.ge [sflag:s12], $0x4000  }
0x1dd: {  	s14 =	sshra.s32 s31, $0x2;
	[sflag:s12] =	ssyncset.done $0x0  }
0x1de: {  	s15 =	sadd.s32 $0x157C0, s14;
	[sflag:s12] =	ssyncadd.s32 $0xFFFFC000  }
0x1df: {  	[spmem:s23] =	stream.indirect.scatter.add.f32 [tilespmem:s24], [sflag:$0x3], $0x80, s15, s22, $0xb8;
	[tilespmem:$0x1D8C0] =	vst v63  }
0x1e0: {  	_ =	swait.ge [sflag:s7], $0x4000  }
0x1e1: {  	[sflag:s7] =	ssyncset.done $0x0  }
0x1e2: {  	s15 =	sadd.s32 $0x14840, s14;
	[sflag:s7] =	ssyncadd.s32 $0xFFFFC000  }
0x1e3: {  	[tilespmem:s2], [sflag:$0x2] =	stream.indirect.gather [hbm4b:s21+s22], $0x80, s15, s22, $0xb8;
	[tilespmem:$0x1D8C0] =	vst v63  }
0x1e4: {  	_ =	swait.ge [sflag:s3], $0x4000  }
0x1e5: {  	p2 =	seq.s32 s31, $0x0;
	[sflag:s3] =	ssyncset.done $0x0  }
.Ltmp19:
0x1e6: {  	s15 =	sadd.s32 $0x15840, s14;
	[sflag:s3] =	ssyncadd.s32 $0xFFFFC000;
	(pc) =	sbr.rel @p2 .LBB2_17-.Ltmp19, $4  }
0x1e7: {  	[spmem:s23] =	stream.indirect.scatter.add.f32 [tilespmem:s2], [sflag:$0x4], $0x80, s15, s22, $0xb8;
	[tilespmem:$0x1D8C0] =	vst v63  }
0x1e8: {  	_ =	swait.ge [sflag:s5], $0x4000  }
0x1e9: {  	[sflag:s5] =	ssyncset.done $0x0  }
0x1ea: {  	[sflag:s5] =	ssyncadd.s32 $0xFFFFC000  }
.Ltmp20:
0x1eb: {  	(pc) =	sbr.rel .LBB2_15-.Ltmp20, $3  }
0x1ec: {  	_ =	sdelay $0x1  }
0x1ed: {  	s14 =	sadd.s32 $0x148C0, s14;
	s31 =	sadd.s32 $0x400, s31  }
0x1ee: {  	[tilespmem:s24], [sflag:$0x1] =	stream.indirect.gather [hbm4b:s21+s22], $0x80, s14, s22, $0xb8;
	[tilespmem:$0x1D8C0] =	vst v63  }
.LBB2_30:
0x1ef: {  	_ =	swait.ge [sflag:s7], $0x4000  }
0x1f0: {  	[sflag:s7] =	ssyncset.done $0x0  }
0x1f1: {  	s14 =	rddreg [dreg:$0xc];
	[sflag:s7] =	ssyncadd.s32 $0xFFFFC000  }
0x1f2: {  	[tilespmem:s18], [sflag:$0x5] =	stream.linear.gather [hbm4b:s14+s1], $0x1000, $0x38;
	[tilespmem:$0x1D8C0] =	vst v63  }
0x1f3: {  	_ =	swait.ge [sflag:s17], $0x1000  }
0x1f4: {  	[sflag:s17] =	ssyncset.done $0x0  }
0x1f5: {  	s15 =	rddreg [dreg:$0xd];
	[sflag:s17] =	ssyncadd.s32 $0xFFFFF000  }
0x1f6: {  	[tilespmem:s19], [sflag:$0x5] =	stream.linear.gather [hbm4b:s15+s1], $0x1000, $0x38;
	[tilespmem:$0x1D8C0] =	vst v63  }
0x1f7: {  	_ =	swait.ge [sflag:s17], $0x1000  }
0x1f8: {  	[sflag:s17] =	ssyncset.done $0x0  }
0x1f9: {  	[sflag:s17] =	ssyncadd.s32 $0xFFFFF000  }
0x1fa: {  	[tilespmem:s24], [sflag:$0x1] =	stream.indirect.gather [hbm4b:s20+s22], $0x80, s18, s22, $0xb8;
	[tilespmem:$0x1D8C0] =	vst v63  }
0x1fb: {  	_ =	swait.ge [sflag:s12], $0x4000  }
0x1fc: {  	[sflag:s12] =	ssyncset.done $0x0  }
0x1fd: {  	[sflag:s12] =	ssyncadd.s32 $0xFFFFC000  }
0x1fe: {  	[spmem:s23] =	stream.indirect.scatter.add.f32 [tilespmem:s24], [sflag:$0x3], $0x80, s19, s22, $0xb8;
	[tilespmem:$0x1D8C0] =	vst v63  }
0x1ff: {  	_ = 	snop  }
0x200: {  	[tilespmem:s2], [sflag:$0x2] =	stream.indirect.gather [hbm4b:s20+s22], $0x80, s13, s22, $0xb8;
	[tilespmem:$0x1D8C0] =	vst v63  }
0x201: {  	_ =	swait.ge [sflag:s3], $0x4000  }
0x202: {  	[sflag:s3] =	ssyncset.done $0x0  }
0x203: {  	[sflag:s3] =	ssyncadd.s32 $0xFFFFC000  }
0x204: {  	[spmem:s23] =	stream.indirect.scatter.add.f32 [tilespmem:s2], [sflag:$0x4], $0x80, s4, s22, $0xb8;
	[tilespmem:$0x1D8C0] =	vst v63  }
0x205: {  	_ =	swait.ge [sflag:s5], $0x4000  }
0x206: {  	[sflag:s5] =	ssyncset.done $0x0  }
0x207: {  	s31 =	simm.s32 $0xFFFFC800;
	[sflag:s5] =	ssyncadd.s32 $0xFFFFC000  }
0x208: {  	[tilespmem:s24], [sflag:$0x1] =	stream.indirect.gather [hbm4b:s20+s22], $0x80, s6, s22, $0xb8;
	[tilespmem:$0x1D8C0] =	vst v63  }
.LBB2_31:
0x209: {  	_ =	swait.ge [sflag:s12], $0x4000  }
0x20a: {  	s14 =	sshra.s32 s31, $0x2;
	[sflag:s12] =	ssyncset.done $0x0  }
0x20b: {  	s15 =	sadd.s32 $0x157C0, s14;
	[sflag:s12] =	ssyncadd.s32 $0xFFFFC000  }
0x20c: {  	[spmem:s23] =	stream.indirect.scatter.add.f32 [tilespmem:s24], [sflag:$0x3], $0x80, s15, s22, $0xb8;
	[tilespmem:$0x1D8C0] =	vst v63  }
0x20d: {  	_ =	swait.ge [sflag:s7], $0x4000  }
0x20e: {  	[sflag:s7] =	ssyncset.done $0x0  }
0x20f: {  	s15 =	sadd.s32 $0x14840, s14;
	[sflag:s7] =	ssyncadd.s32 $0xFFFFC000  }
0x210: {  	[tilespmem:s2], [sflag:$0x2] =	stream.indirect.gather [hbm4b:s20+s22], $0x80, s15, s22, $0xb8;
	[tilespmem:$0x1D8C0] =	vst v63  }
0x211: {  	_ =	swait.ge [sflag:s3], $0x4000  }
0x212: {  	p2 =	seq.s32 s31, $0x0;
	[sflag:s3] =	ssyncset.done $0x0  }
.Ltmp21:
0x213: {  	s15 =	sadd.s32 $0x15840, s14;
	[sflag:s3] =	ssyncadd.s32 $0xFFFFC000;
	(pc) =	sbr.rel @p2 .LBB2_33-.Ltmp21, $4  }
0x214: {  	[spmem:s23] =	stream.indirect.scatter.add.f32 [tilespmem:s2], [sflag:$0x4], $0x80, s15, s22, $0xb8;
	[tilespmem:$0x1D8C0] =	vst v63  }
0x215: {  	_ =	swait.ge [sflag:s5], $0x4000  }
0x216: {  	[sflag:s5] =	ssyncset.done $0x0  }
0x217: {  	[sflag:s5] =	ssyncadd.s32 $0xFFFFC000  }
.Ltmp22:
0x218: {  	(pc) =	sbr.rel .LBB2_31-.Ltmp22, $3  }
0x219: {  	_ =	sdelay $0x1  }
0x21a: {  	s14 =	sadd.s32 $0x148C0, s14;
	s31 =	sadd.s32 $0x400, s31  }
0x21b: {  	[tilespmem:s24], [sflag:$0x1] =	stream.indirect.gather [hbm4b:s20+s22], $0x80, s14, s22, $0xb8;
	[tilespmem:$0x1D8C0] =	vst v63  }
.LBB2_17:
0x21c: {  	_ =	swait.ge [sflag:s7], $0x4000  }
0x21d: {  	[sflag:s7] =	ssyncset.done $0x0  }
0x21e: {  	[sflag:s7] =	ssyncadd.s32 $0xFFFFC000  }
0x21f: {  	[bflag:$0x0] =	sbarrier.arrive $0xFFFF  }
0x220: {  	s14 =	rddreg [dreg:$0x13]  }
0x221: {  	[hbm:s14], [sflag:s26] =	dma.local [spmem:s30], $0x800  }
0x222: {  	_ =	swait.ge [sflag:s17], $0x800  }
0x223: {  	[sflag:s17] =	ssyncset.done $0x0  }
0x224: {  	s15 =	rddreg [dreg:$0x14];
	[sflag:s17] =	ssyncadd.s32 $0xFFFFF800  }
0x225: {  	[hbm:s15], [sflag:s26] =	dma.local [spmem:s28], $0x800  }
0x226: {  	_ =	swait.ge [sflag:s17], $0x800  }
0x227: {  	[sflag:s17] =	ssyncset.done $0x0  }
0x228: {  	s30 =	rddreg [dreg:$0x15];
	[sflag:s17] =	ssyncadd.s32 $0xFFFFF800  }
0x229: {  	[hbm:s30], [sflag:s26] =	dma.local [spmem:s11], $0x800  }
0x22a: {  	_ =	swait.ge [sflag:s17], $0x800  }
0x22b: {  	[sflag:s17] =	ssyncset.done $0x0  }
0x22c: {  	s31 =	rddreg [dreg:$0x16];
	[sflag:s17] =	ssyncadd.s32 $0xFFFFF800  }
0x22d: {  	[hbm:s31], [sflag:s26] =	dma.local [spmem:s10], $0x800  }
0x22e: {  	_ =	swait.ge [sflag:s17], $0x800  }
0x22f: {  	[sflag:s17] =	ssyncset.done $0x0  }
0x230: {  	s10 =	rddreg [dreg:$0x1d];
	[sflag:s17] =	ssyncadd.s32 $0xFFFFF800  }
0x231: {  	[hbm:s10], [sflag:s26] =	dma.local @p1 [spmem:s9], $0x80  }
0x232: {  	s9 =	simm.s32 @p1 $0x5  }
0x233: {  	_ =	swait.ge @p1 [sflag:s9], $0x80  }
0x234: {  	[sflag:s9] =	ssyncset.done @p1 $0x0  }
0x235: {  	[sflag:s9] =	ssyncadd.s32 @p1 $0xFFFFFF80;
	s9 =	rddreg [dreg:$0x17]  }
0x236: {  	[hbm:s9], [sflag:s26] =	dma.local @!p1 [spmem:s29], $0x780  }
.Ltmp23:
0x237: {  	_ = 	snop;
	(pc) =	sbr.rel .LBB2_34-.Ltmp23, $4  }
0x238: {  	s9 =	simm.s32 @!p1 $0x5  }
0x239: {  	_ =	swait.ge @!p1 [sflag:s9], $0x780  }
0x23a: {  	[sflag:s9] =	ssyncset.done @!p1 $0x0  }
0x23b: {  	[sflag:s9] =	ssyncadd.s32 @!p1 $0xFFFFF880  }
.LBB2_35:
0x23c: {  	_ =	sfence.sel $0x180000  }
0x23d: {  	[bflag:$0x0] =	sbarrier.arrive $0xFFFF  }
0x23e: {  	_ =	strace $0x9000004A  }
0x23f: {  	s0 =	stileid.u32;
	[bflag:$0x2] =	sbarrier.arrive $0xFFFF  }
0x240: {  	p0 =	sne.s32 s0, $0x0;
	s0 =	rddreg [dreg:$0x3]  }
0x241: {  	s0 =	sadd.s32 @!p0 $0x100000, s0  }
0x242: {  	[sflag:s0] =	ssyncadd.tile.s32 @!p0 $0x1;
	_ =	shalt  }
.Lfunc_end2:
_tile_overlayer_lowered:
.L_overlay_start_2:
0x243: {  	(tag) =	ssettag $0x2  }
0x244: {  	s0 =	rddreg [dreg:$0x0];
	s2 =	stileid.u32  }
0x245: {  	s1 =	rddreg [dreg:$0x1];
	p0 =	sne.s32 s2, $0x0  }
0x246: {  	s3 =	rddreg [dreg:$0x2];
	[bflag:$0x3] =	sbarrier.arrive $0xFFFF;
	s2 =	simm.s32 @!p0 $0x1C05  }
0x247: {  	[timem:s3], [sflag:s2] =	dma.local @!p0 [hbm:s0], s1  }
0x248: {  	s0 =	simm.s32 @!p0 $0x5  }
0x249: {  	_ =	swait.ge @!p0 [sflag:s0], s1  }
0x24a: {  	s1 =	ssub.s32 @!p0 $0x0, s1;
	[sflag:s0] =	ssyncset.done @!p0 $0x0  }
0x24b: {  	[sflag:s0] =	ssyncadd.s32 @!p0 s1  }
0x24c: {  	[bflag:$0x3] =	sbarrier.arrive $0xFFFF  }
0x24d: {  	_ =	shalt  }

</sc_bundles>
